<compile_context>
chip_gen: v7x
topology: tpu7x:2x2x1
jax: 0.10.2.dev20260603
libtpu: 0.0.44.dev20260713+nightly
codegen_flags: <defaults>
</compile_context>

<pallas_src>
import functools

import jax
import jax.numpy as jnp
from jax import lax
from jax.experimental import pallas as pl
from jax.experimental.pallas import tpu as pltpu
from jax.experimental.pallas import tpu_sc as plsc

N = 10000
E = 160000
H1 = 256

_NC = 2
_NS = 16
_NW = _NC * _NS

_C = 2
_EC = E // _C

f32 = jnp.float32


def _tc_nodes(x, W, b):
    def body(x_ref, w_ref, b_ref, o_ref):
        o_ref[...] = jnp.dot(x_ref[...], w_ref[...],
                             preferred_element_type=f32) + b_ref[...]

    return pl.pallas_call(
        body,
        grid=(10,),
        in_specs=[
            pl.BlockSpec((1000, 128), lambda i: (i, 0)),
            pl.BlockSpec((128, 128), lambda i: (0, 0)),
            pl.BlockSpec((1, 128), lambda i: (0, 0)),
        ],
        out_specs=pl.BlockSpec((1000, 128), lambda i: (i, 0)),
        out_shape=jax.ShapeDtypeStruct((N, 128), f32),
    )(x, W, b)


_G_CH = 128


def _sc_gather(table, idx, e0):
    per_w = _EC // _NS
    nfull = per_w // _G_CH
    npair = (nfull // 2) * 2
    tail = per_w - nfull * _G_CH
    mesh = plsc.VectorSubcoreMesh(core_axis_name="c", subcore_axis_name="s")

    @functools.partial(
        pl.kernel,
        out_type=jax.ShapeDtypeStruct((2 * _EC, 128), f32),
        mesh=mesh,
        scratch_types=[
            pltpu.VMEM((per_w,), jnp.int32),
            pltpu.VMEM((_G_CH, 128), f32),
            pltpu.VMEM((_G_CH, 128), f32),
            pltpu.SemaphoreType.DMA,
            pltpu.SemaphoreType.DMA,
        ],
    )
    def k(table_hbm, idx_hbm, out_hbm, idx_v, rows0, rows1, sem0, sem1):
        half = lax.axis_index("c")
        s = lax.axis_index("s")
        ibase = half * E + e0 + s * per_w
        obase = half * _EC + s * per_w
        pltpu.sync_copy(idx_hbm.at[pl.ds(ibase, per_w)], idx_v)

        rows = (rows0, rows1)
        sems = (sem0, sem1)

        def start(jj, b):
            pltpu.async_copy(
                table_hbm.at[idx_v.at[pl.ds(jj * _G_CH, _G_CH)]],
                rows[b], sems[b])

        def finish(b):
            pltpu.make_async_copy(
                table_hbm.at[idx_v.at[pl.ds(0, _G_CH)]],
                rows[b], sems[b]).wait()

        def store(jj, b):
            pltpu.sync_copy(rows[b],
                            out_hbm.at[pl.ds(obase + jj * _G_CH, _G_CH)])

        start(0, 0)

        @pl.loop(0, npair, step=2)
        def _(j):
            finish(0)
            start(j + 1, 1)
            store(j, 0)
            finish(1)

            @pl.when(j + 2 < nfull)
            def _():
                start(j + 2, 0)

            store(j + 1, 1)

        if nfull > npair:
            finish(0)
            store(nfull - 1, 0)

        if tail:
            pltpu.async_copy(
                table_hbm.at[idx_v.at[pl.ds(nfull * _G_CH, tail)]],
                rows1.at[pl.ds(0, tail)], sem1).wait()
            pltpu.sync_copy(rows1.at[pl.ds(0, tail)],
                            out_hbm.at[pl.ds(obase + nfull * _G_CH, tail)])

    return k(table, idx)


_BE = 2000


def _tc_edge(sr, ea, W_ee, b_ee, We1e, Ws, Wr, We2, be1, be2, c0):
    def body(snt_ref, rcv_ref, ea_ref, wee_ref, bee_ref, we1e_ref, ws_ref,
             wr_ref, we2_ref, be1_ref, be2_ref, o_ref):
        el = jnp.dot(ea_ref[...], wee_ref[...],
                     preferred_element_type=f32) + bee_ref[...]
        h = jnp.dot(el, we1e_ref[...], preferred_element_type=f32)
        h = h + jnp.dot(snt_ref[...], ws_ref[...], preferred_element_type=f32)
        h = h + jnp.dot(rcv_ref[...], wr_ref[...], preferred_element_type=f32)
        h = jnp.maximum(h + be1_ref[...], 0.0)
        o_ref[...] = jnp.dot(h, we2_ref[...],
                             preferred_element_type=f32) + be2_ref[...]

    nblk = _EC // _BE
    eoff = c0 // _BE
    return pl.pallas_call(
        body,
        grid=(nblk,),
        in_specs=[
            pl.BlockSpec((_BE, 128), lambda i: (i, 0)),
            pl.BlockSpec((_BE, 128), lambda i: (i + nblk, 0)),
            pl.BlockSpec((_BE, 16), lambda i: (i + eoff, 0)),
            pl.BlockSpec((16, 128), lambda i: (0, 0)),
            pl.BlockSpec((1, 128), lambda i: (0, 0)),
            pl.BlockSpec((128, 256), lambda i: (0, 0)),
            pl.BlockSpec((128, 256), lambda i: (0, 0)),
            pl.BlockSpec((128, 256), lambda i: (0, 0)),
            pl.BlockSpec((256, 128), lambda i: (0, 0)),
            pl.BlockSpec((1, 256), lambda i: (0, 0)),
            pl.BlockSpec((1, 128), lambda i: (0, 0)),
        ],
        out_specs=pl.BlockSpec((_BE, 128), lambda i: (i, 0)),
        out_shape=jax.ShapeDtypeStruct((_EC, 128), f32),
    )(sr, sr, ea, W_ee, b_ee, We1e, Ws, Wr, We2, be1, be2)


_S_CH = 64
_S_OCH = 200
_S_ONCH = N // _S_OCH
_S_ZCH = 40
_S_ZNCH = N // _S_ZCH


def _sc_scatter(en, sr_idx, e0):
    per_t = _EC // _NS
    nfull = per_t // _S_CH
    npair = (nfull // 2) * 2
    tail = per_t - nfull * _S_CH
    mesh = plsc.VectorSubcoreMesh(core_axis_name="c", subcore_axis_name="s")

    @functools.partial(
        pl.kernel,
        out_type=jax.ShapeDtypeStruct((2, N, 128), f32),
        mesh=mesh,
        scratch_types=[
            pltpu.VMEM_SHARED((N, 128), f32),
            pltpu.VMEM((_S_CH, 128), f32),
            pltpu.VMEM((_S_CH, 128), f32),
            pltpu.VMEM((per_t,), jnp.int32),
            pltpu.VMEM((_S_CH,), jnp.int32),
            pltpu.VMEM((_S_CH,), jnp.int32),
            pltpu.VMEM((max(tail, 1),), jnp.int32),
            pltpu.SemaphoreType.DMA,
            pltpu.SemaphoreType.DMA,
        ],
    )
    def k(en_hbm, sr_hbm, out_hbm, acc_sh, rows0, rows1, slab_v,
          idx0, idx1, idxt_v, sem0, sem1):
        c = lax.axis_index("c")
        s = lax.axis_index("s")

        @pl.loop(0, _S_ZCH)
        def _(i):
            for jj in range(8):
                rows0[i, pl.ds(jj * 16, 16)] = jnp.zeros((16,), f32)

        nzch = jnp.where(s < _S_ZNCH - (_S_ZNCH // _NS) * _NS,
                         _S_ZNCH // _NS + 1, _S_ZNCH // _NS)

        @pl.loop(0, nzch)
        def _(t):
            ch = s + t * _NS
            pltpu.sync_copy(rows0.at[pl.ds(0, _S_ZCH)],
                            acc_sh.at[pl.ds(ch * _S_ZCH, _S_ZCH)])

        plsc.subcore_barrier()

        ebase = s * per_t
        pltpu.sync_copy(sr_hbm.at[pl.ds(c * E + e0 + ebase, per_t)], slab_v)

        rows = (rows0, rows1)
        idxc = (idx0, idx1)
        sems = (sem0, sem1)

        def load(jj, b):
            pltpu.async_copy(en_hbm.at[pl.ds(ebase + jj * _S_CH, _S_CH)],
                             rows[b], sems[b])

        def loaded(b):
            pltpu.make_async_copy(en_hbm.at[pl.ds(ebase, _S_CH)],
                                  rows[b], sems[b]).wait()

        def scat(jj, b):
            for v in range(_S_CH // 16):
                idxc[b][pl.ds(v * 16, 16)] = (
                    slab_v[pl.ds(jj * _S_CH + v * 16, 16)])
            pltpu.sync_copy(rows[b], acc_sh.at[idxc[b]], add=True)

        load(0, 0)

        @pl.loop(0, npair, step=2)
        def _(j):
            loaded(0)
            load(j + 1, 1)
            scat(j, 0)
            loaded(1)

            @pl.when(j + 2 < nfull)
            def _():
                load(j + 2, 0)

            scat(j + 1, 1)

        if nfull > npair:
            loaded(0)
            scat(nfull - 1, 0)

        if tail:
            toff = ebase + nfull * _S_CH
            pltpu.sync_copy(en_hbm.at[pl.ds(toff, tail)],
                            rows1.at[pl.ds(0, tail)])
            pltpu.sync_copy(sr_hbm.at[pl.ds(c * E + e0 + toff, tail)], idxt_v)
            pltpu.sync_copy(rows1.at[pl.ds(0, tail)], acc_sh.at[idxt_v],
                            add=True)

        plsc.subcore_barrier()

        noch = jnp.where(s < _S_ONCH - (_S_ONCH // _NS) * _NS,
                         _S_ONCH // _NS + 1, _S_ONCH // _NS)

        @pl.loop(0, noch)
        def _(t):
            rr = (s + t * _NS) * _S_OCH
            pltpu.sync_copy(acc_sh.at[pl.ds(rr, _S_OCH)],
                            out_hbm.at[c, pl.ds(rr, _S_OCH)])

    return k(en, sr_idx)


_BN = 1000


def _tc_node_global(nodes, sents, recvs, Wn1n, Wn1s, Wn1r, bn1, Wn2, bn2,
                    Wg1n, Wg1e, bg1, Wg2, bg2, wg3row, bg3):
    G = N // _BN
    nagg = len(sents)

    def body(nd, *rest):
        agg_refs = rest[:2 * nagg]
        (wn1n, wn1s, wn1r, bn1r, wn2, bn2r, wg1n, wg1e, bg1r, wg2, bg2r,
         wg3r, bg3r, o_ref, acc_n, acc_e) = rest[2 * nagg:]
        i = pl.program_id(0)

        @pl.when(i == 0)
        def _():
            acc_n[...] = jnp.zeros_like(acc_n)
            acc_e[...] = jnp.zeros_like(acc_e)

        sa = agg_refs[0][...]
        ra = agg_refs[nagg][...]
        for t in range(1, nagg):
            sa = sa + agg_refs[t][...]
            ra = ra + agg_refs[nagg + t][...]

        h = jnp.dot(nd[...], wn1n[...], preferred_element_type=f32)
        h = h + jnp.dot(sa, wn1s[...], preferred_element_type=f32)
        h = h + jnp.dot(ra, wn1r[...], preferred_element_type=f32)
        h = jnp.maximum(h + bn1r[...], 0.0)
        nn = jnp.dot(h, wn2[...], preferred_element_type=f32) + bn2r[...]
        acc_n[...] += nn.reshape(_BN // 8, 8, 128).sum(0)
        acc_e[...] += sa.reshape(_BN // 8, 8, 128).sum(0)

        @pl.when(i == G - 1)
        def _():
            na = jnp.sum(acc_n[...], axis=0, keepdims=True)
            eg = jnp.sum(acc_e[...], axis=0, keepdims=True)
            hg = jnp.dot(na, wg1n[...], preferred_element_type=f32)
            hg = hg + jnp.dot(eg, wg1e[...], preferred_element_type=f32)
            hg = jnp.maximum(hg + bg1r[...], 0.0)
            hg2 = jnp.maximum(
                jnp.dot(hg, wg2[...], preferred_element_type=f32) + bg2r[...],
                0.0)
            o_ref[...] = (jnp.sum(hg2 * wg3r[...], axis=1, keepdims=True)
                          + bg3r[...])

    blk = pl.BlockSpec((_BN, 128), lambda i: (i, 0))
    wfull = lambda a, b: pl.BlockSpec((a, b), lambda i: (0, 0))

    return pl.pallas_call(
        body,
        grid=(G,),
        in_specs=([blk] * (1 + 2 * nagg) + [
            wfull(128, 256), wfull(128, 256), wfull(128, 256),
            wfull(1, 256), wfull(256, 128), wfull(1, 128),
            wfull(128, 256), wfull(128, 256), wfull(1, 256),
            wfull(256, 128), wfull(1, 128), wfull(1, 128), wfull(1, 1),
        ]),
        out_specs=pl.BlockSpec((1, 1), lambda i: (0, 0)),
        out_shape=jax.ShapeDtypeStruct((1, 1), f32),
        scratch_shapes=[pltpu.VMEM((8, 128), f32), pltpu.VMEM((8, 128), f32)],
    )(nodes, *sents, *recvs, Wn1n, Wn1s, Wn1r, bn1, Wn2, bn2,
      Wg1n, Wg1e, bg1, Wg2, bg2, wg3row, bg3)


def kernel(x, edge_attr, senders, receivers, W_en, b_en, W_ee, b_ee,
           We1, be1, We2, be2, Wn1, bn1, Wn2, bn2,
           Wg1, bg1, Wg2, bg2, Wg3, bg3):
    nodes = _tc_nodes(x, W_en, b_en.reshape(1, 128))

    sr_idx = jnp.concatenate([senders, receivers])

    sents, recvs = [], []
    for k in range(_C):
        e0 = k * _EC
        sr_k = _sc_gather(nodes, sr_idx, e0)
        en_k = _tc_edge(sr_k, edge_attr, W_ee, b_ee.reshape(1, 128),
                        We1[:128], We1[128:256], We1[256:384], We2,
                        be1.reshape(1, H1), be2.reshape(1, 128), e0)
        aggs_k = _sc_scatter(en_k, sr_idx, e0)
        sents.append(aggs_k[0])
        recvs.append(aggs_k[1])

    return _tc_node_global(
        nodes, sents, recvs,
        Wn1[:128], Wn1[128:256], Wn1[256:384], bn1.reshape(1, H1),
        Wn2, bn2.reshape(1, 128),
        Wg1[:128], Wg1[128:256], bg1.reshape(1, H1),
        Wg2, bg2.reshape(1, 128), Wg3.reshape(1, 128), bg3.reshape(1, 1))

# --- scband reference (transcript-rebuilt; emitter-appended) ---
"""Pipeline reference for scband-gnn-31284541784354 (READ-ONLY COPY).

The authoritative reference and input builder live on the scoring server;
editing this copy changes nothing except your own understanding.
"""

import jax, jax.numpy as jnp
import numpy as np

N = 10000
E = 160000
D_FEAT = 128
D_EDGE = 16
LATENT = 128
H1 = 256
H2 = 128
NOUT = 1
EDGE_IN = 3 * LATENT + NOUT   # edges, sent nodes, recv nodes, globals
NODE_IN = 3 * LATENT + NOUT   # nodes, sent-agg edges, recv-agg edges, globals
GLOB_IN = 2 * LATENT + NOUT   # agg nodes, agg edges, globals


def setup_inputs(seed: int = 0) -> dict:
    key = jax.random.key(seed)
    ks = jax.random.split(key, 32)

    def rn(k, shape):
        return jax.random.normal(k, shape, dtype=jnp.float32) * 0.05

    inp = {
        "x": jax.random.normal(ks[0], (N, D_FEAT), dtype=jnp.float32),
        "edge_attr": jax.random.normal(ks[1], (E, D_EDGE), dtype=jnp.float32),
        "senders": jax.random.randint(ks[2], (E,), 0, N, dtype=jnp.int32),
        "receivers": jax.random.randint(ks[3], (E,), 0, N, dtype=jnp.int32),
        # node / edge embedders (Dense -> latent)
        "W_en": rn(ks[4], (D_FEAT, LATENT)), "b_en": jnp.zeros((LATENT,), jnp.float32),
        "W_ee": rn(ks[5], (D_EDGE, LATENT)), "b_ee": jnp.zeros((LATENT,), jnp.float32),
        # edge update MLP
        "We1": rn(ks[6], (EDGE_IN, H1)), "be1": jnp.zeros((H1,), jnp.float32),
        "We2": rn(ks[7], (H1, H2)), "be2": jnp.zeros((H2,), jnp.float32),
        # node update MLP
        "Wn1": rn(ks[8], (NODE_IN, H1)), "bn1": jnp.zeros((H1,), jnp.float32),
        "Wn2": rn(ks[9], (H1, H2)), "bn2": jnp.zeros((H2,), jnp.float32),
        # global update MLP (hidden_dims + (num_outputs,))
        "Wg1": rn(ks[10], (GLOB_IN, H1)), "bg1": jnp.zeros((H1,), jnp.float32),
        "Wg2": rn(ks[11], (H1, H2)), "bg2": jnp.zeros((H2,), jnp.float32),
        "Wg3": rn(ks[12], (H2, NOUT)), "bg3": jnp.zeros((NOUT,), jnp.float32),
    }
    return inp


def _mlp2(h, W1, b1, W2, b2):
    h = jax.nn.relu(h @ W1 + b1)
    return h @ W2 + b2


def _mlp3(h, W1, b1, W2, b2, W3, b3):
    h = jax.nn.relu(h @ W1 + b1)
    h = jax.nn.relu(h @ W2 + b2)
    return h @ W3 + b3


def reference(x, edge_attr, senders, receivers,
              W_en, b_en, W_ee, b_ee,
              We1, be1, We2, be2,
              Wn1, bn1, Wn2, bn2,
              Wg1, bg1, Wg2, bg2, Wg3, bg3):
    # graph = graph._replace(globals=zeros([n_graphs, num_outputs])), n_graphs = 1
    g = jnp.zeros((1, NOUT), dtype=jnp.float32)

    # GraphMapFeatures: embed nodes and edges with Dense(latent_dim)
    nodes = x @ W_en + b_en            # [N, LATENT]
    edges = edge_attr @ W_ee + b_ee    # [E, LATENT]

    # ---- jraph.GraphNetwork ----
    # edge update: concat(edges, sent node feats, recv node feats, globals)
    sent_nodes = jnp.take(nodes, senders, axis=0)
    recv_nodes = jnp.take(nodes, receivers, axis=0)
    g_edges = jnp.broadcast_to(g, (E, NOUT))
    e_in = jnp.concatenate([edges, sent_nodes, recv_nodes, g_edges], axis=-1)
    edges_new = _mlp2(e_in, We1, be1, We2, be2)  # [E, H2]

    # node update: concat(nodes, sum of sent edges, sum of received edges, globals)
    sent_agg = jax.ops.segment_sum(edges_new, senders, num_segments=N)
    recv_agg = jax.ops.segment_sum(edges_new, receivers, num_segments=N)
    g_nodes = jnp.broadcast_to(g, (N, NOUT))
    n_in = jnp.concatenate([nodes, sent_agg, recv_agg, g_nodes], axis=-1)
    nodes_new = _mlp2(n_in, Wn1, bn1, Wn2, bn2)  # [N, H2]

    # global update: concat(agg nodes, agg edges, globals) — single graph sums
    node_agg = jnp.sum(nodes_new, axis=0, keepdims=True)  # [1, H2]
    edge_agg = jnp.sum(edges_new, axis=0, keepdims=True)  # [1, H2]
    g_in = jnp.concatenate([node_agg, edge_agg, g], axis=-1)
    globals_new = _mlp3(g_in, Wg1, bg1, Wg2, bg2, Wg3, bg3)  # [1, NOUT]

    return globals_new

if __name__ == "__main__":
    import jax
    _d = setup_inputs()
    print(jax.jit(kernel)(*tuple(_d.values())))

</pallas_src>

<mosaic_0001>
#map = affine_map<(d0, d1) -> (0, 0)>
#map1 = affine_map<(d0, d1) -> (0)>
module attributes {stable_mosaic.version = 14 : i64} {
  func.func @k(%arg0: i32, %arg1: i32, %arg2: memref<10000x128xf32, #tpu.memory_space<hbm>>, %arg3: memref<320000xi32, #tpu.memory_space<hbm>>, %arg4: memref<160000x128xf32, #tpu.memory_space<hbm>>, %arg5: memref<5000xi32, #tpu.memory_space<vmem>>, %arg6: memref<128x128xf32, #tpu.memory_space<vmem>>, %arg7: memref<128x128xf32, #tpu.memory_space<vmem>>, %arg8: memref<!tpu.dma_semaphore, #tpu.memory_space<semaphore_mem>>, %arg9: memref<!tpu.dma_semaphore, #tpu.memory_space<semaphore_mem>>) attributes {dimension_semantics = [#tpu.dimension_semantics<core_parallel>, #tpu.dimension_semantics<subcore_parallel>], iteration_bounds = array<i64: 2, 16>, scalar_prefetch = 0 : i64, scratch_operands = 5 : i64, tpu.core_type = #tpu.core_type<sc_vector_subcore>, window_params = [{transform_indices = #map}, {transform_indices = #map1}, {transform_indices = #map}]} {
    %mul3A = arith.constant 160000 : i32
    %mul3A_0 = arith.muli %arg0, %mul3A : i32
    %add3A = arith.constant 0 : i32
    %add3A_1 = arith.addi %mul3A_0, %add3A : i32
    %mul3A_2 = arith.constant 5000 : i32
    %mul3A_3 = arith.muli %arg1, %mul3A_2 : i32
    %add3A_4 = arith.addi %add3A_1, %mul3A_3 : i32
    %mul3A_5 = arith.constant 80000 : i32
    %mul3A_6 = arith.muli %arg0, %mul3A_5 : i32
    %mul3A_7 = arith.constant 5000 : i32
    %mul3A_8 = arith.muli %arg1, %mul3A_7 : i32
    %add3A_9 = arith.addi %mul3A_6, %mul3A_8 : i32
    "tpu.region"() ({
      %run_scoped3A = tpu.sem_alloc : memref<!tpu.dma_semaphore, #tpu.memory_space<semaphore_mem>>
      %dma_start3A_42 = tpu.memref_slice %arg3[%add3A_4] : memref<320000xi32, #tpu.memory_space<hbm>> -> memref<5000xi32, #tpu.memory_space<hbm>>
      %dma_start3A_43 = tpu.memref_slice %arg3[%add3A_4] : memref<320000xi32, #tpu.memory_space<hbm>> -> memref<5000xi32, #tpu.memory_space<hbm>>
      tpu.enqueue_dma source(%dma_start3A_43 : memref<5000xi32, #tpu.memory_space<hbm>>) target(%arg5 : memref<5000xi32, #tpu.memory_space<vmem>>) target_semaphore(%run_scoped3A : memref<!tpu.dma_semaphore, #tpu.memory_space<semaphore_mem>>)
      %dma_wait3A_44 = tpu.memref_slice %arg3[%add3A_4] : memref<320000xi32, #tpu.memory_space<hbm>> -> memref<5000xi32, #tpu.memory_space<hbm>>
      %dma_wait3A_45 = tpu.memref_slice %arg3[%add3A_4] : memref<320000xi32, #tpu.memory_space<hbm>> -> memref<5000xi32, #tpu.memory_space<hbm>>
      tpu.wait_dma2 semaphore(%run_scoped3A : memref<!tpu.dma_semaphore, #tpu.memory_space<semaphore_mem>>) src(%dma_wait3A_45 : memref<5000xi32, #tpu.memory_space<hbm>>) dst(%arg5 : memref<5000xi32, #tpu.memory_space<vmem>>)
      tpu.yield
    }) : () -> ()
    %dma_start3A = arith.constant 0 : i32
    %dma_start3A_10 = tpu.memref_slice %arg5[%dma_start3A] : memref<5000xi32, #tpu.memory_space<vmem>> -> memref<128xi32, #tpu.memory_space<vmem>>
    %dma_start3A_11 = arith.constant 0 : i32
    %dma_start3A_12 = arith.constant 0 : i32
    %dma_start3A_13 = tpu.memref_slice %arg2[%dma_start3A_11, %dma_start3A_12] : memref<10000x128xf32, #tpu.memory_space<hbm>> -> memref<10000x128xf32, #tpu.memory_space<hbm>>
    tpu.enqueue_indirect_dma source(%dma_start3A_13 : memref<10000x128xf32, #tpu.memory_space<hbm>>) target(%arg6 : memref<128x128xf32, #tpu.memory_space<vmem>>) offsets(%dma_start3A_10 : memref<128xi32, #tpu.memory_space<vmem>>) semaphore(%arg8 : memref<!tpu.dma_semaphore, #tpu.memory_space<semaphore_mem>>)
    %scan3A = arith.constant 0 : i32
    %scan3A_14 = arith.constant 19 : i32
    %scan3A_15 = arith.addi %scan3A, %scan3A_14 : i32
    %scan3A_16 = arith.constant 1 : i32
    scf.for %scan3A_42 = %scan3A to %scan3A_15 step %scan3A_16  : i32 {
      %mul3A_43 = arith.constant 2 : i32
      %mul3A_44 = arith.muli %scan3A_42, %mul3A_43 : i32
      %add3A_45 = arith.constant 0 : i32
      %add3A_46 = arith.addi %add3A_45, %mul3A_44 : i32
      %dma_wait3A_47 = arith.constant 0 : i32
      %dma_wait3A_48 = tpu.memref_slice %arg5[%dma_wait3A_47] : memref<5000xi32, #tpu.memory_space<vmem>> -> memref<128xi32, #tpu.memory_space<vmem>>
      %dma_wait3A_49 = arith.constant 0 : i32
      %dma_wait3A_50 = arith.constant 0 : i32
      %dma_wait3A_51 = tpu.memref_slice %arg2[%dma_wait3A_49, %dma_wait3A_50] : memref<10000x128xf32, #tpu.memory_space<hbm>> -> memref<10000x128xf32, #tpu.memory_space<hbm>>
      tpu.wait_indirect_dma semaphore(%arg8 : memref<!tpu.dma_semaphore, #tpu.memory_space<semaphore_mem>>) src(%dma_wait3A_51 : memref<10000x128xf32, #tpu.memory_space<hbm>>) dst(%arg6 : memref<128x128xf32, #tpu.memory_space<vmem>>)
      %add3A_52 = arith.constant 1 : i32
      %add3A_53 = arith.addi %add3A_46, %add3A_52 : i32
      %mul3A_54 = arith.constant 128 : i32
      %mul3A_55 = arith.muli %add3A_53, %mul3A_54 : i32
      %dma_start3A_56 = tpu.memref_slice %arg5[%mul3A_55] : memref<5000xi32, #tpu.memory_space<vmem>> -> memref<128xi32, #tpu.memory_space<vmem>>
      %dma_start3A_57 = arith.constant 0 : i32
      %dma_start3A_58 = arith.constant 0 : i32
      %dma_start3A_59 = tpu.memref_slice %arg2[%dma_start3A_57, %dma_start3A_58] : memref<10000x128xf32, #tpu.memory_space<hbm>> -> memref<10000x128xf32, #tpu.memory_space<hbm>>
      tpu.enqueue_indirect_dma source(%dma_start3A_59 : memref<10000x128xf32, #tpu.memory_space<hbm>>) target(%arg7 : memref<128x128xf32, #tpu.memory_space<vmem>>) offsets(%dma_start3A_56 : memref<128xi32, #tpu.memory_space<vmem>>) semaphore(%arg9 : memref<!tpu.dma_semaphore, #tpu.memory_space<semaphore_mem>>)
      %mul3A_60 = arith.constant 128 : i32
      %mul3A_61 = arith.muli %add3A_46, %mul3A_60 : i32
      %add3A_62 = arith.addi %add3A_9, %mul3A_61 : i32
      "tpu.region"() ({
        %run_scoped3A = tpu.sem_alloc : memref<!tpu.dma_semaphore, #tpu.memory_space<semaphore_mem>>
        %dma_start3A_77 = arith.constant 0 : i32
        %dma_start3A_78 = tpu.memref_slice %arg4[%add3A_62, %dma_start3A_77] : memref<160000x128xf32, #tpu.memory_space<hbm>> -> memref<128x128xf32, #tpu.memory_space<hbm>>
        %dma_start3A_79 = arith.constant 0 : i32
        %dma_start3A_80 = tpu.memref_slice %arg4[%add3A_62, %dma_start3A_79] : memref<160000x128xf32, #tpu.memory_space<hbm>> -> memref<128x128xf32, #tpu.memory_space<hbm>>
        tpu.enqueue_dma source(%arg6 : memref<128x128xf32, #tpu.memory_space<vmem>>) target(%dma_start3A_80 : memref<128x128xf32, #tpu.memory_space<hbm>>) target_semaphore(%run_scoped3A : memref<!tpu.dma_semaphore, #tpu.memory_space<semaphore_mem>>)
        %dma_wait3A_81 = arith.constant 0 : i32
        %dma_wait3A_82 = tpu.memref_slice %arg4[%add3A_62, %dma_wait3A_81] : memref<160000x128xf32, #tpu.memory_space<hbm>> -> memref<128x128xf32, #tpu.memory_space<hbm>>
        %dma_wait3A_83 = arith.constant 0 : i32
        %dma_wait3A_84 = tpu.memref_slice %arg4[%add3A_62, %dma_wait3A_83] : memref<160000x128xf32, #tpu.memory_space<hbm>> -> memref<128x128xf32, #tpu.memory_space<hbm>>
        tpu.wait_dma2 semaphore(%run_scoped3A : memref<!tpu.dma_semaphore, #tpu.memory_space<semaphore_mem>>) src(%arg6 : memref<128x128xf32, #tpu.memory_space<vmem>>) dst(%dma_wait3A_84 : memref<128x128xf32, #tpu.memory_space<hbm>>)
        tpu.yield
      }) : () -> ()
      %dma_wait3A_63 = arith.constant 0 : i32
      %dma_wait3A_64 = tpu.memref_slice %arg5[%dma_wait3A_63] : memref<5000xi32, #tpu.memory_space<vmem>> -> memref<128xi32, #tpu.memory_space<vmem>>
      %dma_wait3A_65 = arith.constant 0 : i32
      %dma_wait3A_66 = arith.constant 0 : i32
      %dma_wait3A_67 = tpu.memref_slice %arg2[%dma_wait3A_65, %dma_wait3A_66] : memref<10000x128xf32, #tpu.memory_space<hbm>> -> memref<10000x128xf32, #tpu.memory_space<hbm>>
      tpu.wait_indirect_dma semaphore(%arg9 : memref<!tpu.dma_semaphore, #tpu.memory_space<semaphore_mem>>) src(%dma_wait3A_67 : memref<10000x128xf32, #tpu.memory_space<hbm>>) dst(%arg7 : memref<128x128xf32, #tpu.memory_space<vmem>>)
      %add3A_68 = arith.constant 2 : i32
      %add3A_69 = arith.addi %add3A_46, %add3A_68 : i32
      %lt3A = arith.constant 39 : i32
      %lt3A_70 = arith.cmpi slt, %add3A_69, %lt3A : i32
      %convert_element_type3A = arith.extui %lt3A_70 : i1 to i32
      %cond3A = arith.constant 0 : i32
      %cond3A_71 = arith.cmpi ne, %convert_element_type3A, %cond3A : i32
      scf.if %cond3A_71 {
        %add3A_77 = arith.constant 2 : i32
        %add3A_78 = arith.addi %add3A_46, %add3A_77 : i32
        %mul3A_79 = arith.constant 128 : i32
        %mul3A_80 = arith.muli %add3A_78, %mul3A_79 : i32
        %dma_start3A_81 = tpu.memref_slice %arg5[%mul3A_80] : memref<5000xi32, #tpu.memory_space<vmem>> -> memref<128xi32, #tpu.memory_space<vmem>>
        %dma_start3A_82 = arith.constant 0 : i32
        %dma_start3A_83 = arith.constant 0 : i32
        %dma_start3A_84 = tpu.memref_slice %arg2[%dma_start3A_82, %dma_start3A_83] : memref<10000x128xf32, #tpu.memory_space<hbm>> -> memref<10000x128xf32, #tpu.memory_space<hbm>>
        tpu.enqueue_indirect_dma source(%dma_start3A_84 : memref<10000x128xf32, #tpu.memory_space<hbm>>) target(%arg6 : memref<128x128xf32, #tpu.memory_space<vmem>>) offsets(%dma_start3A_81 : memref<128xi32, #tpu.memory_space<vmem>>) semaphore(%arg8 : memref<!tpu.dma_semaphore, #tpu.memory_space<semaphore_mem>>)
      } else {
      }
      %add3A_72 = arith.constant 1 : i32
      %add3A_73 = arith.addi %add3A_46, %add3A_72 : i32
      %mul3A_74 = arith.constant 128 : i32
      %mul3A_75 = arith.muli %add3A_73, %mul3A_74 : i32
      %add3A_76 = arith.addi %add3A_9, %mul3A_75 : i32
      "tpu.region"() ({
        %run_scoped3A = tpu.sem_alloc : memref<!tpu.dma_semaphore, #tpu.memory_space<semaphore_mem>>
        %dma_start3A_77 = arith.constant 0 : i32
        %dma_start3A_78 = tpu.memref_slice %arg4[%add3A_76, %dma_start3A_77] : memref<160000x128xf32, #tpu.memory_space<hbm>> -> memref<128x128xf32, #tpu.memory_space<hbm>>
        %dma_start3A_79 = arith.constant 0 : i32
        %dma_start3A_80 = tpu.memref_slice %arg4[%add3A_76, %dma_start3A_79] : memref<160000x128xf32, #tpu.memory_space<hbm>> -> memref<128x128xf32, #tpu.memory_space<hbm>>
        tpu.enqueue_dma source(%arg7 : memref<128x128xf32, #tpu.memory_space<vmem>>) target(%dma_start3A_80 : memref<128x128xf32, #tpu.memory_space<hbm>>) target_semaphore(%run_scoped3A : memref<!tpu.dma_semaphore, #tpu.memory_space<semaphore_mem>>)
        %dma_wait3A_81 = arith.constant 0 : i32
        %dma_wait3A_82 = tpu.memref_slice %arg4[%add3A_76, %dma_wait3A_81] : memref<160000x128xf32, #tpu.memory_space<hbm>> -> memref<128x128xf32, #tpu.memory_space<hbm>>
        %dma_wait3A_83 = arith.constant 0 : i32
        %dma_wait3A_84 = tpu.memref_slice %arg4[%add3A_76, %dma_wait3A_83] : memref<160000x128xf32, #tpu.memory_space<hbm>> -> memref<128x128xf32, #tpu.memory_space<hbm>>
        tpu.wait_dma2 semaphore(%run_scoped3A : memref<!tpu.dma_semaphore, #tpu.memory_space<semaphore_mem>>) src(%arg7 : memref<128x128xf32, #tpu.memory_space<vmem>>) dst(%dma_wait3A_84 : memref<128x128xf32, #tpu.memory_space<hbm>>)
        tpu.yield
      }) : () -> ()
    }
    %scan3A_17 = arith.constant 19 : i32
    %dma_wait3A = arith.constant 0 : i32
    %dma_wait3A_18 = tpu.memref_slice %arg5[%dma_wait3A] : memref<5000xi32, #tpu.memory_space<vmem>> -> memref<128xi32, #tpu.memory_space<vmem>>
    %dma_wait3A_19 = arith.constant 0 : i32
    %dma_wait3A_20 = arith.constant 0 : i32
    %dma_wait3A_21 = tpu.memref_slice %arg2[%dma_wait3A_19, %dma_wait3A_20] : memref<10000x128xf32, #tpu.memory_space<hbm>> -> memref<10000x128xf32, #tpu.memory_space<hbm>>
    tpu.wait_indirect_dma semaphore(%arg8 : memref<!tpu.dma_semaphore, #tpu.memory_space<semaphore_mem>>) src(%dma_wait3A_21 : memref<10000x128xf32, #tpu.memory_space<hbm>>) dst(%arg6 : memref<128x128xf32, #tpu.memory_space<vmem>>)
    %add3A_22 = arith.constant 4864 : i32
    %add3A_23 = arith.addi %add3A_9, %add3A_22 : i32
    "tpu.region"() ({
      %run_scoped3A = tpu.sem_alloc : memref<!tpu.dma_semaphore, #tpu.memory_space<semaphore_mem>>
      %dma_start3A_42 = arith.constant 0 : i32
      %dma_start3A_43 = tpu.memref_slice %arg4[%add3A_23, %dma_start3A_42] : memref<160000x128xf32, #tpu.memory_space<hbm>> -> memref<128x128xf32, #tpu.memory_space<hbm>>
      %dma_start3A_44 = arith.constant 0 : i32
      %dma_start3A_45 = tpu.memref_slice %arg4[%add3A_23, %dma_start3A_44] : memref<160000x128xf32, #tpu.memory_space<hbm>> -> memref<128x128xf32, #tpu.memory_space<hbm>>
      tpu.enqueue_dma source(%arg6 : memref<128x128xf32, #tpu.memory_space<vmem>>) target(%dma_start3A_45 : memref<128x128xf32, #tpu.memory_space<hbm>>) target_semaphore(%run_scoped3A : memref<!tpu.dma_semaphore, #tpu.memory_space<semaphore_mem>>)
      %dma_wait3A_46 = arith.constant 0 : i32
      %dma_wait3A_47 = tpu.memref_slice %arg4[%add3A_23, %dma_wait3A_46] : memref<160000x128xf32, #tpu.memory_space<hbm>> -> memref<128x128xf32, #tpu.memory_space<hbm>>
      %dma_wait3A_48 = arith.constant 0 : i32
      %dma_wait3A_49 = tpu.memref_slice %arg4[%add3A_23, %dma_wait3A_48] : memref<160000x128xf32, #tpu.memory_space<hbm>> -> memref<128x128xf32, #tpu.memory_space<hbm>>
      tpu.wait_dma2 semaphore(%run_scoped3A : memref<!tpu.dma_semaphore, #tpu.memory_space<semaphore_mem>>) src(%arg6 : memref<128x128xf32, #tpu.memory_space<vmem>>) dst(%dma_wait3A_49 : memref<128x128xf32, #tpu.memory_space<hbm>>)
      tpu.yield
    }) : () -> ()
    %dma_start3A_24 = arith.constant 0 : i32
    %dma_start3A_25 = arith.constant 0 : i32
    %dma_start3A_26 = tpu.memref_slice %arg7[%dma_start3A_24, %dma_start3A_25] : memref<128x128xf32, #tpu.memory_space<vmem>> -> memref<8x128xf32, #tpu.memory_space<vmem>>
    %dma_start3A_27 = arith.constant 4992 : i32
    %dma_start3A_28 = tpu.memref_slice %arg5[%dma_start3A_27] : memref<5000xi32, #tpu.memory_space<vmem>> -> memref<8xi32, #tpu.memory_space<vmem>>
    %dma_start3A_29 = arith.constant 0 : i32
    %dma_start3A_30 = arith.constant 0 : i32
    %dma_start3A_31 = tpu.memref_slice %arg2[%dma_start3A_29, %dma_start3A_30] : memref<10000x128xf32, #tpu.memory_space<hbm>> -> memref<10000x128xf32, #tpu.memory_space<hbm>>
    tpu.enqueue_indirect_dma source(%dma_start3A_31 : memref<10000x128xf32, #tpu.memory_space<hbm>>) target(%dma_start3A_26 : memref<8x128xf32, #tpu.memory_space<vmem>>) offsets(%dma_start3A_28 : memref<8xi32, #tpu.memory_space<vmem>>) semaphore(%arg9 : memref<!tpu.dma_semaphore, #tpu.memory_space<semaphore_mem>>)
    %dma_wait3A_32 = arith.constant 0 : i32
    %dma_wait3A_33 = arith.constant 0 : i32
    %dma_wait3A_34 = tpu.memref_slice %arg7[%dma_wait3A_32, %dma_wait3A_33] : memref<128x128xf32, #tpu.memory_space<vmem>> -> memref<8x128xf32, #tpu.memory_space<vmem>>
    %dma_wait3A_35 = arith.constant 4992 : i32
    %dma_wait3A_36 = tpu.memref_slice %arg5[%dma_wait3A_35] : memref<5000xi32, #tpu.memory_space<vmem>> -> memref<8xi32, #tpu.memory_space<vmem>>
    %dma_wait3A_37 = arith.constant 0 : i32
    %dma_wait3A_38 = arith.constant 0 : i32
    %dma_wait3A_39 = tpu.memref_slice %arg2[%dma_wait3A_37, %dma_wait3A_38] : memref<10000x128xf32, #tpu.memory_space<hbm>> -> memref<10000x128xf32, #tpu.memory_space<hbm>>
    tpu.wait_indirect_dma semaphore(%arg9 : memref<!tpu.dma_semaphore, #tpu.memory_space<semaphore_mem>>) src(%dma_wait3A_39 : memref<10000x128xf32, #tpu.memory_space<hbm>>) dst(%dma_wait3A_34 : memref<8x128xf32, #tpu.memory_space<vmem>>)
    %add3A_40 = arith.constant 4992 : i32
    %add3A_41 = arith.addi %add3A_9, %add3A_40 : i32
    "tpu.region"() ({
      %run_scoped3A = tpu.sem_alloc : memref<!tpu.dma_semaphore, #tpu.memory_space<semaphore_mem>>
      %dma_start3A_42 = arith.constant 0 : i32
      %dma_start3A_43 = arith.constant 0 : i32
      %dma_start3A_44 = tpu.memref_slice %arg7[%dma_start3A_42, %dma_start3A_43] : memref<128x128xf32, #tpu.memory_space<vmem>> -> memref<8x128xf32, #tpu.memory_space<vmem>>
      %dma_start3A_45 = arith.constant 0 : i32
      %dma_start3A_46 = tpu.memref_slice %arg4[%add3A_41, %dma_start3A_45] : memref<160000x128xf32, #tpu.memory_space<hbm>> -> memref<8x128xf32, #tpu.memory_space<hbm>>
      %dma_start3A_47 = arith.constant 0 : i32
      %dma_start3A_48 = tpu.memref_slice %arg4[%add3A_41, %dma_start3A_47] : memref<160000x128xf32, #tpu.memory_space<hbm>> -> memref<8x128xf32, #tpu.memory_space<hbm>>
      %dma_start3A_49 = arith.constant 0 : i32
      %dma_start3A_50 = arith.constant 0 : i32
      %dma_start3A_51 = tpu.memref_slice %arg7[%dma_start3A_49, %dma_start3A_50] : memref<128x128xf32, #tpu.memory_space<vmem>> -> memref<8x128xf32, #tpu.memory_space<vmem>>
      tpu.enqueue_dma source(%dma_start3A_51 : memref<8x128xf32, #tpu.memory_space<vmem>>) target(%dma_start3A_48 : memref<8x128xf32, #tpu.memory_space<hbm>>) target_semaphore(%run_scoped3A : memref<!tpu.dma_semaphore, #tpu.memory_space<semaphore_mem>>)
      %dma_wait3A_52 = arith.constant 0 : i32
      %dma_wait3A_53 = arith.constant 0 : i32
      %dma_wait3A_54 = tpu.memref_slice %arg7[%dma_wait3A_52, %dma_wait3A_53] : memref<128x128xf32, #tpu.memory_space<vmem>> -> memref<8x128xf32, #tpu.memory_space<vmem>>
      %dma_wait3A_55 = arith.constant 0 : i32
      %dma_wait3A_56 = tpu.memref_slice %arg4[%add3A_41, %dma_wait3A_55] : memref<160000x128xf32, #tpu.memory_space<hbm>> -> memref<8x128xf32, #tpu.memory_space<hbm>>
      %dma_wait3A_57 = arith.constant 0 : i32
      %dma_wait3A_58 = tpu.memref_slice %arg4[%add3A_41, %dma_wait3A_57] : memref<160000x128xf32, #tpu.memory_space<hbm>> -> memref<8x128xf32, #tpu.memory_space<hbm>>
      %dma_wait3A_59 = arith.constant 0 : i32
      %dma_wait3A_60 = arith.constant 0 : i32
      %dma_wait3A_61 = tpu.memref_slice %arg7[%dma_wait3A_59, %dma_wait3A_60] : memref<128x128xf32, #tpu.memory_space<vmem>> -> memref<8x128xf32, #tpu.memory_space<vmem>>
      tpu.wait_dma2 semaphore(%run_scoped3A : memref<!tpu.dma_semaphore, #tpu.memory_space<semaphore_mem>>) src(%dma_wait3A_61 : memref<8x128xf32, #tpu.memory_space<vmem>>) dst(%dma_wait3A_58 : memref<8x128xf32, #tpu.memory_space<hbm>>)
      tpu.yield
    }) : () -> ()
    return
  }
}

#map = affine_map<(d0, d1) -> (0, 0)>
#map1 = affine_map<(d0, d1) -> (0)>
#map2 = affine_map<(d0, d1) -> (0, 0, 0)>
module attributes {stable_mosaic.version = 14 : i64} {
  func.func @k(%arg0: i32, %arg1: i32, %arg2: memref<80000x128xf32, #tpu.memory_space<hbm>>, %arg3: memref<320000xi32, #tpu.memory_space<hbm>>, %arg4: memref<2x10000x128xf32, #tpu.memory_space<hbm>>, %arg5: memref<10000x128xf32, #tpu.memory_space<vmem_shared>>, %arg6: memref<64x128xf32, #tpu.memory_space<vmem>>, %arg7: memref<64x128xf32, #tpu.memory_space<vmem>>, %arg8: memref<5000xi32, #tpu.memory_space<vmem>>, %arg9: memref<64xi32, #tpu.memory_space<vmem>>, %arg10: memref<64xi32, #tpu.memory_space<vmem>>, %arg11: memref<8xi32, #tpu.memory_space<vmem>>, %arg12: memref<!tpu.dma_semaphore, #tpu.memory_space<semaphore_mem>>, %arg13: memref<!tpu.dma_semaphore, #tpu.memory_space<semaphore_mem>>) attributes {dimension_semantics = [#tpu.dimension_semantics<core_parallel>, #tpu.dimension_semantics<subcore_parallel>], iteration_bounds = array<i64: 2, 16>, scalar_prefetch = 0 : i64, scratch_operands = 9 : i64, tpu.core_type = #tpu.core_type<sc_vector_subcore>, window_params = [{transform_indices = #map}, {transform_indices = #map1}, {transform_indices = #map2}]} {
    %scan3A = arith.constant 0 : i32
    %scan3A_0 = arith.constant 40 : i32
    %scan3A_1 = arith.addi %scan3A, %scan3A_0 : i32
    %scan3A_2 = arith.constant 1 : i32
    scf.for %scan3A_69 = %scan3A to %scan3A_1 step %scan3A_2  : i32 {
      %mul3A_70 = arith.constant 1 : i32
      %mul3A_71 = arith.muli %scan3A_69, %mul3A_70 : i32
      %add3A_72 = arith.constant 0 : i32
      %add3A_73 = arith.addi %add3A_72, %mul3A_71 : i32
      %broadcast_in_dim3A = arith.constant 0.000000e+00 : f32
      %broadcast_in_dim3A_74 = vector.broadcast %broadcast_in_dim3A : f32 to vector<16xf32>
      %swap3A = arith.index_cast %add3A_73 : i32 to index
      %swap3A_75 = arith.constant 0 : index
      %swap3A_76 = tpu.vector_load %arg6[%swap3A, %swap3A_75] {strides = array<i32>} : memref<64x128xf32, #tpu.memory_space<vmem>>, vector<1x16xf32>,
      %swap3A_77 = vector.shape_cast %swap3A_76 : vector<1x16xf32> to vector<16xf32>
      %swap3A_78 = vector.shape_cast %broadcast_in_dim3A_74 : vector<16xf32> to vector<1x16xf32>
      tpu.vector_store %arg6[%swap3A, %swap3A_75], %swap3A_78 {strides = array<i32>} : memref<64x128xf32, #tpu.memory_space<vmem>>, vector<1x16xf32>,
      %broadcast_in_dim3A_79 = arith.constant 0.000000e+00 : f32
      %broadcast_in_dim3A_80 = vector.broadcast %broadcast_in_dim3A_79 : f32 to vector<16xf32>
      %swap3A_81 = arith.index_cast %add3A_73 : i32 to index
      %swap3A_82 = arith.constant 16 : index
      %swap3A_83 = tpu.vector_load %arg6[%swap3A_81, %swap3A_82] {strides = array<i32>} : memref<64x128xf32, #tpu.memory_space<vmem>>, vector<1x16xf32>,
      %swap3A_84 = vector.shape_cast %swap3A_83 : vector<1x16xf32> to vector<16xf32>
      %swap3A_85 = vector.shape_cast %broadcast_in_dim3A_80 : vector<16xf32> to vector<1x16xf32>
      tpu.vector_store %arg6[%swap3A_81, %swap3A_82], %swap3A_85 {strides = array<i32>} : memref<64x128xf32, #tpu.memory_space<vmem>>, vector<1x16xf32>,
      %broadcast_in_dim3A_86 = arith.constant 0.000000e+00 : f32
      %broadcast_in_dim3A_87 = vector.broadcast %broadcast_in_dim3A_86 : f32 to vector<16xf32>
      %swap3A_88 = arith.index_cast %add3A_73 : i32 to index
      %swap3A_89 = arith.constant 32 : index
      %swap3A_90 = tpu.vector_load %arg6[%swap3A_88, %swap3A_89] {strides = array<i32>} : memref<64x128xf32, #tpu.memory_space<vmem>>, vector<1x16xf32>,
      %swap3A_91 = vector.shape_cast %swap3A_90 : vector<1x16xf32> to vector<16xf32>
      %swap3A_92 = vector.shape_cast %broadcast_in_dim3A_87 : vector<16xf32> to vector<1x16xf32>
      tpu.vector_store %arg6[%swap3A_88, %swap3A_89], %swap3A_92 {strides = array<i32>} : memref<64x128xf32, #tpu.memory_space<vmem>>, vector<1x16xf32>,
      %broadcast_in_dim3A_93 = arith.constant 0.000000e+00 : f32
      %broadcast_in_dim3A_94 = vector.broadcast %broadcast_in_dim3A_93 : f32 to vector<16xf32>
      %swap3A_95 = arith.index_cast %add3A_73 : i32 to index
      %swap3A_96 = arith.constant 48 : index
      %swap3A_97 = tpu.vector_load %arg6[%swap3A_95, %swap3A_96] {strides = array<i32>} : memref<64x128xf32, #tpu.memory_space<vmem>>, vector<1x16xf32>,
      %swap3A_98 = vector.shape_cast %swap3A_97 : vector<1x16xf32> to vector<16xf32>
      %swap3A_99 = vector.shape_cast %broadcast_in_dim3A_94 : vector<16xf32> to vector<1x16xf32>
      tpu.vector_store %arg6[%swap3A_95, %swap3A_96], %swap3A_99 {strides = array<i32>} : memref<64x128xf32, #tpu.memory_space<vmem>>, vector<1x16xf32>,
      %broadcast_in_dim3A_100 = arith.constant 0.000000e+00 : f32
      %broadcast_in_dim3A_101 = vector.broadcast %broadcast_in_dim3A_100 : f32 to vector<16xf32>
      %swap3A_102 = arith.index_cast %add3A_73 : i32 to index
      %swap3A_103 = arith.constant 64 : index
      %swap3A_104 = tpu.vector_load %arg6[%swap3A_102, %swap3A_103] {strides = array<i32>} : memref<64x128xf32, #tpu.memory_space<vmem>>, vector<1x16xf32>,
      %swap3A_105 = vector.shape_cast %swap3A_104 : vector<1x16xf32> to vector<16xf32>
      %swap3A_106 = vector.shape_cast %broadcast_in_dim3A_101 : vector<16xf32> to vector<1x16xf32>
      tpu.vector_store %arg6[%swap3A_102, %swap3A_103], %swap3A_106 {strides = array<i32>} : memref<64x128xf32, #tpu.memory_space<vmem>>, vector<1x16xf32>,
      %broadcast_in_dim3A_107 = arith.constant 0.000000e+00 : f32
      %broadcast_in_dim3A_108 = vector.broadcast %broadcast_in_dim3A_107 : f32 to vector<16xf32>
      %swap3A_109 = arith.index_cast %add3A_73 : i32 to index
      %swap3A_110 = arith.constant 80 : index
      %swap3A_111 = tpu.vector_load %arg6[%swap3A_109, %swap3A_110] {strides = array<i32>} : memref<64x128xf32, #tpu.memory_space<vmem>>, vector<1x16xf32>,
      %swap3A_112 = vector.shape_cast %swap3A_111 : vector<1x16xf32> to vector<16xf32>
      %swap3A_113 = vector.shape_cast %broadcast_in_dim3A_108 : vector<16xf32> to vector<1x16xf32>
      tpu.vector_store %arg6[%swap3A_109, %swap3A_110], %swap3A_113 {strides = array<i32>} : memref<64x128xf32, #tpu.memory_space<vmem>>, vector<1x16xf32>,
      %broadcast_in_dim3A_114 = arith.constant 0.000000e+00 : f32
      %broadcast_in_dim3A_115 = vector.broadcast %broadcast_in_dim3A_114 : f32 to vector<16xf32>
      %swap3A_116 = arith.index_cast %add3A_73 : i32 to index
      %swap3A_117 = arith.constant 96 : index
      %swap3A_118 = tpu.vector_load %arg6[%swap3A_116, %swap3A_117] {strides = array<i32>} : memref<64x128xf32, #tpu.memory_space<vmem>>, vector<1x16xf32>,
      %swap3A_119 = vector.shape_cast %swap3A_118 : vector<1x16xf32> to vector<16xf32>
      %swap3A_120 = vector.shape_cast %broadcast_in_dim3A_115 : vector<16xf32> to vector<1x16xf32>
      tpu.vector_store %arg6[%swap3A_116, %swap3A_117], %swap3A_120 {strides = array<i32>} : memref<64x128xf32, #tpu.memory_space<vmem>>, vector<1x16xf32>,
      %broadcast_in_dim3A_121 = arith.constant 0.000000e+00 : f32
      %broadcast_in_dim3A_122 = vector.broadcast %broadcast_in_dim3A_121 : f32 to vector<16xf32>
      %swap3A_123 = arith.index_cast %add3A_73 : i32 to index
      %swap3A_124 = arith.constant 112 : index
      %swap3A_125 = tpu.vector_load %arg6[%swap3A_123, %swap3A_124] {strides = array<i32>} : memref<64x128xf32, #tpu.memory_space<vmem>>, vector<1x16xf32>,
      %swap3A_126 = vector.shape_cast %swap3A_125 : vector<1x16xf32> to vector<16xf32>
      %swap3A_127 = vector.shape_cast %broadcast_in_dim3A_122 : vector<16xf32> to vector<1x16xf32>
      tpu.vector_store %arg6[%swap3A_123, %swap3A_124], %swap3A_127 {strides = array<i32>} : memref<64x128xf32, #tpu.memory_space<vmem>>, vector<1x16xf32>,
    }
    %scan3A_3 = arith.constant 40 : i32
    %lt3A = arith.constant 10 : i32
    %lt3A_4 = arith.cmpi slt, %arg1, %lt3A : i32
    %jit3A = arith.constant 16 : i32
    %jit3A_5 = arith.constant 15 : i32
    %select_n3A = arith.select %lt3A_4, %jit3A, %jit3A_5 : i32
    %sub3A = arith.constant 0 : i32
    %sub3A_6 = arith.subi %select_n3A, %sub3A : i32
    %sub3A_7 = arith.constant 1 : i32
    %sub3A_8 = arith.constant 1 : i32
    %sub3A_9 = arith.subi %sub3A_7, %sub3A_8 : i32
    %add3A = arith.addi %sub3A_6, %sub3A_9 : i32
    %div3A = arith.constant 1 : i32
    %div3A_10 = arith.divsi %add3A, %div3A : i32
    %while3A = arith.constant 1 : i32
    %while3A_11 = arith.constant 0 : i32
    %while3A_12 = arith.constant 0 : i32
    %while3A_13 = arith.subi %div3A_10, %while3A_12 : i32
    %while3A_14 = arith.addi %while3A_12, %while3A_13 : i32
    %while3A_15 = arith.constant 1 : i32
    %while3A_16 = arith.divsi %while3A_13, %while3A_15 : i32
    %while3A_17 = arith.muli %while3A_16, %while3A_15 : i32
    %while3A_18 = arith.addi %while3A_12, %while3A_17 : i32
    %while3A_19 = arith.constant 1 : i32
    scf.for %while3A_69 = %while3A_12 to %while3A_18 step %while3A_19  : i32 {
      %mul3A_70 = arith.muli %while3A_69, %while3A : i32
      %add3A_71 = arith.addi %while3A_11, %mul3A_70 : i32
      %mul3A_72 = arith.constant 16 : i32
      %mul3A_73 = arith.muli %add3A_71, %mul3A_72 : i32
      %add3A_74 = arith.addi %arg1, %mul3A_73 : i32
      %mul3A_75 = arith.constant 40 : i32
      %mul3A_76 = arith.muli %add3A_74, %mul3A_75 : i32
      "tpu.region"() ({
        %run_scoped3A = tpu.sem_alloc : memref<!tpu.dma_semaphore, #tpu.memory_space<semaphore_mem>>
        %dma_start3A_77 = arith.constant 0 : i32
        %dma_start3A_78 = arith.constant 0 : i32
        %dma_start3A_79 = tpu.memref_slice %arg6[%dma_start3A_77, %dma_start3A_78] : memref<64x128xf32, #tpu.memory_space<vmem>> -> memref<40x128xf32, #tpu.memory_space<vmem>>
        %dma_start3A_80 = arith.constant 0 : i32
        %dma_start3A_81 = tpu.memref_slice %arg5[%mul3A_76, %dma_start3A_80] : memref<10000x128xf32, #tpu.memory_space<vmem_shared>> -> memref<40x128xf32, #tpu.memory_space<vmem_shared>>
        %dma_start3A_82 = arith.constant 0 : i32
        %dma_start3A_83 = tpu.memref_slice %arg5[%mul3A_76, %dma_start3A_82] : memref<10000x128xf32, #tpu.memory_space<vmem_shared>> -> memref<40x128xf32, #tpu.memory_space<vmem_shared>>
        %dma_start3A_84 = arith.constant 0 : i32
        %dma_start3A_85 = arith.constant 0 : i32
        %dma_start3A_86 = tpu.memref_slice %arg6[%dma_start3A_84, %dma_start3A_85] : memref<64x128xf32, #tpu.memory_space<vmem>> -> memref<40x128xf32, #tpu.memory_space<vmem>>
        tpu.enqueue_dma source(%dma_start3A_86 : memref<40x128xf32, #tpu.memory_space<vmem>>) target(%dma_start3A_83 : memref<40x128xf32, #tpu.memory_space<vmem_shared>>) target_semaphore(%run_scoped3A : memref<!tpu.dma_semaphore, #tpu.memory_space<semaphore_mem>>)
        %dma_wait3A = arith.constant 0 : i32
        %dma_wait3A_87 = arith.constant 0 : i32
        %dma_wait3A_88 = tpu.memref_slice %arg6[%dma_wait3A, %dma_wait3A_87] : memref<64x128xf32, #tpu.memory_space<vmem>> -> memref<40x128xf32, #tpu.memory_space<vmem>>
        %dma_wait3A_89 = arith.constant 0 : i32
        %dma_wait3A_90 = tpu.memref_slice %arg5[%mul3A_76, %dma_wait3A_89] : memref<10000x128xf32, #tpu.memory_space<vmem_shared>> -> memref<40x128xf32, #tpu.memory_space<vmem_shared>>
        %dma_wait3A_91 = arith.constant 0 : i32
        %dma_wait3A_92 = tpu.memref_slice %arg5[%mul3A_76, %dma_wait3A_91] : memref<10000x128xf32, #tpu.memory_space<vmem_shared>> -> memref<40x128xf32, #tpu.memory_space<vmem_shared>>
        %dma_wait3A_93 = arith.constant 0 : i32
        %dma_wait3A_94 = arith.constant 0 : i32
        %dma_wait3A_95 = tpu.memref_slice %arg6[%dma_wait3A_93, %dma_wait3A_94] : memref<64x128xf32, #tpu.memory_space<vmem>> -> memref<40x128xf32, #tpu.memory_space<vmem>>
        tpu.wait_dma2 semaphore(%run_scoped3A : memref<!tpu.dma_semaphore, #tpu.memory_space<semaphore_mem>>) src(%dma_wait3A_95 : memref<40x128xf32, #tpu.memory_space<vmem>>) dst(%dma_wait3A_92 : memref<40x128xf32, #tpu.memory_space<vmem_shared>>)
        tpu.yield
      }) : () -> ()
    }
    %while3A_20 = arith.constant 1 : i32
    scf.for %while3A_69 = %while3A_18 to %while3A_14 step %while3A_20  : i32 {
      %mul3A_70 = arith.muli %while3A_69, %while3A : i32
      %add3A_71 = arith.addi %while3A_11, %mul3A_70 : i32
      %mul3A_72 = arith.constant 16 : i32
      %mul3A_73 = arith.muli %add3A_71, %mul3A_72 : i32
      %add3A_74 = arith.addi %arg1, %mul3A_73 : i32
      %mul3A_75 = arith.constant 40 : i32
      %mul3A_76 = arith.muli %add3A_74, %mul3A_75 : i32
      "tpu.region"() ({
        %run_scoped3A = tpu.sem_alloc : memref<!tpu.dma_semaphore, #tpu.memory_space<semaphore_mem>>
        %dma_start3A_77 = arith.constant 0 : i32
        %dma_start3A_78 = arith.constant 0 : i32
        %dma_start3A_79 = tpu.memref_slice %arg6[%dma_start3A_77, %dma_start3A_78] : memref<64x128xf32, #tpu.memory_space<vmem>> -> memref<40x128xf32, #tpu.memory_space<vmem>>
        %dma_start3A_80 = arith.constant 0 : i32
        %dma_start3A_81 = tpu.memref_slice %arg5[%mul3A_76, %dma_start3A_80] : memref<10000x128xf32, #tpu.memory_space<vmem_shared>> -> memref<40x128xf32, #tpu.memory_space<vmem_shared>>
        %dma_start3A_82 = arith.constant 0 : i32
        %dma_start3A_83 = tpu.memref_slice %arg5[%mul3A_76, %dma_start3A_82] : memref<10000x128xf32, #tpu.memory_space<vmem_shared>> -> memref<40x128xf32, #tpu.memory_space<vmem_shared>>
        %dma_start3A_84 = arith.constant 0 : i32
        %dma_start3A_85 = arith.constant 0 : i32
        %dma_start3A_86 = tpu.memref_slice %arg6[%dma_start3A_84, %dma_start3A_85] : memref<64x128xf32, #tpu.memory_space<vmem>> -> memref<40x128xf32, #tpu.memory_space<vmem>>
        tpu.enqueue_dma source(%dma_start3A_86 : memref<40x128xf32, #tpu.memory_space<vmem>>) target(%dma_start3A_83 : memref<40x128xf32, #tpu.memory_space<vmem_shared>>) target_semaphore(%run_scoped3A : memref<!tpu.dma_semaphore, #tpu.memory_space<semaphore_mem>>)
        %dma_wait3A = arith.constant 0 : i32
        %dma_wait3A_87 = arith.constant 0 : i32
        %dma_wait3A_88 = tpu.memref_slice %arg6[%dma_wait3A, %dma_wait3A_87] : memref<64x128xf32, #tpu.memory_space<vmem>> -> memref<40x128xf32, #tpu.memory_space<vmem>>
        %dma_wait3A_89 = arith.constant 0 : i32
        %dma_wait3A_90 = tpu.memref_slice %arg5[%mul3A_76, %dma_wait3A_89] : memref<10000x128xf32, #tpu.memory_space<vmem_shared>> -> memref<40x128xf32, #tpu.memory_space<vmem_shared>>
        %dma_wait3A_91 = arith.constant 0 : i32
        %dma_wait3A_92 = tpu.memref_slice %arg5[%mul3A_76, %dma_wait3A_91] : memref<10000x128xf32, #tpu.memory_space<vmem_shared>> -> memref<40x128xf32, #tpu.memory_space<vmem_shared>>
        %dma_wait3A_93 = arith.constant 0 : i32
        %dma_wait3A_94 = arith.constant 0 : i32
        %dma_wait3A_95 = tpu.memref_slice %arg6[%dma_wait3A_93, %dma_wait3A_94] : memref<64x128xf32, #tpu.memory_space<vmem>> -> memref<40x128xf32, #tpu.memory_space<vmem>>
        tpu.wait_dma2 semaphore(%run_scoped3A : memref<!tpu.dma_semaphore, #tpu.memory_space<semaphore_mem>>) src(%dma_wait3A_95 : memref<40x128xf32, #tpu.memory_space<vmem>>) dst(%dma_wait3A_92 : memref<40x128xf32, #tpu.memory_space<vmem_shared>>)
        tpu.yield
      }) : () -> ()
    }
    %barrier3A = arith.constant 0 : index
    tpu.barrier barrier_id(%barrier3A)
    %mul3A = arith.constant 5000 : i32
    %mul3A_21 = arith.muli %arg1, %mul3A : i32
    %mul3A_22 = arith.constant 160000 : i32
    %mul3A_23 = arith.muli %arg0, %mul3A_22 : i32
    %add3A_24 = arith.constant 80000 : i32
    %add3A_25 = arith.addi %mul3A_23, %add3A_24 : i32
    %add3A_26 = arith.addi %add3A_25, %mul3A_21 : i32
    "tpu.region"() ({
      %run_scoped3A = tpu.sem_alloc : memref<!tpu.dma_semaphore, #tpu.memory_space<semaphore_mem>>
      %dma_start3A_69 = tpu.memref_slice %arg3[%add3A_26] : memref<320000xi32, #tpu.memory_space<hbm>> -> memref<5000xi32, #tpu.memory_space<hbm>>
      %dma_start3A_70 = tpu.memref_slice %arg3[%add3A_26] : memref<320000xi32, #tpu.memory_space<hbm>> -> memref<5000xi32, #tpu.memory_space<hbm>>
      tpu.enqueue_dma source(%dma_start3A_70 : memref<5000xi32, #tpu.memory_space<hbm>>) target(%arg8 : memref<5000xi32, #tpu.memory_space<vmem>>) target_semaphore(%run_scoped3A : memref<!tpu.dma_semaphore, #tpu.memory_space<semaphore_mem>>)
      %dma_wait3A = tpu.memref_slice %arg3[%add3A_26] : memref<320000xi32, #tpu.memory_space<hbm>> -> memref<5000xi32, #tpu.memory_space<hbm>>
      %dma_wait3A_71 = tpu.memref_slice %arg3[%add3A_26] : memref<320000xi32, #tpu.memory_space<hbm>> -> memref<5000xi32, #tpu.memory_space<hbm>>
      tpu.wait_dma2 semaphore(%run_scoped3A : memref<!tpu.dma_semaphore, #tpu.memory_space<semaphore_mem>>) src(%dma_wait3A_71 : memref<5000xi32, #tpu.memory_space<hbm>>) dst(%arg8 : memref<5000xi32, #tpu.memory_space<vmem>>)
      tpu.yield
    }) : () -> ()
    %add3A_27 = arith.constant 0 : i32
    %add3A_28 = arith.addi %mul3A_21, %add3A_27 : i32
    %dma_start3A = arith.constant 0 : i32
    %dma_start3A_29 = tpu.memref_slice %arg2[%add3A_28, %dma_start3A] : memref<80000x128xf32, #tpu.memory_space<hbm>> -> memref<64x128xf32, #tpu.memory_space<hbm>>
    %dma_start3A_30 = arith.constant 0 : i32
    %dma_start3A_31 = tpu.memref_slice %arg2[%add3A_28, %dma_start3A_30] : memref<80000x128xf32, #tpu.memory_space<hbm>> -> memref<64x128xf32, #tpu.memory_space<hbm>>
    tpu.enqueue_dma source(%dma_start3A_31 : memref<64x128xf32, #tpu.memory_space<hbm>>) target(%arg6 : memref<64x128xf32, #tpu.memory_space<vmem>>) target_semaphore(%arg12 : memref<!tpu.dma_semaphore, #tpu.memory_space<semaphore_mem>>)
    %scan3A_32 = arith.constant 0 : i32
    %scan3A_33 = arith.constant 39 : i32
    %scan3A_34 = arith.addi %scan3A_32, %scan3A_33 : i32
    %scan3A_35 = arith.constant 1 : i32
    scf.for %scan3A_69 = %scan3A_32 to %scan3A_34 step %scan3A_35  : i32 {
      %mul3A_70 = arith.constant 2 : i32
      %mul3A_71 = arith.muli %scan3A_69, %mul3A_70 : i32
      %add3A_72 = arith.constant 0 : i32
      %add3A_73 = arith.addi %add3A_72, %mul3A_71 : i32
      %dma_wait3A = arith.constant 0 : i32
      %dma_wait3A_74 = tpu.memref_slice %arg2[%mul3A_21, %dma_wait3A] : memref<80000x128xf32, #tpu.memory_space<hbm>> -> memref<64x128xf32, #tpu.memory_space<hbm>>
      %dma_wait3A_75 = arith.constant 0 : i32
      %dma_wait3A_76 = tpu.memref_slice %arg2[%mul3A_21, %dma_wait3A_75] : memref<80000x128xf32, #tpu.memory_space<hbm>> -> memref<64x128xf32, #tpu.memory_space<hbm>>
      tpu.wait_dma2 semaphore(%arg12 : memref<!tpu.dma_semaphore, #tpu.memory_space<semaphore_mem>>) src(%dma_wait3A_76 : memref<64x128xf32, #tpu.memory_space<hbm>>) dst(%arg6 : memref<64x128xf32, #tpu.memory_space<vmem>>)
      %add3A_77 = arith.constant 1 : i32
      %add3A_78 = arith.addi %add3A_73, %add3A_77 : i32
      %mul3A_79 = arith.constant 64 : i32
      %mul3A_80 = arith.muli %add3A_78, %mul3A_79 : i32
      %add3A_81 = arith.addi %mul3A_21, %mul3A_80 : i32
      %dma_start3A_82 = arith.constant 0 : i32
      %dma_start3A_83 = tpu.memref_slice %arg2[%add3A_81, %dma_start3A_82] : memref<80000x128xf32, #tpu.memory_space<hbm>> -> memref<64x128xf32, #tpu.memory_space<hbm>>
      %dma_start3A_84 = arith.constant 0 : i32
      %dma_start3A_85 = tpu.memref_slice %arg2[%add3A_81, %dma_start3A_84] : memref<80000x128xf32, #tpu.memory_space<hbm>> -> memref<64x128xf32, #tpu.memory_space<hbm>>
      tpu.enqueue_dma source(%dma_start3A_85 : memref<64x128xf32, #tpu.memory_space<hbm>>) target(%arg7 : memref<64x128xf32, #tpu.memory_space<vmem>>) target_semaphore(%arg13 : memref<!tpu.dma_semaphore, #tpu.memory_space<semaphore_mem>>)
      %mul3A_86 = arith.constant 64 : i32
      %mul3A_87 = arith.muli %add3A_73, %mul3A_86 : i32
      %add3A_88 = arith.constant 0 : i32
      %add3A_89 = arith.addi %mul3A_87, %add3A_88 : i32
      %get3A = arith.index_cast %add3A_89 : i32 to index
      %get3A_90 = tpu.vector_load %arg8[%get3A] {strides = array<i32>} : memref<5000xi32, #tpu.memory_space<vmem>>, vector<16xi32>,
      %get3A_91 = vector.shape_cast %get3A_90 : vector<16xi32> to vector<16xi32>
      %swap3A = arith.constant 0 : index
      %swap3A_92 = tpu.vector_load %arg9[%swap3A] {strides = array<i32>} : memref<64xi32, #tpu.memory_space<vmem>>, vector<16xi32>,
      %swap3A_93 = vector.shape_cast %swap3A_92 : vector<16xi32> to vector<16xi32>
      %swap3A_94 = vector.shape_cast %get3A_91 : vector<16xi32> to vector<16xi32>
      tpu.vector_store %arg9[%swap3A], %swap3A_94 {strides = array<i32>} : memref<64xi32, #tpu.memory_space<vmem>>, vector<16xi32>,
      %mul3A_95 = arith.constant 64 : i32
      %mul3A_96 = arith.muli %add3A_73, %mul3A_95 : i32
      %add3A_97 = arith.constant 16 : i32
      %add3A_98 = arith.addi %mul3A_96, %add3A_97 : i32
      %get3A_99 = arith.index_cast %add3A_98 : i32 to index
      %get3A_100 = tpu.vector_load %arg8[%get3A_99] {strides = array<i32>} : memref<5000xi32, #tpu.memory_space<vmem>>, vector<16xi32>,
      %get3A_101 = vector.shape_cast %get3A_100 : vector<16xi32> to vector<16xi32>
      %swap3A_102 = arith.constant 16 : index
      %swap3A_103 = tpu.vector_load %arg9[%swap3A_102] {strides = array<i32>} : memref<64xi32, #tpu.memory_space<vmem>>, vector<16xi32>,
      %swap3A_104 = vector.shape_cast %swap3A_103 : vector<16xi32> to vector<16xi32>
      %swap3A_105 = vector.shape_cast %get3A_101 : vector<16xi32> to vector<16xi32>
      tpu.vector_store %arg9[%swap3A_102], %swap3A_105 {strides = array<i32>} : memref<64xi32, #tpu.memory_space<vmem>>, vector<16xi32>,
      %mul3A_106 = arith.constant 64 : i32
      %mul3A_107 = arith.muli %add3A_73, %mul3A_106 : i32
      %add3A_108 = arith.constant 32 : i32
      %add3A_109 = arith.addi %mul3A_107, %add3A_108 : i32
      %get3A_110 = arith.index_cast %add3A_109 : i32 to index
      %get3A_111 = tpu.vector_load %arg8[%get3A_110] {strides = array<i32>} : memref<5000xi32, #tpu.memory_space<vmem>>, vector<16xi32>,
      %get3A_112 = vector.shape_cast %get3A_111 : vector<16xi32> to vector<16xi32>
      %swap3A_113 = arith.constant 32 : index
      %swap3A_114 = tpu.vector_load %arg9[%swap3A_113] {strides = array<i32>} : memref<64xi32, #tpu.memory_space<vmem>>, vector<16xi32>,
      %swap3A_115 = vector.shape_cast %swap3A_114 : vector<16xi32> to vector<16xi32>
      %swap3A_116 = vector.shape_cast %get3A_112 : vector<16xi32> to vector<16xi32>
      tpu.vector_store %arg9[%swap3A_113], %swap3A_116 {strides = array<i32>} : memref<64xi32, #tpu.memory_space<vmem>>, vector<16xi32>,
      %mul3A_117 = arith.constant 64 : i32
      %mul3A_118 = arith.muli %add3A_73, %mul3A_117 : i32
      %add3A_119 = arith.constant 48 : i32
      %add3A_120 = arith.addi %mul3A_118, %add3A_119 : i32
      %get3A_121 = arith.index_cast %add3A_120 : i32 to index
      %get3A_122 = tpu.vector_load %arg8[%get3A_121] {strides = array<i32>} : memref<5000xi32, #tpu.memory_space<vmem>>, vector<16xi32>,
      %get3A_123 = vector.shape_cast %get3A_122 : vector<16xi32> to vector<16xi32>
      %swap3A_124 = arith.constant 48 : index
      %swap3A_125 = tpu.vector_load %arg9[%swap3A_124] {strides = array<i32>} : memref<64xi32, #tpu.memory_space<vmem>>, vector<16xi32>,
      %swap3A_126 = vector.shape_cast %swap3A_125 : vector<16xi32> to vector<16xi32>
      %swap3A_127 = vector.shape_cast %get3A_123 : vector<16xi32> to vector<16xi32>
      tpu.vector_store %arg9[%swap3A_124], %swap3A_127 {strides = array<i32>} : memref<64xi32, #tpu.memory_space<vmem>>, vector<16xi32>,
      "tpu.region"() ({
        %run_scoped3A = tpu.sem_alloc : memref<!tpu.dma_semaphore, #tpu.memory_space<semaphore_mem>>
        %dma_start3A_183 = arith.constant 0 : i32
        %dma_start3A_184 = arith.constant 0 : i32
        %dma_start3A_185 = tpu.memref_slice %arg5[%dma_start3A_183, %dma_start3A_184] : memref<10000x128xf32, #tpu.memory_space<vmem_shared>> -> memref<10000x128xf32, #tpu.memory_space<vmem_shared>>
        tpu.enqueue_indirect_dma source(%arg6 : memref<64x128xf32, #tpu.memory_space<vmem>>) target(%dma_start3A_185 : memref<10000x128xf32, #tpu.memory_space<vmem_shared>>) offsets(%arg9 : memref<64xi32, #tpu.memory_space<vmem>>) semaphore(%run_scoped3A : memref<!tpu.dma_semaphore, #tpu.memory_space<semaphore_mem>>) {add = true}
        %dma_wait3A_186 = arith.constant 0 : i32
        %dma_wait3A_187 = arith.constant 0 : i32
        %dma_wait3A_188 = tpu.memref_slice %arg5[%dma_wait3A_186, %dma_wait3A_187] : memref<10000x128xf32, #tpu.memory_space<vmem_shared>> -> memref<10000x128xf32, #tpu.memory_space<vmem_shared>>
        tpu.wait_indirect_dma semaphore(%run_scoped3A : memref<!tpu.dma_semaphore, #tpu.memory_space<semaphore_mem>>) src(%arg6 : memref<64x128xf32, #tpu.memory_space<vmem>>) dst(%dma_wait3A_188 : memref<10000x128xf32, #tpu.memory_space<vmem_shared>>)
        tpu.yield
      }) : () -> ()
      %dma_wait3A_128 = arith.constant 0 : i32
      %dma_wait3A_129 = tpu.memref_slice %arg2[%mul3A_21, %dma_wait3A_128] : memref<80000x128xf32, #tpu.memory_space<hbm>> -> memref<64x128xf32, #tpu.memory_space<hbm>>
      %dma_wait3A_130 = arith.constant 0 : i32
      %dma_wait3A_131 = tpu.memref_slice %arg2[%mul3A_21, %dma_wait3A_130] : memref<80000x128xf32, #tpu.memory_space<hbm>> -> memref<64x128xf32, #tpu.memory_space<hbm>>
      tpu.wait_dma2 semaphore(%arg13 : memref<!tpu.dma_semaphore, #tpu.memory_space<semaphore_mem>>) src(%dma_wait3A_131 : memref<64x128xf32, #tpu.memory_space<hbm>>) dst(%arg7 : memref<64x128xf32, #tpu.memory_space<vmem>>)
      %add3A_132 = arith.constant 2 : i32
      %add3A_133 = arith.addi %add3A_73, %add3A_132 : i32
      %lt3A_134 = arith.constant 78 : i32
      %lt3A_135 = arith.cmpi slt, %add3A_133, %lt3A_134 : i32
      %convert_element_type3A = arith.extui %lt3A_135 : i1 to i32
      %cond3A = arith.constant 0 : i32
      %cond3A_136 = arith.cmpi ne, %convert_element_type3A, %cond3A : i32
      scf.if %cond3A_136 {
        %add3A_183 = arith.constant 2 : i32
        %add3A_184 = arith.addi %add3A_73, %add3A_183 : i32
        %mul3A_185 = arith.constant 64 : i32
        %mul3A_186 = arith.muli %add3A_184, %mul3A_185 : i32
        %add3A_187 = arith.addi %mul3A_21, %mul3A_186 : i32
        %dma_start3A_188 = arith.constant 0 : i32
        %dma_start3A_189 = tpu.memref_slice %arg2[%add3A_187, %dma_start3A_188] : memref<80000x128xf32, #tpu.memory_space<hbm>> -> memref<64x128xf32, #tpu.memory_space<hbm>>
        %dma_start3A_190 = arith.constant 0 : i32
        %dma_start3A_191 = tpu.memref_slice %arg2[%add3A_187, %dma_start3A_190] : memref<80000x128xf32, #tpu.memory_space<hbm>> -> memref<64x128xf32, #tpu.memory_space<hbm>>
        tpu.enqueue_dma source(%dma_start3A_191 : memref<64x128xf32, #tpu.memory_space<hbm>>) target(%arg6 : memref<64x128xf32, #tpu.memory_space<vmem>>) target_semaphore(%arg12 : memref<!tpu.dma_semaphore, #tpu.memory_space<semaphore_mem>>)
      } else {
      }
      %add3A_137 = arith.constant 1 : i32
      %add3A_138 = arith.addi %add3A_73, %add3A_137 : i32
      %mul3A_139 = arith.constant 64 : i32
      %mul3A_140 = arith.muli %add3A_138, %mul3A_139 : i32
      %add3A_141 = arith.constant 0 : i32
      %add3A_142 = arith.addi %mul3A_140, %add3A_141 : i32
      %get3A_143 = arith.index_cast %add3A_142 : i32 to index
      %get3A_144 = tpu.vector_load %arg8[%get3A_143] {strides = array<i32>} : memref<5000xi32, #tpu.memory_space<vmem>>, vector<16xi32>,
      %get3A_145 = vector.shape_cast %get3A_144 : vector<16xi32> to vector<16xi32>
      %swap3A_146 = arith.constant 0 : index
      %swap3A_147 = tpu.vector_load %arg10[%swap3A_146] {strides = array<i32>} : memref<64xi32, #tpu.memory_space<vmem>>, vector<16xi32>,
      %swap3A_148 = vector.shape_cast %swap3A_147 : vector<16xi32> to vector<16xi32>
      %swap3A_149 = vector.shape_cast %get3A_145 : vector<16xi32> to vector<16xi32>
      tpu.vector_store %arg10[%swap3A_146], %swap3A_149 {strides = array<i32>} : memref<64xi32, #tpu.memory_space<vmem>>, vector<16xi32>,
      %mul3A_150 = arith.constant 64 : i32
      %mul3A_151 = arith.muli %add3A_138, %mul3A_150 : i32
      %add3A_152 = arith.constant 16 : i32
      %add3A_153 = arith.addi %mul3A_151, %add3A_152 : i32
      %get3A_154 = arith.index_cast %add3A_153 : i32 to index
      %get3A_155 = tpu.vector_load %arg8[%get3A_154] {strides = array<i32>} : memref<5000xi32, #tpu.memory_space<vmem>>, vector<16xi32>,
      %get3A_156 = vector.shape_cast %get3A_155 : vector<16xi32> to vector<16xi32>
      %swap3A_157 = arith.constant 16 : index
      %swap3A_158 = tpu.vector_load %arg10[%swap3A_157] {strides = array<i32>} : memref<64xi32, #tpu.memory_space<vmem>>, vector<16xi32>,
      %swap3A_159 = vector.shape_cast %swap3A_158 : vector<16xi32> to vector<16xi32>
      %swap3A_160 = vector.shape_cast %get3A_156 : vector<16xi32> to vector<16xi32>
      tpu.vector_store %arg10[%swap3A_157], %swap3A_160 {strides = array<i32>} : memref<64xi32, #tpu.memory_space<vmem>>, vector<16xi32>,
      %mul3A_161 = arith.constant 64 : i32
      %mul3A_162 = arith.muli %add3A_138, %mul3A_161 : i32
      %add3A_163 = arith.constant 32 : i32
      %add3A_164 = arith.addi %mul3A_162, %add3A_163 : i32
      %get3A_165 = arith.index_cast %add3A_164 : i32 to index
      %get3A_166 = tpu.vector_load %arg8[%get3A_165] {strides = array<i32>} : memref<5000xi32, #tpu.memory_space<vmem>>, vector<16xi32>,
      %get3A_167 = vector.shape_cast %get3A_166 : vector<16xi32> to vector<16xi32>
      %swap3A_168 = arith.constant 32 : index
      %swap3A_169 = tpu.vector_load %arg10[%swap3A_168] {strides = array<i32>} : memref<64xi32, #tpu.memory_space<vmem>>, vector<16xi32>,
      %swap3A_170 = vector.shape_cast %swap3A_169 : vector<16xi32> to vector<16xi32>
      %swap3A_171 = vector.shape_cast %get3A_167 : vector<16xi32> to vector<16xi32>
      tpu.vector_store %arg10[%swap3A_168], %swap3A_171 {strides = array<i32>} : memref<64xi32, #tpu.memory_space<vmem>>, vector<16xi32>,
      %mul3A_172 = arith.constant 64 : i32
      %mul3A_173 = arith.muli %add3A_138, %mul3A_172 : i32
      %add3A_174 = arith.constant 48 : i32
      %add3A_175 = arith.addi %mul3A_173, %add3A_174 : i32
      %get3A_176 = arith.index_cast %add3A_175 : i32 to index
      %get3A_177 = tpu.vector_load %arg8[%get3A_176] {strides = array<i32>} : memref<5000xi32, #tpu.memory_space<vmem>>, vector<16xi32>,
      %get3A_178 = vector.shape_cast %get3A_177 : vector<16xi32> to vector<16xi32>
      %swap3A_179 = arith.constant 48 : index
      %swap3A_180 = tpu.vector_load %arg10[%swap3A_179] {strides = array<i32>} : memref<64xi32, #tpu.memory_space<vmem>>, vector<16xi32>,
      %swap3A_181 = vector.shape_cast %swap3A_180 : vector<16xi32> to vector<16xi32>
      %swap3A_182 = vector.shape_cast %get3A_178 : vector<16xi32> to vector<16xi32>
      tpu.vector_store %arg10[%swap3A_179], %swap3A_182 {strides = array<i32>} : memref<64xi32, #tpu.memory_space<vmem>>, vector<16xi32>,
      "tpu.region"() ({
        %run_scoped3A = tpu.sem_alloc : memref<!tpu.dma_semaphore, #tpu.memory_space<semaphore_mem>>
        %dma_start3A_183 = arith.constant 0 : i32
        %dma_start3A_184 = arith.constant 0 : i32
        %dma_start3A_185 = tpu.memref_slice %arg5[%dma_start3A_183, %dma_start3A_184] : memref<10000x128xf32, #tpu.memory_space<vmem_shared>> -> memref<10000x128xf32, #tpu.memory_space<vmem_shared>>
        tpu.enqueue_indirect_dma source(%arg7 : memref<64x128xf32, #tpu.memory_space<vmem>>) target(%dma_start3A_185 : memref<10000x128xf32, #tpu.memory_space<vmem_shared>>) offsets(%arg10 : memref<64xi32, #tpu.memory_space<vmem>>) semaphore(%run_scoped3A : memref<!tpu.dma_semaphore, #tpu.memory_space<semaphore_mem>>) {add = true}
        %dma_wait3A_186 = arith.constant 0 : i32
        %dma_wait3A_187 = arith.constant 0 : i32
        %dma_wait3A_188 = tpu.memref_slice %arg5[%dma_wait3A_186, %dma_wait3A_187] : memref<10000x128xf32, #tpu.memory_space<vmem_shared>> -> memref<10000x128xf32, #tpu.memory_space<vmem_shared>>
        tpu.wait_indirect_dma semaphore(%run_scoped3A : memref<!tpu.dma_semaphore, #tpu.memory_space<semaphore_mem>>) src(%arg7 : memref<64x128xf32, #tpu.memory_space<vmem>>) dst(%dma_wait3A_188 : memref<10000x128xf32, #tpu.memory_space<vmem_shared>>)
        tpu.yield
      }) : () -> ()
    }
    %scan3A_36 = arith.constant 39 : i32
    %add3A_37 = arith.constant 4992 : i32
    %add3A_38 = arith.addi %mul3A_21, %add3A_37 : i32
    "tpu.region"() ({
      %run_scoped3A = tpu.sem_alloc : memref<!tpu.dma_semaphore, #tpu.memory_space<semaphore_mem>>
      %dma_start3A_69 = arith.constant 0 : i32
      %dma_start3A_70 = arith.constant 0 : i32
      %dma_start3A_71 = tpu.memref_slice %arg7[%dma_start3A_69, %dma_start3A_70] : memref<64x128xf32, #tpu.memory_space<vmem>> -> memref<8x128xf32, #tpu.memory_space<vmem>>
      %dma_start3A_72 = arith.constant 0 : i32
      %dma_start3A_73 = tpu.memref_slice %arg2[%add3A_38, %dma_start3A_72] : memref<80000x128xf32, #tpu.memory_space<hbm>> -> memref<8x128xf32, #tpu.memory_space<hbm>>
      %dma_start3A_74 = arith.constant 0 : i32
      %dma_start3A_75 = arith.constant 0 : i32
      %dma_start3A_76 = tpu.memref_slice %arg7[%dma_start3A_74, %dma_start3A_75] : memref<64x128xf32, #tpu.memory_space<vmem>> -> memref<8x128xf32, #tpu.memory_space<vmem>>
      %dma_start3A_77 = arith.constant 0 : i32
      %dma_start3A_78 = tpu.memref_slice %arg2[%add3A_38, %dma_start3A_77] : memref<80000x128xf32, #tpu.memory_space<hbm>> -> memref<8x128xf32, #tpu.memory_space<hbm>>
      tpu.enqueue_dma source(%dma_start3A_78 : memref<8x128xf32, #tpu.memory_space<hbm>>) target(%dma_start3A_76 : memref<8x128xf32, #tpu.memory_space<vmem>>) target_semaphore(%run_scoped3A : memref<!tpu.dma_semaphore, #tpu.memory_space<semaphore_mem>>)
      %dma_wait3A = arith.constant 0 : i32
      %dma_wait3A_79 = arith.constant 0 : i32
      %dma_wait3A_80 = tpu.memref_slice %arg7[%dma_wait3A, %dma_wait3A_79] : memref<64x128xf32, #tpu.memory_space<vmem>> -> memref<8x128xf32, #tpu.memory_space<vmem>>
      %dma_wait3A_81 = arith.constant 0 : i32
      %dma_wait3A_82 = tpu.memref_slice %arg2[%add3A_38, %dma_wait3A_81] : memref<80000x128xf32, #tpu.memory_space<hbm>> -> memref<8x128xf32, #tpu.memory_space<hbm>>
      %dma_wait3A_83 = arith.constant 0 : i32
      %dma_wait3A_84 = arith.constant 0 : i32
      %dma_wait3A_85 = tpu.memref_slice %arg7[%dma_wait3A_83, %dma_wait3A_84] : memref<64x128xf32, #tpu.memory_space<vmem>> -> memref<8x128xf32, #tpu.memory_space<vmem>>
      %dma_wait3A_86 = arith.constant 0 : i32
      %dma_wait3A_87 = tpu.memref_slice %arg2[%add3A_38, %dma_wait3A_86] : memref<80000x128xf32, #tpu.memory_space<hbm>> -> memref<8x128xf32, #tpu.memory_space<hbm>>
      tpu.wait_dma2 semaphore(%run_scoped3A : memref<!tpu.dma_semaphore, #tpu.memory_space<semaphore_mem>>) src(%dma_wait3A_87 : memref<8x128xf32, #tpu.memory_space<hbm>>) dst(%dma_wait3A_85 : memref<8x128xf32, #tpu.memory_space<vmem>>)
      tpu.yield
    }) : () -> ()
    %mul3A_39 = arith.constant 160000 : i32
    %mul3A_40 = arith.muli %arg0, %mul3A_39 : i32
    %add3A_41 = arith.constant 80000 : i32
    %add3A_42 = arith.addi %mul3A_40, %add3A_41 : i32
    %add3A_43 = arith.addi %add3A_42, %add3A_38 : i32
    "tpu.region"() ({
      %run_scoped3A = tpu.sem_alloc : memref<!tpu.dma_semaphore, #tpu.memory_space<semaphore_mem>>
      %dma_start3A_69 = tpu.memref_slice %arg3[%add3A_43] : memref<320000xi32, #tpu.memory_space<hbm>> -> memref<8xi32, #tpu.memory_space<hbm>>
      %dma_start3A_70 = tpu.memref_slice %arg3[%add3A_43] : memref<320000xi32, #tpu.memory_space<hbm>> -> memref<8xi32, #tpu.memory_space<hbm>>
      tpu.enqueue_dma source(%dma_start3A_70 : memref<8xi32, #tpu.memory_space<hbm>>) target(%arg11 : memref<8xi32, #tpu.memory_space<vmem>>) target_semaphore(%run_scoped3A : memref<!tpu.dma_semaphore, #tpu.memory_space<semaphore_mem>>)
      %dma_wait3A = tpu.memref_slice %arg3[%add3A_43] : memref<320000xi32, #tpu.memory_space<hbm>> -> memref<8xi32, #tpu.memory_space<hbm>>
      %dma_wait3A_71 = tpu.memref_slice %arg3[%add3A_43] : memref<320000xi32, #tpu.memory_space<hbm>> -> memref<8xi32, #tpu.memory_space<hbm>>
      tpu.wait_dma2 semaphore(%run_scoped3A : memref<!tpu.dma_semaphore, #tpu.memory_space<semaphore_mem>>) src(%dma_wait3A_71 : memref<8xi32, #tpu.memory_space<hbm>>) dst(%arg11 : memref<8xi32, #tpu.memory_space<vmem>>)
      tpu.yield
    }) : () -> ()
    "tpu.region"() ({
      %run_scoped3A = tpu.sem_alloc : memref<!tpu.dma_semaphore, #tpu.memory_space<semaphore_mem>>
      %dma_start3A_69 = arith.constant 0 : i32
      %dma_start3A_70 = arith.constant 0 : i32
      %dma_start3A_71 = tpu.memref_slice %arg7[%dma_start3A_69, %dma_start3A_70] : memref<64x128xf32, #tpu.memory_space<vmem>> -> memref<8x128xf32, #tpu.memory_space<vmem>>
      %dma_start3A_72 = arith.constant 0 : i32
      %dma_start3A_73 = arith.constant 0 : i32
      %dma_start3A_74 = tpu.memref_slice %arg5[%dma_start3A_72, %dma_start3A_73] : memref<10000x128xf32, #tpu.memory_space<vmem_shared>> -> memref<10000x128xf32, #tpu.memory_space<vmem_shared>>
      tpu.enqueue_indirect_dma source(%dma_start3A_71 : memref<8x128xf32, #tpu.memory_space<vmem>>) target(%dma_start3A_74 : memref<10000x128xf32, #tpu.memory_space<vmem_shared>>) offsets(%arg11 : memref<8xi32, #tpu.memory_space<vmem>>) semaphore(%run_scoped3A : memref<!tpu.dma_semaphore, #tpu.memory_space<semaphore_mem>>) {add = true}
      %dma_wait3A = arith.constant 0 : i32
      %dma_wait3A_75 = arith.constant 0 : i32
      %dma_wait3A_76 = tpu.memref_slice %arg7[%dma_wait3A, %dma_wait3A_75] : memref<64x128xf32, #tpu.memory_space<vmem>> -> memref<8x128xf32, #tpu.memory_space<vmem>>
      %dma_wait3A_77 = arith.constant 0 : i32
      %dma_wait3A_78 = arith.constant 0 : i32
      %dma_wait3A_79 = tpu.memref_slice %arg5[%dma_wait3A_77, %dma_wait3A_78] : memref<10000x128xf32, #tpu.memory_space<vmem_shared>> -> memref<10000x128xf32, #tpu.memory_space<vmem_shared>>
      tpu.wait_indirect_dma semaphore(%run_scoped3A : memref<!tpu.dma_semaphore, #tpu.memory_space<semaphore_mem>>) src(%dma_wait3A_76 : memref<8x128xf32, #tpu.memory_space<vmem>>) dst(%dma_wait3A_79 : memref<10000x128xf32, #tpu.memory_space<vmem_shared>>)
      tpu.yield
    }) : () -> ()
    %barrier3A_44 = arith.constant 0 : index
    tpu.barrier barrier_id(%barrier3A_44)
    %lt3A_45 = arith.constant 2 : i32
    %lt3A_46 = arith.cmpi slt, %arg1, %lt3A_45 : i32
    %jit3A_47 = arith.constant 4 : i32
    %jit3A_48 = arith.constant 3 : i32
    %select_n3A_49 = arith.select %lt3A_46, %jit3A_47, %jit3A_48 : i32
    %sub3A_50 = arith.constant 0 : i32
    %sub3A_51 = arith.subi %select_n3A_49, %sub3A_50 : i32
    %sub3A_52 = arith.constant 1 : i32
    %sub3A_53 = arith.constant 1 : i32
    %sub3A_54 = arith.subi %sub3A_52, %sub3A_53 : i32
    %add3A_55 = arith.addi %sub3A_51, %sub3A_54 : i32
    %div3A_56 = arith.constant 1 : i32
    %div3A_57 = arith.divsi %add3A_55, %div3A_56 : i32
    %while3A_58 = arith.constant 1 : i32
    %while3A_59 = arith.constant 0 : i32
    %while3A_60 = arith.constant 0 : i32
    %while3A_61 = arith.subi %div3A_57, %while3A_60 : i32
    %while3A_62 = arith.addi %while3A_60, %while3A_61 : i32
    %while3A_63 = arith.constant 1 : i32
    %while3A_64 = arith.divsi %while3A_61, %while3A_63 : i32
    %while3A_65 = arith.muli %while3A_64, %while3A_63 : i32
    %while3A_66 = arith.addi %while3A_60, %while3A_65 : i32
    %while3A_67 = arith.constant 1 : i32
    scf.for %while3A_69 = %while3A_60 to %while3A_66 step %while3A_67  : i32 {
      %mul3A_70 = arith.muli %while3A_69, %while3A_58 : i32
      %add3A_71 = arith.addi %while3A_59, %mul3A_70 : i32
      %mul3A_72 = arith.constant 16 : i32
      %mul3A_73 = arith.muli %add3A_71, %mul3A_72 : i32
      %add3A_74 = arith.addi %arg1, %mul3A_73 : i32
      %mul3A_75 = arith.constant 200 : i32
      %mul3A_76 = arith.muli %add3A_74, %mul3A_75 : i32
      "tpu.region"() ({
        %run_scoped3A = tpu.sem_alloc : memref<!tpu.dma_semaphore, #tpu.memory_space<semaphore_mem>>
        %dma_start3A_77 = arith.constant 0 : i32
        %dma_start3A_78 = tpu.memref_slice %arg4[%arg0, %mul3A_76, %dma_start3A_77] : memref<2x10000x128xf32, #tpu.memory_space<hbm>> -> memref<1x200x128xf32, #tpu.memory_space<hbm>>
        %dma_start3A_79 = tpu.memref_squeeze %dma_start3A_78 : memref<1x200x128xf32, #tpu.memory_space<hbm>> -> memref<200x128xf32, #tpu.memory_space<hbm>>
        %dma_start3A_80 = arith.constant 0 : i32
        %dma_start3A_81 = tpu.memref_slice %arg5[%mul3A_76, %dma_start3A_80] : memref<10000x128xf32, #tpu.memory_space<vmem_shared>> -> memref<200x128xf32, #tpu.memory_space<vmem_shared>>
        tpu.enqueue_dma source(%dma_start3A_81 : memref<200x128xf32, #tpu.memory_space<vmem_shared>>) target(%dma_start3A_79 : memref<200x128xf32, #tpu.memory_space<hbm>>) target_semaphore(%run_scoped3A : memref<!tpu.dma_semaphore, #tpu.memory_space<semaphore_mem>>)
        %dma_wait3A = arith.constant 0 : i32
        %dma_wait3A_82 = tpu.memref_slice %arg4[%arg0, %mul3A_76, %dma_wait3A] : memref<2x10000x128xf32, #tpu.memory_space<hbm>> -> memref<1x200x128xf32, #tpu.memory_space<hbm>>
        %dma_wait3A_83 = tpu.memref_squeeze %dma_wait3A_82 : memref<1x200x128xf32, #tpu.memory_space<hbm>> -> memref<200x128xf32, #tpu.memory_space<hbm>>
        %dma_wait3A_84 = arith.constant 0 : i32
        %dma_wait3A_85 = tpu.memref_slice %arg5[%mul3A_76, %dma_wait3A_84] : memref<10000x128xf32, #tpu.memory_space<vmem_shared>> -> memref<200x128xf32, #tpu.memory_space<vmem_shared>>
        tpu.wait_dma2 semaphore(%run_scoped3A : memref<!tpu.dma_semaphore, #tpu.memory_space<semaphore_mem>>) src(%dma_wait3A_85 : memref<200x128xf32, #tpu.memory_space<vmem_shared>>) dst(%dma_wait3A_83 : memref<200x128xf32, #tpu.memory_space<hbm>>)
        tpu.yield
      }) : () -> ()
    }
    %while3A_68 = arith.constant 1 : i32
    scf.for %while3A_69 = %while3A_66 to %while3A_62 step %while3A_68  : i32 {
      %mul3A_70 = arith.muli %while3A_69, %while3A_58 : i32
      %add3A_71 = arith.addi %while3A_59, %mul3A_70 : i32
      %mul3A_72 = arith.constant 16 : i32
      %mul3A_73 = arith.muli %add3A_71, %mul3A_72 : i32
      %add3A_74 = arith.addi %arg1, %mul3A_73 : i32
      %mul3A_75 = arith.constant 200 : i32
      %mul3A_76 = arith.muli %add3A_74, %mul3A_75 : i32
      "tpu.region"() ({
        %run_scoped3A = tpu.sem_alloc : memref<!tpu.dma_semaphore, #tpu.memory_space<semaphore_mem>>
        %dma_start3A_77 = arith.constant 0 : i32
        %dma_start3A_78 = tpu.memref_slice %arg4[%arg0, %mul3A_76, %dma_start3A_77] : memref<2x10000x128xf32, #tpu.memory_space<hbm>> -> memref<1x200x128xf32, #tpu.memory_space<hbm>>
        %dma_start3A_79 = tpu.memref_squeeze %dma_start3A_78 : memref<1x200x128xf32, #tpu.memory_space<hbm>> -> memref<200x128xf32, #tpu.memory_space<hbm>>
        %dma_start3A_80 = arith.constant 0 : i32
        %dma_start3A_81 = tpu.memref_slice %arg5[%mul3A_76, %dma_start3A_80] : memref<10000x128xf32, #tpu.memory_space<vmem_shared>> -> memref<200x128xf32, #tpu.memory_space<vmem_shared>>
        tpu.enqueue_dma source(%dma_start3A_81 : memref<200x128xf32, #tpu.memory_space<vmem_shared>>) target(%dma_start3A_79 : memref<200x128xf32, #tpu.memory_space<hbm>>) target_semaphore(%run_scoped3A : memref<!tpu.dma_semaphore, #tpu.memory_space<semaphore_mem>>)
        %dma_wait3A = arith.constant 0 : i32
        %dma_wait3A_82 = tpu.memref_slice %arg4[%arg0, %mul3A_76, %dma_wait3A] : memref<2x10000x128xf32, #tpu.memory_space<hbm>> -> memref<1x200x128xf32, #tpu.memory_space<hbm>>
        %dma_wait3A_83 = tpu.memref_squeeze %dma_wait3A_82 : memref<1x200x128xf32, #tpu.memory_space<hbm>> -> memref<200x128xf32, #tpu.memory_space<hbm>>
        %dma_wait3A_84 = arith.constant 0 : i32
        %dma_wait3A_85 = tpu.memref_slice %arg5[%mul3A_76, %dma_wait3A_84] : memref<10000x128xf32, #tpu.memory_space<vmem_shared>> -> memref<200x128xf32, #tpu.memory_space<vmem_shared>>
        tpu.wait_dma2 semaphore(%run_scoped3A : memref<!tpu.dma_semaphore, #tpu.memory_space<semaphore_mem>>) src(%dma_wait3A_85 : memref<200x128xf32, #tpu.memory_space<vmem_shared>>) dst(%dma_wait3A_83 : memref<200x128xf32, #tpu.memory_space<hbm>>)
        tpu.yield
      }) : () -> ()
    }
    return
  }
}

#map = affine_map<(d0, d1) -> (0, 0)>
#map1 = affine_map<(d0, d1) -> (0)>
#map2 = affine_map<(d0, d1) -> (0, 0, 0)>
module attributes {stable_mosaic.version = 14 : i64} {
  func.func @k(%arg0: i32, %arg1: i32, %arg2: memref<80000x128xf32, #tpu.memory_space<hbm>>, %arg3: memref<320000xi32, #tpu.memory_space<hbm>>, %arg4: memref<2x10000x128xf32, #tpu.memory_space<hbm>>, %arg5: memref<10000x128xf32, #tpu.memory_space<vmem_shared>>, %arg6: memref<64x128xf32, #tpu.memory_space<vmem>>, %arg7: memref<64x128xf32, #tpu.memory_space<vmem>>, %arg8: memref<5000xi32, #tpu.memory_space<vmem>>, %arg9: memref<64xi32, #tpu.memory_space<vmem>>, %arg10: memref<64xi32, #tpu.memory_space<vmem>>, %arg11: memref<8xi32, #tpu.memory_space<vmem>>, %arg12: memref<!tpu.dma_semaphore, #tpu.memory_space<semaphore_mem>>, %arg13: memref<!tpu.dma_semaphore, #tpu.memory_space<semaphore_mem>>) attributes {dimension_semantics = [#tpu.dimension_semantics<core_parallel>, #tpu.dimension_semantics<subcore_parallel>], iteration_bounds = array<i64: 2, 16>, scalar_prefetch = 0 : i64, scratch_operands = 9 : i64, tpu.core_type = #tpu.core_type<sc_vector_subcore>, window_params = [{transform_indices = #map}, {transform_indices = #map1}, {transform_indices = #map2}]} {
    %scan3A = arith.constant 0 : i32
    %scan3A_0 = arith.constant 40 : i32
    %scan3A_1 = arith.addi %scan3A, %scan3A_0 : i32
    %scan3A_2 = arith.constant 1 : i32
    scf.for %scan3A_69 = %scan3A to %scan3A_1 step %scan3A_2  : i32 {
      %mul3A_70 = arith.constant 1 : i32
      %mul3A_71 = arith.muli %scan3A_69, %mul3A_70 : i32
      %add3A_72 = arith.constant 0 : i32
      %add3A_73 = arith.addi %add3A_72, %mul3A_71 : i32
      %broadcast_in_dim3A = arith.constant 0.000000e+00 : f32
      %broadcast_in_dim3A_74 = vector.broadcast %broadcast_in_dim3A : f32 to vector<16xf32>
      %swap3A = arith.index_cast %add3A_73 : i32 to index
      %swap3A_75 = arith.constant 0 : index
      %swap3A_76 = tpu.vector_load %arg6[%swap3A, %swap3A_75] {strides = array<i32>} : memref<64x128xf32, #tpu.memory_space<vmem>>, vector<1x16xf32>,
      %swap3A_77 = vector.shape_cast %swap3A_76 : vector<1x16xf32> to vector<16xf32>
      %swap3A_78 = vector.shape_cast %broadcast_in_dim3A_74 : vector<16xf32> to vector<1x16xf32>
      tpu.vector_store %arg6[%swap3A, %swap3A_75], %swap3A_78 {strides = array<i32>} : memref<64x128xf32, #tpu.memory_space<vmem>>, vector<1x16xf32>,
      %broadcast_in_dim3A_79 = arith.constant 0.000000e+00 : f32
      %broadcast_in_dim3A_80 = vector.broadcast %broadcast_in_dim3A_79 : f32 to vector<16xf32>
      %swap3A_81 = arith.index_cast %add3A_73 : i32 to index
      %swap3A_82 = arith.constant 16 : index
      %swap3A_83 = tpu.vector_load %arg6[%swap3A_81, %swap3A_82] {strides = array<i32>} : memref<64x128xf32, #tpu.memory_space<vmem>>, vector<1x16xf32>,
      %swap3A_84 = vector.shape_cast %swap3A_83 : vector<1x16xf32> to vector<16xf32>
      %swap3A_85 = vector.shape_cast %broadcast_in_dim3A_80 : vector<16xf32> to vector<1x16xf32>
      tpu.vector_store %arg6[%swap3A_81, %swap3A_82], %swap3A_85 {strides = array<i32>} : memref<64x128xf32, #tpu.memory_space<vmem>>, vector<1x16xf32>,
      %broadcast_in_dim3A_86 = arith.constant 0.000000e+00 : f32
      %broadcast_in_dim3A_87 = vector.broadcast %broadcast_in_dim3A_86 : f32 to vector<16xf32>
      %swap3A_88 = arith.index_cast %add3A_73 : i32 to index
      %swap3A_89 = arith.constant 32 : index
      %swap3A_90 = tpu.vector_load %arg6[%swap3A_88, %swap3A_89] {strides = array<i32>} : memref<64x128xf32, #tpu.memory_space<vmem>>, vector<1x16xf32>,
      %swap3A_91 = vector.shape_cast %swap3A_90 : vector<1x16xf32> to vector<16xf32>
      %swap3A_92 = vector.shape_cast %broadcast_in_dim3A_87 : vector<16xf32> to vector<1x16xf32>
      tpu.vector_store %arg6[%swap3A_88, %swap3A_89], %swap3A_92 {strides = array<i32>} : memref<64x128xf32, #tpu.memory_space<vmem>>, vector<1x16xf32>,
      %broadcast_in_dim3A_93 = arith.constant 0.000000e+00 : f32
      %broadcast_in_dim3A_94 = vector.broadcast %broadcast_in_dim3A_93 : f32 to vector<16xf32>
      %swap3A_95 = arith.index_cast %add3A_73 : i32 to index
      %swap3A_96 = arith.constant 48 : index
      %swap3A_97 = tpu.vector_load %arg6[%swap3A_95, %swap3A_96] {strides = array<i32>} : memref<64x128xf32, #tpu.memory_space<vmem>>, vector<1x16xf32>,
      %swap3A_98 = vector.shape_cast %swap3A_97 : vector<1x16xf32> to vector<16xf32>
      %swap3A_99 = vector.shape_cast %broadcast_in_dim3A_94 : vector<16xf32> to vector<1x16xf32>
      tpu.vector_store %arg6[%swap3A_95, %swap3A_96], %swap3A_99 {strides = array<i32>} : memref<64x128xf32, #tpu.memory_space<vmem>>, vector<1x16xf32>,
      %broadcast_in_dim3A_100 = arith.constant 0.000000e+00 : f32
      %broadcast_in_dim3A_101 = vector.broadcast %broadcast_in_dim3A_100 : f32 to vector<16xf32>
      %swap3A_102 = arith.index_cast %add3A_73 : i32 to index
      %swap3A_103 = arith.constant 64 : index
      %swap3A_104 = tpu.vector_load %arg6[%swap3A_102, %swap3A_103] {strides = array<i32>} : memref<64x128xf32, #tpu.memory_space<vmem>>, vector<1x16xf32>,
      %swap3A_105 = vector.shape_cast %swap3A_104 : vector<1x16xf32> to vector<16xf32>
      %swap3A_106 = vector.shape_cast %broadcast_in_dim3A_101 : vector<16xf32> to vector<1x16xf32>
      tpu.vector_store %arg6[%swap3A_102, %swap3A_103], %swap3A_106 {strides = array<i32>} : memref<64x128xf32, #tpu.memory_space<vmem>>, vector<1x16xf32>,
      %broadcast_in_dim3A_107 = arith.constant 0.000000e+00 : f32
      %broadcast_in_dim3A_108 = vector.broadcast %broadcast_in_dim3A_107 : f32 to vector<16xf32>
      %swap3A_109 = arith.index_cast %add3A_73 : i32 to index
      %swap3A_110 = arith.constant 80 : index
      %swap3A_111 = tpu.vector_load %arg6[%swap3A_109, %swap3A_110] {strides = array<i32>} : memref<64x128xf32, #tpu.memory_space<vmem>>, vector<1x16xf32>,
      %swap3A_112 = vector.shape_cast %swap3A_111 : vector<1x16xf32> to vector<16xf32>
      %swap3A_113 = vector.shape_cast %broadcast_in_dim3A_108 : vector<16xf32> to vector<1x16xf32>
      tpu.vector_store %arg6[%swap3A_109, %swap3A_110], %swap3A_113 {strides = array<i32>} : memref<64x128xf32, #tpu.memory_space<vmem>>, vector<1x16xf32>,
      %broadcast_in_dim3A_114 = arith.constant 0.000000e+00 : f32
      %broadcast_in_dim3A_115 = vector.broadcast %broadcast_in_dim3A_114 : f32 to vector<16xf32>
      %swap3A_116 = arith.index_cast %add3A_73 : i32 to index
      %swap3A_117 = arith.constant 96 : index
      %swap3A_118 = tpu.vector_load %arg6[%swap3A_116, %swap3A_117] {strides = array<i32>} : memref<64x128xf32, #tpu.memory_space<vmem>>, vector<1x16xf32>,
      %swap3A_119 = vector.shape_cast %swap3A_118 : vector<1x16xf32> to vector<16xf32>
      %swap3A_120 = vector.shape_cast %broadcast_in_dim3A_115 : vector<16xf32> to vector<1x16xf32>
      tpu.vector_store %arg6[%swap3A_116, %swap3A_117], %swap3A_120 {strides = array<i32>} : memref<64x128xf32, #tpu.memory_space<vmem>>, vector<1x16xf32>,
      %broadcast_in_dim3A_121 = arith.constant 0.000000e+00 : f32
      %broadcast_in_dim3A_122 = vector.broadcast %broadcast_in_dim3A_121 : f32 to vector<16xf32>
      %swap3A_123 = arith.index_cast %add3A_73 : i32 to index
      %swap3A_124 = arith.constant 112 : index
      %swap3A_125 = tpu.vector_load %arg6[%swap3A_123, %swap3A_124] {strides = array<i32>} : memref<64x128xf32, #tpu.memory_space<vmem>>, vector<1x16xf32>,
      %swap3A_126 = vector.shape_cast %swap3A_125 : vector<1x16xf32> to vector<16xf32>
      %swap3A_127 = vector.shape_cast %broadcast_in_dim3A_122 : vector<16xf32> to vector<1x16xf32>
      tpu.vector_store %arg6[%swap3A_123, %swap3A_124], %swap3A_127 {strides = array<i32>} : memref<64x128xf32, #tpu.memory_space<vmem>>, vector<1x16xf32>,
    }
    %scan3A_3 = arith.constant 40 : i32
    %lt3A = arith.constant 10 : i32
    %lt3A_4 = arith.cmpi slt, %arg1, %lt3A : i32
    %jit3A = arith.constant 16 : i32
    %jit3A_5 = arith.constant 15 : i32
    %select_n3A = arith.select %lt3A_4, %jit3A, %jit3A_5 : i32
    %sub3A = arith.constant 0 : i32
    %sub3A_6 = arith.subi %select_n3A, %sub3A : i32
    %sub3A_7 = arith.constant 1 : i32
    %sub3A_8 = arith.constant 1 : i32
    %sub3A_9 = arith.subi %sub3A_7, %sub3A_8 : i32
    %add3A = arith.addi %sub3A_6, %sub3A_9 : i32
    %div3A = arith.constant 1 : i32
    %div3A_10 = arith.divsi %add3A, %div3A : i32
    %while3A = arith.constant 1 : i32
    %while3A_11 = arith.constant 0 : i32
    %while3A_12 = arith.constant 0 : i32
    %while3A_13 = arith.subi %div3A_10, %while3A_12 : i32
    %while3A_14 = arith.addi %while3A_12, %while3A_13 : i32
    %while3A_15 = arith.constant 1 : i32
    %while3A_16 = arith.divsi %while3A_13, %while3A_15 : i32
    %while3A_17 = arith.muli %while3A_16, %while3A_15 : i32
    %while3A_18 = arith.addi %while3A_12, %while3A_17 : i32
    %while3A_19 = arith.constant 1 : i32
    scf.for %while3A_69 = %while3A_12 to %while3A_18 step %while3A_19  : i32 {
      %mul3A_70 = arith.muli %while3A_69, %while3A : i32
      %add3A_71 = arith.addi %while3A_11, %mul3A_70 : i32
      %mul3A_72 = arith.constant 16 : i32
      %mul3A_73 = arith.muli %add3A_71, %mul3A_72 : i32
      %add3A_74 = arith.addi %arg1, %mul3A_73 : i32
      %mul3A_75 = arith.constant 40 : i32
      %mul3A_76 = arith.muli %add3A_74, %mul3A_75 : i32
      "tpu.region"() ({
        %run_scoped3A = tpu.sem_alloc : memref<!tpu.dma_semaphore, #tpu.memory_space<semaphore_mem>>
        %dma_start3A_77 = arith.constant 0 : i32
        %dma_start3A_78 = arith.constant 0 : i32
        %dma_start3A_79 = tpu.memref_slice %arg6[%dma_start3A_77, %dma_start3A_78] : memref<64x128xf32, #tpu.memory_space<vmem>> -> memref<40x128xf32, #tpu.memory_space<vmem>>
        %dma_start3A_80 = arith.constant 0 : i32
        %dma_start3A_81 = tpu.memref_slice %arg5[%mul3A_76, %dma_start3A_80] : memref<10000x128xf32, #tpu.memory_space<vmem_shared>> -> memref<40x128xf32, #tpu.memory_space<vmem_shared>>
        %dma_start3A_82 = arith.constant 0 : i32
        %dma_start3A_83 = tpu.memref_slice %arg5[%mul3A_76, %dma_start3A_82] : memref<10000x128xf32, #tpu.memory_space<vmem_shared>> -> memref<40x128xf32, #tpu.memory_space<vmem_shared>>
        %dma_start3A_84 = arith.constant 0 : i32
        %dma_start3A_85 = arith.constant 0 : i32
        %dma_start3A_86 = tpu.memref_slice %arg6[%dma_start3A_84, %dma_start3A_85] : memref<64x128xf32, #tpu.memory_space<vmem>> -> memref<40x128xf32, #tpu.memory_space<vmem>>
        tpu.enqueue_dma source(%dma_start3A_86 : memref<40x128xf32, #tpu.memory_space<vmem>>) target(%dma_start3A_83 : memref<40x128xf32, #tpu.memory_space<vmem_shared>>) target_semaphore(%run_scoped3A : memref<!tpu.dma_semaphore, #tpu.memory_space<semaphore_mem>>)
        %dma_wait3A = arith.constant 0 : i32
        %dma_wait3A_87 = arith.constant 0 : i32
        %dma_wait3A_88 = tpu.memref_slice %arg6[%dma_wait3A, %dma_wait3A_87] : memref<64x128xf32, #tpu.memory_space<vmem>> -> memref<40x128xf32, #tpu.memory_space<vmem>>
        %dma_wait3A_89 = arith.constant 0 : i32
        %dma_wait3A_90 = tpu.memref_slice %arg5[%mul3A_76, %dma_wait3A_89] : memref<10000x128xf32, #tpu.memory_space<vmem_shared>> -> memref<40x128xf32, #tpu.memory_space<vmem_shared>>
        %dma_wait3A_91 = arith.constant 0 : i32
        %dma_wait3A_92 = tpu.memref_slice %arg5[%mul3A_76, %dma_wait3A_91] : memref<10000x128xf32, #tpu.memory_space<vmem_shared>> -> memref<40x128xf32, #tpu.memory_space<vmem_shared>>
        %dma_wait3A_93 = arith.constant 0 : i32
        %dma_wait3A_94 = arith.constant 0 : i32
        %dma_wait3A_95 = tpu.memref_slice %arg6[%dma_wait3A_93, %dma_wait3A_94] : memref<64x128xf32, #tpu.memory_space<vmem>> -> memref<40x128xf32, #tpu.memory_space<vmem>>
        tpu.wait_dma2 semaphore(%run_scoped3A : memref<!tpu.dma_semaphore, #tpu.memory_space<semaphore_mem>>) src(%dma_wait3A_95 : memref<40x128xf32, #tpu.memory_space<vmem>>) dst(%dma_wait3A_92 : memref<40x128xf32, #tpu.memory_space<vmem_shared>>)
        tpu.yield
      }) : () -> ()
    }
    %while3A_20 = arith.constant 1 : i32
    scf.for %while3A_69 = %while3A_18 to %while3A_14 step %while3A_20  : i32 {
      %mul3A_70 = arith.muli %while3A_69, %while3A : i32
      %add3A_71 = arith.addi %while3A_11, %mul3A_70 : i32
      %mul3A_72 = arith.constant 16 : i32
      %mul3A_73 = arith.muli %add3A_71, %mul3A_72 : i32
      %add3A_74 = arith.addi %arg1, %mul3A_73 : i32
      %mul3A_75 = arith.constant 40 : i32
      %mul3A_76 = arith.muli %add3A_74, %mul3A_75 : i32
      "tpu.region"() ({
        %run_scoped3A = tpu.sem_alloc : memref<!tpu.dma_semaphore, #tpu.memory_space<semaphore_mem>>
        %dma_start3A_77 = arith.constant 0 : i32
        %dma_start3A_78 = arith.constant 0 : i32
        %dma_start3A_79 = tpu.memref_slice %arg6[%dma_start3A_77, %dma_start3A_78] : memref<64x128xf32, #tpu.memory_space<vmem>> -> memref<40x128xf32, #tpu.memory_space<vmem>>
        %dma_start3A_80 = arith.constant 0 : i32
        %dma_start3A_81 = tpu.memref_slice %arg5[%mul3A_76, %dma_start3A_80] : memref<10000x128xf32, #tpu.memory_space<vmem_shared>> -> memref<40x128xf32, #tpu.memory_space<vmem_shared>>
        %dma_start3A_82 = arith.constant 0 : i32
        %dma_start3A_83 = tpu.memref_slice %arg5[%mul3A_76, %dma_start3A_82] : memref<10000x128xf32, #tpu.memory_space<vmem_shared>> -> memref<40x128xf32, #tpu.memory_space<vmem_shared>>
        %dma_start3A_84 = arith.constant 0 : i32
        %dma_start3A_85 = arith.constant 0 : i32
        %dma_start3A_86 = tpu.memref_slice %arg6[%dma_start3A_84, %dma_start3A_85] : memref<64x128xf32, #tpu.memory_space<vmem>> -> memref<40x128xf32, #tpu.memory_space<vmem>>
        tpu.enqueue_dma source(%dma_start3A_86 : memref<40x128xf32, #tpu.memory_space<vmem>>) target(%dma_start3A_83 : memref<40x128xf32, #tpu.memory_space<vmem_shared>>) target_semaphore(%run_scoped3A : memref<!tpu.dma_semaphore, #tpu.memory_space<semaphore_mem>>)
        %dma_wait3A = arith.constant 0 : i32
        %dma_wait3A_87 = arith.constant 0 : i32
        %dma_wait3A_88 = tpu.memref_slice %arg6[%dma_wait3A, %dma_wait3A_87] : memref<64x128xf32, #tpu.memory_space<vmem>> -> memref<40x128xf32, #tpu.memory_space<vmem>>
        %dma_wait3A_89 = arith.constant 0 : i32
        %dma_wait3A_90 = tpu.memref_slice %arg5[%mul3A_76, %dma_wait3A_89] : memref<10000x128xf32, #tpu.memory_space<vmem_shared>> -> memref<40x128xf32, #tpu.memory_space<vmem_shared>>
        %dma_wait3A_91 = arith.constant 0 : i32
        %dma_wait3A_92 = tpu.memref_slice %arg5[%mul3A_76, %dma_wait3A_91] : memref<10000x128xf32, #tpu.memory_space<vmem_shared>> -> memref<40x128xf32, #tpu.memory_space<vmem_shared>>
        %dma_wait3A_93 = arith.constant 0 : i32
        %dma_wait3A_94 = arith.constant 0 : i32
        %dma_wait3A_95 = tpu.memref_slice %arg6[%dma_wait3A_93, %dma_wait3A_94] : memref<64x128xf32, #tpu.memory_space<vmem>> -> memref<40x128xf32, #tpu.memory_space<vmem>>
        tpu.wait_dma2 semaphore(%run_scoped3A : memref<!tpu.dma_semaphore, #tpu.memory_space<semaphore_mem>>) src(%dma_wait3A_95 : memref<40x128xf32, #tpu.memory_space<vmem>>) dst(%dma_wait3A_92 : memref<40x128xf32, #tpu.memory_space<vmem_shared>>)
        tpu.yield
      }) : () -> ()
    }
    %barrier3A = arith.constant 0 : index
    tpu.barrier barrier_id(%barrier3A)
    %mul3A = arith.constant 5000 : i32
    %mul3A_21 = arith.muli %arg1, %mul3A : i32
    %mul3A_22 = arith.constant 160000 : i32
    %mul3A_23 = arith.muli %arg0, %mul3A_22 : i32
    %add3A_24 = arith.constant 0 : i32
    %add3A_25 = arith.addi %mul3A_23, %add3A_24 : i32
    %add3A_26 = arith.addi %add3A_25, %mul3A_21 : i32
    "tpu.region"() ({
      %run_scoped3A = tpu.sem_alloc : memref<!tpu.dma_semaphore, #tpu.memory_space<semaphore_mem>>
      %dma_start3A_69 = tpu.memref_slice %arg3[%add3A_26] : memref<320000xi32, #tpu.memory_space<hbm>> -> memref<5000xi32, #tpu.memory_space<hbm>>
      %dma_start3A_70 = tpu.memref_slice %arg3[%add3A_26] : memref<320000xi32, #tpu.memory_space<hbm>> -> memref<5000xi32, #tpu.memory_space<hbm>>
      tpu.enqueue_dma source(%dma_start3A_70 : memref<5000xi32, #tpu.memory_space<hbm>>) target(%arg8 : memref<5000xi32, #tpu.memory_space<vmem>>) target_semaphore(%run_scoped3A : memref<!tpu.dma_semaphore, #tpu.memory_space<semaphore_mem>>)
      %dma_wait3A = tpu.memref_slice %arg3[%add3A_26] : memref<320000xi32, #tpu.memory_space<hbm>> -> memref<5000xi32, #tpu.memory_space<hbm>>
      %dma_wait3A_71 = tpu.memref_slice %arg3[%add3A_26] : memref<320000xi32, #tpu.memory_space<hbm>> -> memref<5000xi32, #tpu.memory_space<hbm>>
      tpu.wait_dma2 semaphore(%run_scoped3A : memref<!tpu.dma_semaphore, #tpu.memory_space<semaphore_mem>>) src(%dma_wait3A_71 : memref<5000xi32, #tpu.memory_space<hbm>>) dst(%arg8 : memref<5000xi32, #tpu.memory_space<vmem>>)
      tpu.yield
    }) : () -> ()
    %add3A_27 = arith.constant 0 : i32
    %add3A_28 = arith.addi %mul3A_21, %add3A_27 : i32
    %dma_start3A = arith.constant 0 : i32
    %dma_start3A_29 = tpu.memref_slice %arg2[%add3A_28, %dma_start3A] : memref<80000x128xf32, #tpu.memory_space<hbm>> -> memref<64x128xf32, #tpu.memory_space<hbm>>
    %dma_start3A_30 = arith.constant 0 : i32
    %dma_start3A_31 = tpu.memref_slice %arg2[%add3A_28, %dma_start3A_30] : memref<80000x128xf32, #tpu.memory_space<hbm>> -> memref<64x128xf32, #tpu.memory_space<hbm>>
    tpu.enqueue_dma source(%dma_start3A_31 : memref<64x128xf32, #tpu.memory_space<hbm>>) target(%arg6 : memref<64x128xf32, #tpu.memory_space<vmem>>) target_semaphore(%arg12 : memref<!tpu.dma_semaphore, #tpu.memory_space<semaphore_mem>>)
    %scan3A_32 = arith.constant 0 : i32
    %scan3A_33 = arith.constant 39 : i32
    %scan3A_34 = arith.addi %scan3A_32, %scan3A_33 : i32
    %scan3A_35 = arith.constant 1 : i32
    scf.for %scan3A_69 = %scan3A_32 to %scan3A_34 step %scan3A_35  : i32 {
      %mul3A_70 = arith.constant 2 : i32
      %mul3A_71 = arith.muli %scan3A_69, %mul3A_70 : i32
      %add3A_72 = arith.constant 0 : i32
      %add3A_73 = arith.addi %add3A_72, %mul3A_71 : i32
      %dma_wait3A = arith.constant 0 : i32
      %dma_wait3A_74 = tpu.memref_slice %arg2[%mul3A_21, %dma_wait3A] : memref<80000x128xf32, #tpu.memory_space<hbm>> -> memref<64x128xf32, #tpu.memory_space<hbm>>
      %dma_wait3A_75 = arith.constant 0 : i32
      %dma_wait3A_76 = tpu.memref_slice %arg2[%mul3A_21, %dma_wait3A_75] : memref<80000x128xf32, #tpu.memory_space<hbm>> -> memref<64x128xf32, #tpu.memory_space<hbm>>
      tpu.wait_dma2 semaphore(%arg12 : memref<!tpu.dma_semaphore, #tpu.memory_space<semaphore_mem>>) src(%dma_wait3A_76 : memref<64x128xf32, #tpu.memory_space<hbm>>) dst(%arg6 : memref<64x128xf32, #tpu.memory_space<vmem>>)
      %add3A_77 = arith.constant 1 : i32
      %add3A_78 = arith.addi %add3A_73, %add3A_77 : i32
      %mul3A_79 = arith.constant 64 : i32
      %mul3A_80 = arith.muli %add3A_78, %mul3A_79 : i32
      %add3A_81 = arith.addi %mul3A_21, %mul3A_80 : i32
      %dma_start3A_82 = arith.constant 0 : i32
      %dma_start3A_83 = tpu.memref_slice %arg2[%add3A_81, %dma_start3A_82] : memref<80000x128xf32, #tpu.memory_space<hbm>> -> memref<64x128xf32, #tpu.memory_space<hbm>>
      %dma_start3A_84 = arith.constant 0 : i32
      %dma_start3A_85 = tpu.memref_slice %arg2[%add3A_81, %dma_start3A_84] : memref<80000x128xf32, #tpu.memory_space<hbm>> -> memref<64x128xf32, #tpu.memory_space<hbm>>
      tpu.enqueue_dma source(%dma_start3A_85 : memref<64x128xf32, #tpu.memory_space<hbm>>) target(%arg7 : memref<64x128xf32, #tpu.memory_space<vmem>>) target_semaphore(%arg13 : memref<!tpu.dma_semaphore, #tpu.memory_space<semaphore_mem>>)
      %mul3A_86 = arith.constant 64 : i32
      %mul3A_87 = arith.muli %add3A_73, %mul3A_86 : i32
      %add3A_88 = arith.constant 0 : i32
      %add3A_89 = arith.addi %mul3A_87, %add3A_88 : i32
      %get3A = arith.index_cast %add3A_89 : i32 to index
      %get3A_90 = tpu.vector_load %arg8[%get3A] {strides = array<i32>} : memref<5000xi32, #tpu.memory_space<vmem>>, vector<16xi32>,
      %get3A_91 = vector.shape_cast %get3A_90 : vector<16xi32> to vector<16xi32>
      %swap3A = arith.constant 0 : index
      %swap3A_92 = tpu.vector_load %arg9[%swap3A] {strides = array<i32>} : memref<64xi32, #tpu.memory_space<vmem>>, vector<16xi32>,
      %swap3A_93 = vector.shape_cast %swap3A_92 : vector<16xi32> to vector<16xi32>
      %swap3A_94 = vector.shape_cast %get3A_91 : vector<16xi32> to vector<16xi32>
      tpu.vector_store %arg9[%swap3A], %swap3A_94 {strides = array<i32>} : memref<64xi32, #tpu.memory_space<vmem>>, vector<16xi32>,
      %mul3A_95 = arith.constant 64 : i32
      %mul3A_96 = arith.muli %add3A_73, %mul3A_95 : i32
      %add3A_97 = arith.constant 16 : i32
      %add3A_98 = arith.addi %mul3A_96, %add3A_97 : i32
      %get3A_99 = arith.index_cast %add3A_98 : i32 to index
      %get3A_100 = tpu.vector_load %arg8[%get3A_99] {strides = array<i32>} : memref<5000xi32, #tpu.memory_space<vmem>>, vector<16xi32>,
      %get3A_101 = vector.shape_cast %get3A_100 : vector<16xi32> to vector<16xi32>
      %swap3A_102 = arith.constant 16 : index
      %swap3A_103 = tpu.vector_load %arg9[%swap3A_102] {strides = array<i32>} : memref<64xi32, #tpu.memory_space<vmem>>, vector<16xi32>,
      %swap3A_104 = vector.shape_cast %swap3A_103 : vector<16xi32> to vector<16xi32>
      %swap3A_105 = vector.shape_cast %get3A_101 : vector<16xi32> to vector<16xi32>
      tpu.vector_store %arg9[%swap3A_102], %swap3A_105 {strides = array<i32>} : memref<64xi32, #tpu.memory_space<vmem>>, vector<16xi32>,
      %mul3A_106 = arith.constant 64 : i32
      %mul3A_107 = arith.muli %add3A_73, %mul3A_106 : i32
      %add3A_108 = arith.constant 32 : i32
      %add3A_109 = arith.addi %mul3A_107, %add3A_108 : i32
      %get3A_110 = arith.index_cast %add3A_109 : i32 to index
      %get3A_111 = tpu.vector_load %arg8[%get3A_110] {strides = array<i32>} : memref<5000xi32, #tpu.memory_space<vmem>>, vector<16xi32>,
      %get3A_112 = vector.shape_cast %get3A_111 : vector<16xi32> to vector<16xi32>
      %swap3A_113 = arith.constant 32 : index
      %swap3A_114 = tpu.vector_load %arg9[%swap3A_113] {strides = array<i32>} : memref<64xi32, #tpu.memory_space<vmem>>, vector<16xi32>,
      %swap3A_115 = vector.shape_cast %swap3A_114 : vector<16xi32> to vector<16xi32>
      %swap3A_116 = vector.shape_cast %get3A_112 : vector<16xi32> to vector<16xi32>
      tpu.vector_store %arg9[%swap3A_113], %swap3A_116 {strides = array<i32>} : memref<64xi32, #tpu.memory_space<vmem>>, vector<16xi32>,
      %mul3A_117 = arith.constant 64 : i32
      %mul3A_118 = arith.muli %add3A_73, %mul3A_117 : i32
      %add3A_119 = arith.constant 48 : i32
      %add3A_120 = arith.addi %mul3A_118, %add3A_119 : i32
      %get3A_121 = arith.index_cast %add3A_120 : i32 to index
      %get3A_122 = tpu.vector_load %arg8[%get3A_121] {strides = array<i32>} : memref<5000xi32, #tpu.memory_space<vmem>>, vector<16xi32>,
      %get3A_123 = vector.shape_cast %get3A_122 : vector<16xi32> to vector<16xi32>
      %swap3A_124 = arith.constant 48 : index
      %swap3A_125 = tpu.vector_load %arg9[%swap3A_124] {strides = array<i32>} : memref<64xi32, #tpu.memory_space<vmem>>, vector<16xi32>,
      %swap3A_126 = vector.shape_cast %swap3A_125 : vector<16xi32> to vector<16xi32>
      %swap3A_127 = vector.shape_cast %get3A_123 : vector<16xi32> to vector<16xi32>
      tpu.vector_store %arg9[%swap3A_124], %swap3A_127 {strides = array<i32>} : memref<64xi32, #tpu.memory_space<vmem>>, vector<16xi32>,
      "tpu.region"() ({
        %run_scoped3A = tpu.sem_alloc : memref<!tpu.dma_semaphore, #tpu.memory_space<semaphore_mem>>
        %dma_start3A_183 = arith.constant 0 : i32
        %dma_start3A_184 = arith.constant 0 : i32
        %dma_start3A_185 = tpu.memref_slice %arg5[%dma_start3A_183, %dma_start3A_184] : memref<10000x128xf32, #tpu.memory_space<vmem_shared>> -> memref<10000x128xf32, #tpu.memory_space<vmem_shared>>
        tpu.enqueue_indirect_dma source(%arg6 : memref<64x128xf32, #tpu.memory_space<vmem>>) target(%dma_start3A_185 : memref<10000x128xf32, #tpu.memory_space<vmem_shared>>) offsets(%arg9 : memref<64xi32, #tpu.memory_space<vmem>>) semaphore(%run_scoped3A : memref<!tpu.dma_semaphore, #tpu.memory_space<semaphore_mem>>) {add = true}
        %dma_wait3A_186 = arith.constant 0 : i32
        %dma_wait3A_187 = arith.constant 0 : i32
        %dma_wait3A_188 = tpu.memref_slice %arg5[%dma_wait3A_186, %dma_wait3A_187] : memref<10000x128xf32, #tpu.memory_space<vmem_shared>> -> memref<10000x128xf32, #tpu.memory_space<vmem_shared>>
        tpu.wait_indirect_dma semaphore(%run_scoped3A : memref<!tpu.dma_semaphore, #tpu.memory_space<semaphore_mem>>) src(%arg6 : memref<64x128xf32, #tpu.memory_space<vmem>>) dst(%dma_wait3A_188 : memref<10000x128xf32, #tpu.memory_space<vmem_shared>>)
        tpu.yield
      }) : () -> ()
      %dma_wait3A_128 = arith.constant 0 : i32
      %dma_wait3A_129 = tpu.memref_slice %arg2[%mul3A_21, %dma_wait3A_128] : memref<80000x128xf32, #tpu.memory_space<hbm>> -> memref<64x128xf32, #tpu.memory_space<hbm>>
      %dma_wait3A_130 = arith.constant 0 : i32
      %dma_wait3A_131 = tpu.memref_slice %arg2[%mul3A_21, %dma_wait3A_130] : memref<80000x128xf32, #tpu.memory_space<hbm>> -> memref<64x128xf32, #tpu.memory_space<hbm>>
      tpu.wait_dma2 semaphore(%arg13 : memref<!tpu.dma_semaphore, #tpu.memory_space<semaphore_mem>>) src(%dma_wait3A_131 : memref<64x128xf32, #tpu.memory_space<hbm>>) dst(%arg7 : memref<64x128xf32, #tpu.memory_space<vmem>>)
      %add3A_132 = arith.constant 2 : i32
      %add3A_133 = arith.addi %add3A_73, %add3A_132 : i32
      %lt3A_134 = arith.constant 78 : i32
      %lt3A_135 = arith.cmpi slt, %add3A_133, %lt3A_134 : i32
      %convert_element_type3A = arith.extui %lt3A_135 : i1 to i32
      %cond3A = arith.constant 0 : i32
      %cond3A_136 = arith.cmpi ne, %convert_element_type3A, %cond3A : i32
      scf.if %cond3A_136 {
        %add3A_183 = arith.constant 2 : i32
        %add3A_184 = arith.addi %add3A_73, %add3A_183 : i32
        %mul3A_185 = arith.constant 64 : i32
        %mul3A_186 = arith.muli %add3A_184, %mul3A_185 : i32
        %add3A_187 = arith.addi %mul3A_21, %mul3A_186 : i32
        %dma_start3A_188 = arith.constant 0 : i32
        %dma_start3A_189 = tpu.memref_slice %arg2[%add3A_187, %dma_start3A_188] : memref<80000x128xf32, #tpu.memory_space<hbm>> -> memref<64x128xf32, #tpu.memory_space<hbm>>
        %dma_start3A_190 = arith.constant 0 : i32
        %dma_start3A_191 = tpu.memref_slice %arg2[%add3A_187, %dma_start3A_190] : memref<80000x128xf32, #tpu.memory_space<hbm>> -> memref<64x128xf32, #tpu.memory_space<hbm>>
        tpu.enqueue_dma source(%dma_start3A_191 : memref<64x128xf32, #tpu.memory_space<hbm>>) target(%arg6 : memref<64x128xf32, #tpu.memory_space<vmem>>) target_semaphore(%arg12 : memref<!tpu.dma_semaphore, #tpu.memory_space<semaphore_mem>>)
      } else {
      }
      %add3A_137 = arith.constant 1 : i32
      %add3A_138 = arith.addi %add3A_73, %add3A_137 : i32
      %mul3A_139 = arith.constant 64 : i32
      %mul3A_140 = arith.muli %add3A_138, %mul3A_139 : i32
      %add3A_141 = arith.constant 0 : i32
      %add3A_142 = arith.addi %mul3A_140, %add3A_141 : i32
      %get3A_143 = arith.index_cast %add3A_142 : i32 to index
      %get3A_144 = tpu.vector_load %arg8[%get3A_143] {strides = array<i32>} : memref<5000xi32, #tpu.memory_space<vmem>>, vector<16xi32>,
      %get3A_145 = vector.shape_cast %get3A_144 : vector<16xi32> to vector<16xi32>
      %swap3A_146 = arith.constant 0 : index
      %swap3A_147 = tpu.vector_load %arg10[%swap3A_146] {strides = array<i32>} : memref<64xi32, #tpu.memory_space<vmem>>, vector<16xi32>,
      %swap3A_148 = vector.shape_cast %swap3A_147 : vector<16xi32> to vector<16xi32>
      %swap3A_149 = vector.shape_cast %get3A_145 : vector<16xi32> to vector<16xi32>
      tpu.vector_store %arg10[%swap3A_146], %swap3A_149 {strides = array<i32>} : memref<64xi32, #tpu.memory_space<vmem>>, vector<16xi32>,
      %mul3A_150 = arith.constant 64 : i32
      %mul3A_151 = arith.muli %add3A_138, %mul3A_150 : i32
      %add3A_152 = arith.constant 16 : i32
      %add3A_153 = arith.addi %mul3A_151, %add3A_152 : i32
      %get3A_154 = arith.index_cast %add3A_153 : i32 to index
      %get3A_155 = tpu.vector_load %arg8[%get3A_154] {strides = array<i32>} : memref<5000xi32, #tpu.memory_space<vmem>>, vector<16xi32>,
      %get3A_156 = vector.shape_cast %get3A_155 : vector<16xi32> to vector<16xi32>
      %swap3A_157 = arith.constant 16 : index
      %swap3A_158 = tpu.vector_load %arg10[%swap3A_157] {strides = array<i32>} : memref<64xi32, #tpu.memory_space<vmem>>, vector<16xi32>,
      %swap3A_159 = vector.shape_cast %swap3A_158 : vector<16xi32> to vector<16xi32>
      %swap3A_160 = vector.shape_cast %get3A_156 : vector<16xi32> to vector<16xi32>
      tpu.vector_store %arg10[%swap3A_157], %swap3A_160 {strides = array<i32>} : memref<64xi32, #tpu.memory_space<vmem>>, vector<16xi32>,
      %mul3A_161 = arith.constant 64 : i32
      %mul3A_162 = arith.muli %add3A_138, %mul3A_161 : i32
      %add3A_163 = arith.constant 32 : i32
      %add3A_164 = arith.addi %mul3A_162, %add3A_163 : i32
      %get3A_165 = arith.index_cast %add3A_164 : i32 to index
      %get3A_166 = tpu.vector_load %arg8[%get3A_165] {strides = array<i32>} : memref<5000xi32, #tpu.memory_space<vmem>>, vector<16xi32>,
      %get3A_167 = vector.shape_cast %get3A_166 : vector<16xi32> to vector<16xi32>
      %swap3A_168 = arith.constant 32 : index
      %swap3A_169 = tpu.vector_load %arg10[%swap3A_168] {strides = array<i32>} : memref<64xi32, #tpu.memory_space<vmem>>, vector<16xi32>,
      %swap3A_170 = vector.shape_cast %swap3A_169 : vector<16xi32> to vector<16xi32>
      %swap3A_171 = vector.shape_cast %get3A_167 : vector<16xi32> to vector<16xi32>
      tpu.vector_store %arg10[%swap3A_168], %swap3A_171 {strides = array<i32>} : memref<64xi32, #tpu.memory_space<vmem>>, vector<16xi32>,
      %mul3A_172 = arith.constant 64 : i32
      %mul3A_173 = arith.muli %add3A_138, %mul3A_172 : i32
      %add3A_174 = arith.constant 48 : i32
      %add3A_175 = arith.addi %mul3A_173, %add3A_174 : i32
      %get3A_176 = arith.index_cast %add3A_175 : i32 to index
      %get3A_177 = tpu.vector_load %arg8[%get3A_176] {strides = array<i32>} : memref<5000xi32, #tpu.memory_space<vmem>>, vector<16xi32>,
      %get3A_178 = vector.shape_cast %get3A_177 : vector<16xi32> to vector<16xi32>
      %swap3A_179 = arith.constant 48 : index
      %swap3A_180 = tpu.vector_load %arg10[%swap3A_179] {strides = array<i32>} : memref<64xi32, #tpu.memory_space<vmem>>, vector<16xi32>,
      %swap3A_181 = vector.shape_cast %swap3A_180 : vector<16xi32> to vector<16xi32>
      %swap3A_182 = vector.shape_cast %get3A_178 : vector<16xi32> to vector<16xi32>
      tpu.vector_store %arg10[%swap3A_179], %swap3A_182 {strides = array<i32>} : memref<64xi32, #tpu.memory_space<vmem>>, vector<16xi32>,
      "tpu.region"() ({
        %run_scoped3A = tpu.sem_alloc : memref<!tpu.dma_semaphore, #tpu.memory_space<semaphore_mem>>
        %dma_start3A_183 = arith.constant 0 : i32
        %dma_start3A_184 = arith.constant 0 : i32
        %dma_start3A_185 = tpu.memref_slice %arg5[%dma_start3A_183, %dma_start3A_184] : memref<10000x128xf32, #tpu.memory_space<vmem_shared>> -> memref<10000x128xf32, #tpu.memory_space<vmem_shared>>
        tpu.enqueue_indirect_dma source(%arg7 : memref<64x128xf32, #tpu.memory_space<vmem>>) target(%dma_start3A_185 : memref<10000x128xf32, #tpu.memory_space<vmem_shared>>) offsets(%arg10 : memref<64xi32, #tpu.memory_space<vmem>>) semaphore(%run_scoped3A : memref<!tpu.dma_semaphore, #tpu.memory_space<semaphore_mem>>) {add = true}
        %dma_wait3A_186 = arith.constant 0 : i32
        %dma_wait3A_187 = arith.constant 0 : i32
        %dma_wait3A_188 = tpu.memref_slice %arg5[%dma_wait3A_186, %dma_wait3A_187] : memref<10000x128xf32, #tpu.memory_space<vmem_shared>> -> memref<10000x128xf32, #tpu.memory_space<vmem_shared>>
        tpu.wait_indirect_dma semaphore(%run_scoped3A : memref<!tpu.dma_semaphore, #tpu.memory_space<semaphore_mem>>) src(%arg7 : memref<64x128xf32, #tpu.memory_space<vmem>>) dst(%dma_wait3A_188 : memref<10000x128xf32, #tpu.memory_space<vmem_shared>>)
        tpu.yield
      }) : () -> ()
    }
    %scan3A_36 = arith.constant 39 : i32
    %add3A_37 = arith.constant 4992 : i32
    %add3A_38 = arith.addi %mul3A_21, %add3A_37 : i32
    "tpu.region"() ({
      %run_scoped3A = tpu.sem_alloc : memref<!tpu.dma_semaphore, #tpu.memory_space<semaphore_mem>>
      %dma_start3A_69 = arith.constant 0 : i32
      %dma_start3A_70 = arith.constant 0 : i32
      %dma_start3A_71 = tpu.memref_slice %arg7[%dma_start3A_69, %dma_start3A_70] : memref<64x128xf32, #tpu.memory_space<vmem>> -> memref<8x128xf32, #tpu.memory_space<vmem>>
      %dma_start3A_72 = arith.constant 0 : i32
      %dma_start3A_73 = tpu.memref_slice %arg2[%add3A_38, %dma_start3A_72] : memref<80000x128xf32, #tpu.memory_space<hbm>> -> memref<8x128xf32, #tpu.memory_space<hbm>>
      %dma_start3A_74 = arith.constant 0 : i32
      %dma_start3A_75 = arith.constant 0 : i32
      %dma_start3A_76 = tpu.memref_slice %arg7[%dma_start3A_74, %dma_start3A_75] : memref<64x128xf32, #tpu.memory_space<vmem>> -> memref<8x128xf32, #tpu.memory_space<vmem>>
      %dma_start3A_77 = arith.constant 0 : i32
      %dma_start3A_78 = tpu.memref_slice %arg2[%add3A_38, %dma_start3A_77] : memref<80000x128xf32, #tpu.memory_space<hbm>> -> memref<8x128xf32, #tpu.memory_space<hbm>>
      tpu.enqueue_dma source(%dma_start3A_78 : memref<8x128xf32, #tpu.memory_space<hbm>>) target(%dma_start3A_76 : memref<8x128xf32, #tpu.memory_space<vmem>>) target_semaphore(%run_scoped3A : memref<!tpu.dma_semaphore, #tpu.memory_space<semaphore_mem>>)
      %dma_wait3A = arith.constant 0 : i32
      %dma_wait3A_79 = arith.constant 0 : i32
      %dma_wait3A_80 = tpu.memref_slice %arg7[%dma_wait3A, %dma_wait3A_79] : memref<64x128xf32, #tpu.memory_space<vmem>> -> memref<8x128xf32, #tpu.memory_space<vmem>>
      %dma_wait3A_81 = arith.constant 0 : i32
      %dma_wait3A_82 = tpu.memref_slice %arg2[%add3A_38, %dma_wait3A_81] : memref<80000x128xf32, #tpu.memory_space<hbm>> -> memref<8x128xf32, #tpu.memory_space<hbm>>
      %dma_wait3A_83 = arith.constant 0 : i32
      %dma_wait3A_84 = arith.constant 0 : i32
      %dma_wait3A_85 = tpu.memref_slice %arg7[%dma_wait3A_83, %dma_wait3A_84] : memref<64x128xf32, #tpu.memory_space<vmem>> -> memref<8x128xf32, #tpu.memory_space<vmem>>
      %dma_wait3A_86 = arith.constant 0 : i32
      %dma_wait3A_87 = tpu.memref_slice %arg2[%add3A_38, %dma_wait3A_86] : memref<80000x128xf32, #tpu.memory_space<hbm>> -> memref<8x128xf32, #tpu.memory_space<hbm>>
      tpu.wait_dma2 semaphore(%run_scoped3A : memref<!tpu.dma_semaphore, #tpu.memory_space<semaphore_mem>>) src(%dma_wait3A_87 : memref<8x128xf32, #tpu.memory_space<hbm>>) dst(%dma_wait3A_85 : memref<8x128xf32, #tpu.memory_space<vmem>>)
      tpu.yield
    }) : () -> ()
    %mul3A_39 = arith.constant 160000 : i32
    %mul3A_40 = arith.muli %arg0, %mul3A_39 : i32
    %add3A_41 = arith.constant 0 : i32
    %add3A_42 = arith.addi %mul3A_40, %add3A_41 : i32
    %add3A_43 = arith.addi %add3A_42, %add3A_38 : i32
    "tpu.region"() ({
      %run_scoped3A = tpu.sem_alloc : memref<!tpu.dma_semaphore, #tpu.memory_space<semaphore_mem>>
      %dma_start3A_69 = tpu.memref_slice %arg3[%add3A_43] : memref<320000xi32, #tpu.memory_space<hbm>> -> memref<8xi32, #tpu.memory_space<hbm>>
      %dma_start3A_70 = tpu.memref_slice %arg3[%add3A_43] : memref<320000xi32, #tpu.memory_space<hbm>> -> memref<8xi32, #tpu.memory_space<hbm>>
      tpu.enqueue_dma source(%dma_start3A_70 : memref<8xi32, #tpu.memory_space<hbm>>) target(%arg11 : memref<8xi32, #tpu.memory_space<vmem>>) target_semaphore(%run_scoped3A : memref<!tpu.dma_semaphore, #tpu.memory_space<semaphore_mem>>)
      %dma_wait3A = tpu.memref_slice %arg3[%add3A_43] : memref<320000xi32, #tpu.memory_space<hbm>> -> memref<8xi32, #tpu.memory_space<hbm>>
      %dma_wait3A_71 = tpu.memref_slice %arg3[%add3A_43] : memref<320000xi32, #tpu.memory_space<hbm>> -> memref<8xi32, #tpu.memory_space<hbm>>
      tpu.wait_dma2 semaphore(%run_scoped3A : memref<!tpu.dma_semaphore, #tpu.memory_space<semaphore_mem>>) src(%dma_wait3A_71 : memref<8xi32, #tpu.memory_space<hbm>>) dst(%arg11 : memref<8xi32, #tpu.memory_space<vmem>>)
      tpu.yield
    }) : () -> ()
    "tpu.region"() ({
      %run_scoped3A = tpu.sem_alloc : memref<!tpu.dma_semaphore, #tpu.memory_space<semaphore_mem>>
      %dma_start3A_69 = arith.constant 0 : i32
      %dma_start3A_70 = arith.constant 0 : i32
      %dma_start3A_71 = tpu.memref_slice %arg7[%dma_start3A_69, %dma_start3A_70] : memref<64x128xf32, #tpu.memory_space<vmem>> -> memref<8x128xf32, #tpu.memory_space<vmem>>
      %dma_start3A_72 = arith.constant 0 : i32
      %dma_start3A_73 = arith.constant 0 : i32
      %dma_start3A_74 = tpu.memref_slice %arg5[%dma_start3A_72, %dma_start3A_73] : memref<10000x128xf32, #tpu.memory_space<vmem_shared>> -> memref<10000x128xf32, #tpu.memory_space<vmem_shared>>
      tpu.enqueue_indirect_dma source(%dma_start3A_71 : memref<8x128xf32, #tpu.memory_space<vmem>>) target(%dma_start3A_74 : memref<10000x128xf32, #tpu.memory_space<vmem_shared>>) offsets(%arg11 : memref<8xi32, #tpu.memory_space<vmem>>) semaphore(%run_scoped3A : memref<!tpu.dma_semaphore, #tpu.memory_space<semaphore_mem>>) {add = true}
      %dma_wait3A = arith.constant 0 : i32
      %dma_wait3A_75 = arith.constant 0 : i32
      %dma_wait3A_76 = tpu.memref_slice %arg7[%dma_wait3A, %dma_wait3A_75] : memref<64x128xf32, #tpu.memory_space<vmem>> -> memref<8x128xf32, #tpu.memory_space<vmem>>
      %dma_wait3A_77 = arith.constant 0 : i32
      %dma_wait3A_78 = arith.constant 0 : i32
      %dma_wait3A_79 = tpu.memref_slice %arg5[%dma_wait3A_77, %dma_wait3A_78] : memref<10000x128xf32, #tpu.memory_space<vmem_shared>> -> memref<10000x128xf32, #tpu.memory_space<vmem_shared>>
      tpu.wait_indirect_dma semaphore(%run_scoped3A : memref<!tpu.dma_semaphore, #tpu.memory_space<semaphore_mem>>) src(%dma_wait3A_76 : memref<8x128xf32, #tpu.memory_space<vmem>>) dst(%dma_wait3A_79 : memref<10000x128xf32, #tpu.memory_space<vmem_shared>>)
      tpu.yield
    }) : () -> ()
    %barrier3A_44 = arith.constant 0 : index
    tpu.barrier barrier_id(%barrier3A_44)
    %lt3A_45 = arith.constant 2 : i32
    %lt3A_46 = arith.cmpi slt, %arg1, %lt3A_45 : i32
    %jit3A_47 = arith.constant 4 : i32
    %jit3A_48 = arith.constant 3 : i32
    %select_n3A_49 = arith.select %lt3A_46, %jit3A_47, %jit3A_48 : i32
    %sub3A_50 = arith.constant 0 : i32
    %sub3A_51 = arith.subi %select_n3A_49, %sub3A_50 : i32
    %sub3A_52 = arith.constant 1 : i32
    %sub3A_53 = arith.constant 1 : i32
    %sub3A_54 = arith.subi %sub3A_52, %sub3A_53 : i32
    %add3A_55 = arith.addi %sub3A_51, %sub3A_54 : i32
    %div3A_56 = arith.constant 1 : i32
    %div3A_57 = arith.divsi %add3A_55, %div3A_56 : i32
    %while3A_58 = arith.constant 1 : i32
    %while3A_59 = arith.constant 0 : i32
    %while3A_60 = arith.constant 0 : i32
    %while3A_61 = arith.subi %div3A_57, %while3A_60 : i32
    %while3A_62 = arith.addi %while3A_60, %while3A_61 : i32
    %while3A_63 = arith.constant 1 : i32
    %while3A_64 = arith.divsi %while3A_61, %while3A_63 : i32
    %while3A_65 = arith.muli %while3A_64, %while3A_63 : i32
    %while3A_66 = arith.addi %while3A_60, %while3A_65 : i32
    %while3A_67 = arith.constant 1 : i32
    scf.for %while3A_69 = %while3A_60 to %while3A_66 step %while3A_67  : i32 {
      %mul3A_70 = arith.muli %while3A_69, %while3A_58 : i32
      %add3A_71 = arith.addi %while3A_59, %mul3A_70 : i32
      %mul3A_72 = arith.constant 16 : i32
      %mul3A_73 = arith.muli %add3A_71, %mul3A_72 : i32
      %add3A_74 = arith.addi %arg1, %mul3A_73 : i32
      %mul3A_75 = arith.constant 200 : i32
      %mul3A_76 = arith.muli %add3A_74, %mul3A_75 : i32
      "tpu.region"() ({
        %run_scoped3A = tpu.sem_alloc : memref<!tpu.dma_semaphore, #tpu.memory_space<semaphore_mem>>
        %dma_start3A_77 = arith.constant 0 : i32
        %dma_start3A_78 = tpu.memref_slice %arg4[%arg0, %mul3A_76, %dma_start3A_77] : memref<2x10000x128xf32, #tpu.memory_space<hbm>> -> memref<1x200x128xf32, #tpu.memory_space<hbm>>
        %dma_start3A_79 = tpu.memref_squeeze %dma_start3A_78 : memref<1x200x128xf32, #tpu.memory_space<hbm>> -> memref<200x128xf32, #tpu.memory_space<hbm>>
        %dma_start3A_80 = arith.constant 0 : i32
        %dma_start3A_81 = tpu.memref_slice %arg5[%mul3A_76, %dma_start3A_80] : memref<10000x128xf32, #tpu.memory_space<vmem_shared>> -> memref<200x128xf32, #tpu.memory_space<vmem_shared>>
        tpu.enqueue_dma source(%dma_start3A_81 : memref<200x128xf32, #tpu.memory_space<vmem_shared>>) target(%dma_start3A_79 : memref<200x128xf32, #tpu.memory_space<hbm>>) target_semaphore(%run_scoped3A : memref<!tpu.dma_semaphore, #tpu.memory_space<semaphore_mem>>)
        %dma_wait3A = arith.constant 0 : i32
        %dma_wait3A_82 = tpu.memref_slice %arg4[%arg0, %mul3A_76, %dma_wait3A] : memref<2x10000x128xf32, #tpu.memory_space<hbm>> -> memref<1x200x128xf32, #tpu.memory_space<hbm>>
        %dma_wait3A_83 = tpu.memref_squeeze %dma_wait3A_82 : memref<1x200x128xf32, #tpu.memory_space<hbm>> -> memref<200x128xf32, #tpu.memory_space<hbm>>
        %dma_wait3A_84 = arith.constant 0 : i32
        %dma_wait3A_85 = tpu.memref_slice %arg5[%mul3A_76, %dma_wait3A_84] : memref<10000x128xf32, #tpu.memory_space<vmem_shared>> -> memref<200x128xf32, #tpu.memory_space<vmem_shared>>
        tpu.wait_dma2 semaphore(%run_scoped3A : memref<!tpu.dma_semaphore, #tpu.memory_space<semaphore_mem>>) src(%dma_wait3A_85 : memref<200x128xf32, #tpu.memory_space<vmem_shared>>) dst(%dma_wait3A_83 : memref<200x128xf32, #tpu.memory_space<hbm>>)
        tpu.yield
      }) : () -> ()
    }
    %while3A_68 = arith.constant 1 : i32
    scf.for %while3A_69 = %while3A_66 to %while3A_62 step %while3A_68  : i32 {
      %mul3A_70 = arith.muli %while3A_69, %while3A_58 : i32
      %add3A_71 = arith.addi %while3A_59, %mul3A_70 : i32
      %mul3A_72 = arith.constant 16 : i32
      %mul3A_73 = arith.muli %add3A_71, %mul3A_72 : i32
      %add3A_74 = arith.addi %arg1, %mul3A_73 : i32
      %mul3A_75 = arith.constant 200 : i32
      %mul3A_76 = arith.muli %add3A_74, %mul3A_75 : i32
      "tpu.region"() ({
        %run_scoped3A = tpu.sem_alloc : memref<!tpu.dma_semaphore, #tpu.memory_space<semaphore_mem>>
        %dma_start3A_77 = arith.constant 0 : i32
        %dma_start3A_78 = tpu.memref_slice %arg4[%arg0, %mul3A_76, %dma_start3A_77] : memref<2x10000x128xf32, #tpu.memory_space<hbm>> -> memref<1x200x128xf32, #tpu.memory_space<hbm>>
        %dma_start3A_79 = tpu.memref_squeeze %dma_start3A_78 : memref<1x200x128xf32, #tpu.memory_space<hbm>> -> memref<200x128xf32, #tpu.memory_space<hbm>>
        %dma_start3A_80 = arith.constant 0 : i32
        %dma_start3A_81 = tpu.memref_slice %arg5[%mul3A_76, %dma_start3A_80] : memref<10000x128xf32, #tpu.memory_space<vmem_shared>> -> memref<200x128xf32, #tpu.memory_space<vmem_shared>>
        tpu.enqueue_dma source(%dma_start3A_81 : memref<200x128xf32, #tpu.memory_space<vmem_shared>>) target(%dma_start3A_79 : memref<200x128xf32, #tpu.memory_space<hbm>>) target_semaphore(%run_scoped3A : memref<!tpu.dma_semaphore, #tpu.memory_space<semaphore_mem>>)
        %dma_wait3A = arith.constant 0 : i32
        %dma_wait3A_82 = tpu.memref_slice %arg4[%arg0, %mul3A_76, %dma_wait3A] : memref<2x10000x128xf32, #tpu.memory_space<hbm>> -> memref<1x200x128xf32, #tpu.memory_space<hbm>>
        %dma_wait3A_83 = tpu.memref_squeeze %dma_wait3A_82 : memref<1x200x128xf32, #tpu.memory_space<hbm>> -> memref<200x128xf32, #tpu.memory_space<hbm>>
        %dma_wait3A_84 = arith.constant 0 : i32
        %dma_wait3A_85 = tpu.memref_slice %arg5[%mul3A_76, %dma_wait3A_84] : memref<10000x128xf32, #tpu.memory_space<vmem_shared>> -> memref<200x128xf32, #tpu.memory_space<vmem_shared>>
        tpu.wait_dma2 semaphore(%run_scoped3A : memref<!tpu.dma_semaphore, #tpu.memory_space<semaphore_mem>>) src(%dma_wait3A_85 : memref<200x128xf32, #tpu.memory_space<vmem_shared>>) dst(%dma_wait3A_83 : memref<200x128xf32, #tpu.memory_space<hbm>>)
        tpu.yield
      }) : () -> ()
    }
    return
  }
}

#map = affine_map<(d0, d1) -> (0, 0)>
#map1 = affine_map<(d0, d1) -> (0)>
module attributes {stable_mosaic.version = 14 : i64} {
  func.func @k(%arg0: i32, %arg1: i32, %arg2: memref<10000x128xf32, #tpu.memory_space<hbm>>, %arg3: memref<320000xi32, #tpu.memory_space<hbm>>, %arg4: memref<160000x128xf32, #tpu.memory_space<hbm>>, %arg5: memref<5000xi32, #tpu.memory_space<vmem>>, %arg6: memref<128x128xf32, #tpu.memory_space<vmem>>, %arg7: memref<128x128xf32, #tpu.memory_space<vmem>>, %arg8: memref<!tpu.dma_semaphore, #tpu.memory_space<semaphore_mem>>, %arg9: memref<!tpu.dma_semaphore, #tpu.memory_space<semaphore_mem>>) attributes {dimension_semantics = [#tpu.dimension_semantics<core_parallel>, #tpu.dimension_semantics<subcore_parallel>], iteration_bounds = array<i64: 2, 16>, scalar_prefetch = 0 : i64, scratch_operands = 5 : i64, tpu.core_type = #tpu.core_type<sc_vector_subcore>, window_params = [{transform_indices = #map}, {transform_indices = #map1}, {transform_indices = #map}]} {
    %mul3A = arith.constant 160000 : i32
    %mul3A_0 = arith.muli %arg0, %mul3A : i32
    %add3A = arith.constant 80000 : i32
    %add3A_1 = arith.addi %mul3A_0, %add3A : i32
    %mul3A_2 = arith.constant 5000 : i32
    %mul3A_3 = arith.muli %arg1, %mul3A_2 : i32
    %add3A_4 = arith.addi %add3A_1, %mul3A_3 : i32
    %mul3A_5 = arith.constant 80000 : i32
    %mul3A_6 = arith.muli %arg0, %mul3A_5 : i32
    %mul3A_7 = arith.constant 5000 : i32
    %mul3A_8 = arith.muli %arg1, %mul3A_7 : i32
    %add3A_9 = arith.addi %mul3A_6, %mul3A_8 : i32
    "tpu.region"() ({
      %run_scoped3A = tpu.sem_alloc : memref<!tpu.dma_semaphore, #tpu.memory_space<semaphore_mem>>
      %dma_start3A_42 = tpu.memref_slice %arg3[%add3A_4] : memref<320000xi32, #tpu.memory_space<hbm>> -> memref<5000xi32, #tpu.memory_space<hbm>>
      %dma_start3A_43 = tpu.memref_slice %arg3[%add3A_4] : memref<320000xi32, #tpu.memory_space<hbm>> -> memref<5000xi32, #tpu.memory_space<hbm>>
      tpu.enqueue_dma source(%dma_start3A_43 : memref<5000xi32, #tpu.memory_space<hbm>>) target(%arg5 : memref<5000xi32, #tpu.memory_space<vmem>>) target_semaphore(%run_scoped3A : memref<!tpu.dma_semaphore, #tpu.memory_space<semaphore_mem>>)
      %dma_wait3A_44 = tpu.memref_slice %arg3[%add3A_4] : memref<320000xi32, #tpu.memory_space<hbm>> -> memref<5000xi32, #tpu.memory_space<hbm>>
      %dma_wait3A_45 = tpu.memref_slice %arg3[%add3A_4] : memref<320000xi32, #tpu.memory_space<hbm>> -> memref<5000xi32, #tpu.memory_space<hbm>>
      tpu.wait_dma2 semaphore(%run_scoped3A : memref<!tpu.dma_semaphore, #tpu.memory_space<semaphore_mem>>) src(%dma_wait3A_45 : memref<5000xi32, #tpu.memory_space<hbm>>) dst(%arg5 : memref<5000xi32, #tpu.memory_space<vmem>>)
      tpu.yield
    }) : () -> ()
    %dma_start3A = arith.constant 0 : i32
    %dma_start3A_10 = tpu.memref_slice %arg5[%dma_start3A] : memref<5000xi32, #tpu.memory_space<vmem>> -> memref<128xi32, #tpu.memory_space<vmem>>
    %dma_start3A_11 = arith.constant 0 : i32
    %dma_start3A_12 = arith.constant 0 : i32
    %dma_start3A_13 = tpu.memref_slice %arg2[%dma_start3A_11, %dma_start3A_12] : memref<10000x128xf32, #tpu.memory_space<hbm>> -> memref<10000x128xf32, #tpu.memory_space<hbm>>
    tpu.enqueue_indirect_dma source(%dma_start3A_13 : memref<10000x128xf32, #tpu.memory_space<hbm>>) target(%arg6 : memref<128x128xf32, #tpu.memory_space<vmem>>) offsets(%dma_start3A_10 : memref<128xi32, #tpu.memory_space<vmem>>) semaphore(%arg8 : memref<!tpu.dma_semaphore, #tpu.memory_space<semaphore_mem>>)
    %scan3A = arith.constant 0 : i32
    %scan3A_14 = arith.constant 19 : i32
    %scan3A_15 = arith.addi %scan3A, %scan3A_14 : i32
    %scan3A_16 = arith.constant 1 : i32
    scf.for %scan3A_42 = %scan3A to %scan3A_15 step %scan3A_16  : i32 {
      %mul3A_43 = arith.constant 2 : i32
      %mul3A_44 = arith.muli %scan3A_42, %mul3A_43 : i32
      %add3A_45 = arith.constant 0 : i32
      %add3A_46 = arith.addi %add3A_45, %mul3A_44 : i32
      %dma_wait3A_47 = arith.constant 0 : i32
      %dma_wait3A_48 = tpu.memref_slice %arg5[%dma_wait3A_47] : memref<5000xi32, #tpu.memory_space<vmem>> -> memref<128xi32, #tpu.memory_space<vmem>>
      %dma_wait3A_49 = arith.constant 0 : i32
      %dma_wait3A_50 = arith.constant 0 : i32
      %dma_wait3A_51 = tpu.memref_slice %arg2[%dma_wait3A_49, %dma_wait3A_50] : memref<10000x128xf32, #tpu.memory_space<hbm>> -> memref<10000x128xf32, #tpu.memory_space<hbm>>
      tpu.wait_indirect_dma semaphore(%arg8 : memref<!tpu.dma_semaphore, #tpu.memory_space<semaphore_mem>>) src(%dma_wait3A_51 : memref<10000x128xf32, #tpu.memory_space<hbm>>) dst(%arg6 : memref<128x128xf32, #tpu.memory_space<vmem>>)
      %add3A_52 = arith.constant 1 : i32
      %add3A_53 = arith.addi %add3A_46, %add3A_52 : i32
      %mul3A_54 = arith.constant 128 : i32
      %mul3A_55 = arith.muli %add3A_53, %mul3A_54 : i32
      %dma_start3A_56 = tpu.memref_slice %arg5[%mul3A_55] : memref<5000xi32, #tpu.memory_space<vmem>> -> memref<128xi32, #tpu.memory_space<vmem>>
      %dma_start3A_57 = arith.constant 0 : i32
      %dma_start3A_58 = arith.constant 0 : i32
      %dma_start3A_59 = tpu.memref_slice %arg2[%dma_start3A_57, %dma_start3A_58] : memref<10000x128xf32, #tpu.memory_space<hbm>> -> memref<10000x128xf32, #tpu.memory_space<hbm>>
      tpu.enqueue_indirect_dma source(%dma_start3A_59 : memref<10000x128xf32, #tpu.memory_space<hbm>>) target(%arg7 : memref<128x128xf32, #tpu.memory_space<vmem>>) offsets(%dma_start3A_56 : memref<128xi32, #tpu.memory_space<vmem>>) semaphore(%arg9 : memref<!tpu.dma_semaphore, #tpu.memory_space<semaphore_mem>>)
      %mul3A_60 = arith.constant 128 : i32
      %mul3A_61 = arith.muli %add3A_46, %mul3A_60 : i32
      %add3A_62 = arith.addi %add3A_9, %mul3A_61 : i32
      "tpu.region"() ({
        %run_scoped3A = tpu.sem_alloc : memref<!tpu.dma_semaphore, #tpu.memory_space<semaphore_mem>>
        %dma_start3A_77 = arith.constant 0 : i32
        %dma_start3A_78 = tpu.memref_slice %arg4[%add3A_62, %dma_start3A_77] : memref<160000x128xf32, #tpu.memory_space<hbm>> -> memref<128x128xf32, #tpu.memory_space<hbm>>
        %dma_start3A_79 = arith.constant 0 : i32
        %dma_start3A_80 = tpu.memref_slice %arg4[%add3A_62, %dma_start3A_79] : memref<160000x128xf32, #tpu.memory_space<hbm>> -> memref<128x128xf32, #tpu.memory_space<hbm>>
        tpu.enqueue_dma source(%arg6 : memref<128x128xf32, #tpu.memory_space<vmem>>) target(%dma_start3A_80 : memref<128x128xf32, #tpu.memory_space<hbm>>) target_semaphore(%run_scoped3A : memref<!tpu.dma_semaphore, #tpu.memory_space<semaphore_mem>>)
        %dma_wait3A_81 = arith.constant 0 : i32
        %dma_wait3A_82 = tpu.memref_slice %arg4[%add3A_62, %dma_wait3A_81] : memref<160000x128xf32, #tpu.memory_space<hbm>> -> memref<128x128xf32, #tpu.memory_space<hbm>>
        %dma_wait3A_83 = arith.constant 0 : i32
        %dma_wait3A_84 = tpu.memref_slice %arg4[%add3A_62, %dma_wait3A_83] : memref<160000x128xf32, #tpu.memory_space<hbm>> -> memref<128x128xf32, #tpu.memory_space<hbm>>
        tpu.wait_dma2 semaphore(%run_scoped3A : memref<!tpu.dma_semaphore, #tpu.memory_space<semaphore_mem>>) src(%arg6 : memref<128x128xf32, #tpu.memory_space<vmem>>) dst(%dma_wait3A_84 : memref<128x128xf32, #tpu.memory_space<hbm>>)
        tpu.yield
      }) : () -> ()
      %dma_wait3A_63 = arith.constant 0 : i32
      %dma_wait3A_64 = tpu.memref_slice %arg5[%dma_wait3A_63] : memref<5000xi32, #tpu.memory_space<vmem>> -> memref<128xi32, #tpu.memory_space<vmem>>
      %dma_wait3A_65 = arith.constant 0 : i32
      %dma_wait3A_66 = arith.constant 0 : i32
      %dma_wait3A_67 = tpu.memref_slice %arg2[%dma_wait3A_65, %dma_wait3A_66] : memref<10000x128xf32, #tpu.memory_space<hbm>> -> memref<10000x128xf32, #tpu.memory_space<hbm>>
      tpu.wait_indirect_dma semaphore(%arg9 : memref<!tpu.dma_semaphore, #tpu.memory_space<semaphore_mem>>) src(%dma_wait3A_67 : memref<10000x128xf32, #tpu.memory_space<hbm>>) dst(%arg7 : memref<128x128xf32, #tpu.memory_space<vmem>>)
      %add3A_68 = arith.constant 2 : i32
      %add3A_69 = arith.addi %add3A_46, %add3A_68 : i32
      %lt3A = arith.constant 39 : i32
      %lt3A_70 = arith.cmpi slt, %add3A_69, %lt3A : i32
      %convert_element_type3A = arith.extui %lt3A_70 : i1 to i32
      %cond3A = arith.constant 0 : i32
      %cond3A_71 = arith.cmpi ne, %convert_element_type3A, %cond3A : i32
      scf.if %cond3A_71 {
        %add3A_77 = arith.constant 2 : i32
        %add3A_78 = arith.addi %add3A_46, %add3A_77 : i32
        %mul3A_79 = arith.constant 128 : i32
        %mul3A_80 = arith.muli %add3A_78, %mul3A_79 : i32
        %dma_start3A_81 = tpu.memref_slice %arg5[%mul3A_80] : memref<5000xi32, #tpu.memory_space<vmem>> -> memref<128xi32, #tpu.memory_space<vmem>>
        %dma_start3A_82 = arith.constant 0 : i32
        %dma_start3A_83 = arith.constant 0 : i32
        %dma_start3A_84 = tpu.memref_slice %arg2[%dma_start3A_82, %dma_start3A_83] : memref<10000x128xf32, #tpu.memory_space<hbm>> -> memref<10000x128xf32, #tpu.memory_space<hbm>>
        tpu.enqueue_indirect_dma source(%dma_start3A_84 : memref<10000x128xf32, #tpu.memory_space<hbm>>) target(%arg6 : memref<128x128xf32, #tpu.memory_space<vmem>>) offsets(%dma_start3A_81 : memref<128xi32, #tpu.memory_space<vmem>>) semaphore(%arg8 : memref<!tpu.dma_semaphore, #tpu.memory_space<semaphore_mem>>)
      } else {
      }
      %add3A_72 = arith.constant 1 : i32
      %add3A_73 = arith.addi %add3A_46, %add3A_72 : i32
      %mul3A_74 = arith.constant 128 : i32
      %mul3A_75 = arith.muli %add3A_73, %mul3A_74 : i32
      %add3A_76 = arith.addi %add3A_9, %mul3A_75 : i32
      "tpu.region"() ({
        %run_scoped3A = tpu.sem_alloc : memref<!tpu.dma_semaphore, #tpu.memory_space<semaphore_mem>>
        %dma_start3A_77 = arith.constant 0 : i32
        %dma_start3A_78 = tpu.memref_slice %arg4[%add3A_76, %dma_start3A_77] : memref<160000x128xf32, #tpu.memory_space<hbm>> -> memref<128x128xf32, #tpu.memory_space<hbm>>
        %dma_start3A_79 = arith.constant 0 : i32
        %dma_start3A_80 = tpu.memref_slice %arg4[%add3A_76, %dma_start3A_79] : memref<160000x128xf32, #tpu.memory_space<hbm>> -> memref<128x128xf32, #tpu.memory_space<hbm>>
        tpu.enqueue_dma source(%arg7 : memref<128x128xf32, #tpu.memory_space<vmem>>) target(%dma_start3A_80 : memref<128x128xf32, #tpu.memory_space<hbm>>) target_semaphore(%run_scoped3A : memref<!tpu.dma_semaphore, #tpu.memory_space<semaphore_mem>>)
        %dma_wait3A_81 = arith.constant 0 : i32
        %dma_wait3A_82 = tpu.memref_slice %arg4[%add3A_76, %dma_wait3A_81] : memref<160000x128xf32, #tpu.memory_space<hbm>> -> memref<128x128xf32, #tpu.memory_space<hbm>>
        %dma_wait3A_83 = arith.constant 0 : i32
        %dma_wait3A_84 = tpu.memref_slice %arg4[%add3A_76, %dma_wait3A_83] : memref<160000x128xf32, #tpu.memory_space<hbm>> -> memref<128x128xf32, #tpu.memory_space<hbm>>
        tpu.wait_dma2 semaphore(%run_scoped3A : memref<!tpu.dma_semaphore, #tpu.memory_space<semaphore_mem>>) src(%arg7 : memref<128x128xf32, #tpu.memory_space<vmem>>) dst(%dma_wait3A_84 : memref<128x128xf32, #tpu.memory_space<hbm>>)
        tpu.yield
      }) : () -> ()
    }
    %scan3A_17 = arith.constant 19 : i32
    %dma_wait3A = arith.constant 0 : i32
    %dma_wait3A_18 = tpu.memref_slice %arg5[%dma_wait3A] : memref<5000xi32, #tpu.memory_space<vmem>> -> memref<128xi32, #tpu.memory_space<vmem>>
    %dma_wait3A_19 = arith.constant 0 : i32
    %dma_wait3A_20 = arith.constant 0 : i32
    %dma_wait3A_21 = tpu.memref_slice %arg2[%dma_wait3A_19, %dma_wait3A_20] : memref<10000x128xf32, #tpu.memory_space<hbm>> -> memref<10000x128xf32, #tpu.memory_space<hbm>>
    tpu.wait_indirect_dma semaphore(%arg8 : memref<!tpu.dma_semaphore, #tpu.memory_space<semaphore_mem>>) src(%dma_wait3A_21 : memref<10000x128xf32, #tpu.memory_space<hbm>>) dst(%arg6 : memref<128x128xf32, #tpu.memory_space<vmem>>)
    %add3A_22 = arith.constant 4864 : i32
    %add3A_23 = arith.addi %add3A_9, %add3A_22 : i32
    "tpu.region"() ({
      %run_scoped3A = tpu.sem_alloc : memref<!tpu.dma_semaphore, #tpu.memory_space<semaphore_mem>>
      %dma_start3A_42 = arith.constant 0 : i32
      %dma_start3A_43 = tpu.memref_slice %arg4[%add3A_23, %dma_start3A_42] : memref<160000x128xf32, #tpu.memory_space<hbm>> -> memref<128x128xf32, #tpu.memory_space<hbm>>
      %dma_start3A_44 = arith.constant 0 : i32
      %dma_start3A_45 = tpu.memref_slice %arg4[%add3A_23, %dma_start3A_44] : memref<160000x128xf32, #tpu.memory_space<hbm>> -> memref<128x128xf32, #tpu.memory_space<hbm>>
      tpu.enqueue_dma source(%arg6 : memref<128x128xf32, #tpu.memory_space<vmem>>) target(%dma_start3A_45 : memref<128x128xf32, #tpu.memory_space<hbm>>) target_semaphore(%run_scoped3A : memref<!tpu.dma_semaphore, #tpu.memory_space<semaphore_mem>>)
      %dma_wait3A_46 = arith.constant 0 : i32
      %dma_wait3A_47 = tpu.memref_slice %arg4[%add3A_23, %dma_wait3A_46] : memref<160000x128xf32, #tpu.memory_space<hbm>> -> memref<128x128xf32, #tpu.memory_space<hbm>>
      %dma_wait3A_48 = arith.constant 0 : i32
      %dma_wait3A_49 = tpu.memref_slice %arg4[%add3A_23, %dma_wait3A_48] : memref<160000x128xf32, #tpu.memory_space<hbm>> -> memref<128x128xf32, #tpu.memory_space<hbm>>
      tpu.wait_dma2 semaphore(%run_scoped3A : memref<!tpu.dma_semaphore, #tpu.memory_space<semaphore_mem>>) src(%arg6 : memref<128x128xf32, #tpu.memory_space<vmem>>) dst(%dma_wait3A_49 : memref<128x128xf32, #tpu.memory_space<hbm>>)
      tpu.yield
    }) : () -> ()
    %dma_start3A_24 = arith.constant 0 : i32
    %dma_start3A_25 = arith.constant 0 : i32
    %dma_start3A_26 = tpu.memref_slice %arg7[%dma_start3A_24, %dma_start3A_25] : memref<128x128xf32, #tpu.memory_space<vmem>> -> memref<8x128xf32, #tpu.memory_space<vmem>>
    %dma_start3A_27 = arith.constant 4992 : i32
    %dma_start3A_28 = tpu.memref_slice %arg5[%dma_start3A_27] : memref<5000xi32, #tpu.memory_space<vmem>> -> memref<8xi32, #tpu.memory_space<vmem>>
    %dma_start3A_29 = arith.constant 0 : i32
    %dma_start3A_30 = arith.constant 0 : i32
    %dma_start3A_31 = tpu.memref_slice %arg2[%dma_start3A_29, %dma_start3A_30] : memref<10000x128xf32, #tpu.memory_space<hbm>> -> memref<10000x128xf32, #tpu.memory_space<hbm>>
    tpu.enqueue_indirect_dma source(%dma_start3A_31 : memref<10000x128xf32, #tpu.memory_space<hbm>>) target(%dma_start3A_26 : memref<8x128xf32, #tpu.memory_space<vmem>>) offsets(%dma_start3A_28 : memref<8xi32, #tpu.memory_space<vmem>>) semaphore(%arg9 : memref<!tpu.dma_semaphore, #tpu.memory_space<semaphore_mem>>)
    %dma_wait3A_32 = arith.constant 0 : i32
    %dma_wait3A_33 = arith.constant 0 : i32
    %dma_wait3A_34 = tpu.memref_slice %arg7[%dma_wait3A_32, %dma_wait3A_33] : memref<128x128xf32, #tpu.memory_space<vmem>> -> memref<8x128xf32, #tpu.memory_space<vmem>>
    %dma_wait3A_35 = arith.constant 4992 : i32
    %dma_wait3A_36 = tpu.memref_slice %arg5[%dma_wait3A_35] : memref<5000xi32, #tpu.memory_space<vmem>> -> memref<8xi32, #tpu.memory_space<vmem>>
    %dma_wait3A_37 = arith.constant 0 : i32
    %dma_wait3A_38 = arith.constant 0 : i32
    %dma_wait3A_39 = tpu.memref_slice %arg2[%dma_wait3A_37, %dma_wait3A_38] : memref<10000x128xf32, #tpu.memory_space<hbm>> -> memref<10000x128xf32, #tpu.memory_space<hbm>>
    tpu.wait_indirect_dma semaphore(%arg9 : memref<!tpu.dma_semaphore, #tpu.memory_space<semaphore_mem>>) src(%dma_wait3A_39 : memref<10000x128xf32, #tpu.memory_space<hbm>>) dst(%dma_wait3A_34 : memref<8x128xf32, #tpu.memory_space<vmem>>)
    %add3A_40 = arith.constant 4992 : i32
    %add3A_41 = arith.addi %add3A_9, %add3A_40 : i32
    "tpu.region"() ({
      %run_scoped3A = tpu.sem_alloc : memref<!tpu.dma_semaphore, #tpu.memory_space<semaphore_mem>>
      %dma_start3A_42 = arith.constant 0 : i32
      %dma_start3A_43 = arith.constant 0 : i32
      %dma_start3A_44 = tpu.memref_slice %arg7[%dma_start3A_42, %dma_start3A_43] : memref<128x128xf32, #tpu.memory_space<vmem>> -> memref<8x128xf32, #tpu.memory_space<vmem>>
      %dma_start3A_45 = arith.constant 0 : i32
      %dma_start3A_46 = tpu.memref_slice %arg4[%add3A_41, %dma_start3A_45] : memref<160000x128xf32, #tpu.memory_space<hbm>> -> memref<8x128xf32, #tpu.memory_space<hbm>>
      %dma_start3A_47 = arith.constant 0 : i32
      %dma_start3A_48 = tpu.memref_slice %arg4[%add3A_41, %dma_start3A_47] : memref<160000x128xf32, #tpu.memory_space<hbm>> -> memref<8x128xf32, #tpu.memory_space<hbm>>
      %dma_start3A_49 = arith.constant 0 : i32
      %dma_start3A_50 = arith.constant 0 : i32
      %dma_start3A_51 = tpu.memref_slice %arg7[%dma_start3A_49, %dma_start3A_50] : memref<128x128xf32, #tpu.memory_space<vmem>> -> memref<8x128xf32, #tpu.memory_space<vmem>>
      tpu.enqueue_dma source(%dma_start3A_51 : memref<8x128xf32, #tpu.memory_space<vmem>>) target(%dma_start3A_48 : memref<8x128xf32, #tpu.memory_space<hbm>>) target_semaphore(%run_scoped3A : memref<!tpu.dma_semaphore, #tpu.memory_space<semaphore_mem>>)
      %dma_wait3A_52 = arith.constant 0 : i32
      %dma_wait3A_53 = arith.constant 0 : i32
      %dma_wait3A_54 = tpu.memref_slice %arg7[%dma_wait3A_52, %dma_wait3A_53] : memref<128x128xf32, #tpu.memory_space<vmem>> -> memref<8x128xf32, #tpu.memory_space<vmem>>
      %dma_wait3A_55 = arith.constant 0 : i32
      %dma_wait3A_56 = tpu.memref_slice %arg4[%add3A_41, %dma_wait3A_55] : memref<160000x128xf32, #tpu.memory_space<hbm>> -> memref<8x128xf32, #tpu.memory_space<hbm>>
      %dma_wait3A_57 = arith.constant 0 : i32
      %dma_wait3A_58 = tpu.memref_slice %arg4[%add3A_41, %dma_wait3A_57] : memref<160000x128xf32, #tpu.memory_space<hbm>> -> memref<8x128xf32, #tpu.memory_space<hbm>>
      %dma_wait3A_59 = arith.constant 0 : i32
      %dma_wait3A_60 = arith.constant 0 : i32
      %dma_wait3A_61 = tpu.memref_slice %arg7[%dma_wait3A_59, %dma_wait3A_60] : memref<128x128xf32, #tpu.memory_space<vmem>> -> memref<8x128xf32, #tpu.memory_space<vmem>>
      tpu.wait_dma2 semaphore(%run_scoped3A : memref<!tpu.dma_semaphore, #tpu.memory_space<semaphore_mem>>) src(%dma_wait3A_61 : memref<8x128xf32, #tpu.memory_space<vmem>>) dst(%dma_wait3A_58 : memref<8x128xf32, #tpu.memory_space<hbm>>)
      tpu.yield
    }) : () -> ()
    return
  }
}

module attributes {stable_mosaic.version = 14 : i64} {
  func.func @body(%arg0: i32, %arg1: memref<1000x128xf32, #tpu.memory_space<vmem>>, %arg2: memref<128x128xf32, #tpu.memory_space<vmem>>, %arg3: memref<1x128xf32, #tpu.memory_space<vmem>>, %arg4: memref<1000x128xf32, #tpu.memory_space<vmem>>) attributes {dimension_semantics = [#tpu.dimension_semantics<arbitrary>], iteration_bounds = array<i64: 10>, scalar_prefetch = 0 : i64, scratch_operands = 0 : i64, tpu.core_type = #tpu.core_type<tc>, window_params = [{transform_indices = @transform_0, window_bounds = array<i64: 1000, 128>}, {pipeline_mode = #tpu.pipeline_mode<synchronous>, transform_indices = @transform_1, window_bounds = array<i64: 128, 128>}, {pipeline_mode = #tpu.pipeline_mode<synchronous>, transform_indices = @transform_2, window_bounds = array<i64: 1, 128>}, {transform_indices = @transform_3, window_bounds = array<i64: 1000, 128>}]} {
    %get3A = arith.constant 0 : index
    %get3A_0 = arith.constant 0 : index
    %get3A_1 = vector.load %arg1[%get3A, %get3A_0] : memref<1000x128xf32, #tpu.memory_space<vmem>>, vector<1000x128xf32>
    %get3A_2 = arith.constant 0 : index
    %get3A_3 = arith.constant 0 : index
    %get3A_4 = vector.load %arg2[%get3A_2, %get3A_3] : memref<128x128xf32, #tpu.memory_space<vmem>>, vector<128x128xf32>
    %dot_general3A = arith.constant dense<0.000000e+00> : vector<1000x128xf32>
    %dot_general3A_5 = tpu.matmul %get3A_1, %get3A_4, %dot_general3A {dimension_numbers = #tpu.dot_dimension_numbers<[1], [0], [0], [1], [0, 0, 1, 1], [], []>, transpose_lhs_hint = false} : vector<1000x128xf32>, vector<128x128xf32>, vector<1000x128xf32> -> vector<1000x128xf32>
    %get3A_6 = arith.constant 0 : index
    %get3A_7 = arith.constant 0 : index
    %get3A_8 = vector.load %arg3[%get3A_6, %get3A_7] : memref<1x128xf32, #tpu.memory_space<vmem>>, vector<1x128xf32>
    %add3A = vector.broadcast %get3A_8 : vector<1x128xf32> to vector<1000x128xf32>
    %add3A_9 = arith.addf %dot_general3A_5, %add3A : vector<1000x128xf32>
    %swap3A = arith.constant 0 : index
    %swap3A_10 = arith.constant 0 : index
    %swap3A_11 = vector.load %arg4[%swap3A, %swap3A_10] : memref<1000x128xf32, #tpu.memory_space<vmem>>, vector<1000x128xf32>
    tpu.vector_store %arg4[%swap3A, %swap3A_10], %add3A_9 {strides = array<i32>} : memref<1000x128xf32, #tpu.memory_space<vmem>>, vector<1000x128xf32>,
    return
  }
  func.func @transform_0(%arg0: i32) -> (i32, i32) {
    %c0_i32 = arith.constant 0 : i32
    %c0_i32_0 = arith.constant 0 : i32
    return %arg0, %c0_i32 : i32, i32
  }
  func.func @transform_1(%arg0: i32) -> (i32, i32) {
    %c0_i32 = arith.constant 0 : i32
    %c0_i32_0 = arith.constant 0 : i32
    %c0_i32_1 = arith.constant 0 : i32
    return %c0_i32, %c0_i32_0 : i32, i32
  }
  func.func @transform_2(%arg0: i32) -> (i32, i32) {
    %c0_i32 = arith.constant 0 : i32
    %c0_i32_0 = arith.constant 0 : i32
    %c0_i32_1 = arith.constant 0 : i32
    return %c0_i32, %c0_i32_0 : i32, i32
  }
  func.func @transform_3(%arg0: i32) -> (i32, i32) {
    %c0_i32 = arith.constant 0 : i32
    %c0_i32_0 = arith.constant 0 : i32
    return %arg0, %c0_i32 : i32, i32
  }
}

module attributes {stable_mosaic.version = 14 : i64} {
  func.func @body(%arg0: i32, %arg1: memref<2000x128xf32, #tpu.memory_space<vmem>>, %arg2: memref<2000x128xf32, #tpu.memory_space<vmem>>, %arg3: memref<2000x16xf32, #tpu.memory_space<vmem>>, %arg4: memref<16x128xf32, #tpu.memory_space<vmem>>, %arg5: memref<1x128xf32, #tpu.memory_space<vmem>>, %arg6: memref<128x256xf32, #tpu.memory_space<vmem>>, %arg7: memref<128x256xf32, #tpu.memory_space<vmem>>, %arg8: memref<128x256xf32, #tpu.memory_space<vmem>>, %arg9: memref<256x128xf32, #tpu.memory_space<vmem>>, %arg10: memref<1x256xf32, #tpu.memory_space<vmem>>, %arg11: memref<1x128xf32, #tpu.memory_space<vmem>>, %arg12: memref<2000x128xf32, #tpu.memory_space<vmem>>) attributes {dimension_semantics = [#tpu.dimension_semantics<arbitrary>], iteration_bounds = array<i64: 40>, scalar_prefetch = 0 : i64, scratch_operands = 0 : i64, tpu.core_type = #tpu.core_type<tc>, window_params = [{transform_indices = @transform_0, window_bounds = array<i64: 2000, 128>}, {transform_indices = @transform_1, window_bounds = array<i64: 2000, 128>}, {transform_indices = @transform_2, window_bounds = array<i64: 2000, 16>}, {pipeline_mode = #tpu.pipeline_mode<synchronous>, transform_indices = @transform_3, window_bounds = array<i64: 16, 128>}, {pipeline_mode = #tpu.pipeline_mode<synchronous>, transform_indices = @transform_4, window_bounds = array<i64: 1, 128>}, {pipeline_mode = #tpu.pipeline_mode<synchronous>, transform_indices = @transform_5, window_bounds = array<i64: 128, 256>}, {pipeline_mode = #tpu.pipeline_mode<synchronous>, transform_indices = @transform_6, window_bounds = array<i64: 128, 256>}, {pipeline_mode = #tpu.pipeline_mode<synchronous>, transform_indices = @transform_7, window_bounds = array<i64: 128, 256>}, {pipeline_mode = #tpu.pipeline_mode<synchronous>, transform_indices = @transform_8, window_bounds = array<i64: 256, 128>}, {pipeline_mode = #tpu.pipeline_mode<synchronous>, transform_indices = @transform_9, window_bounds = array<i64: 1, 256>}, {pipeline_mode = #tpu.pipeline_mode<synchronous>, transform_indices = @transform_10, window_bounds = array<i64: 1, 128>}, {transform_indices = @transform_11, window_bounds = array<i64: 2000, 128>}]} {
    %get3A = arith.constant 0 : index
    %get3A_0 = arith.constant 0 : index
    %get3A_1 = vector.load %arg3[%get3A, %get3A_0] : memref<2000x16xf32, #tpu.memory_space<vmem>>, vector<2000x16xf32>
    %get3A_2 = arith.constant 0 : index
    %get3A_3 = arith.constant 0 : index
    %get3A_4 = vector.load %arg4[%get3A_2, %get3A_3] : memref<16x128xf32, #tpu.memory_space<vmem>>, vector<16x128xf32>
    %dot_general3A = arith.constant dense<0.000000e+00> : vector<2000x128xf32>
    %dot_general3A_5 = tpu.matmul %get3A_1, %get3A_4, %dot_general3A {dimension_numbers = #tpu.dot_dimension_numbers<[1], [0], [0], [1], [0, 0, 1, 1], [], []>, transpose_lhs_hint = false} : vector<2000x16xf32>, vector<16x128xf32>, vector<2000x128xf32> -> vector<2000x128xf32>
    %get3A_6 = arith.constant 0 : index
    %get3A_7 = arith.constant 0 : index
    %get3A_8 = vector.load %arg5[%get3A_6, %get3A_7] : memref<1x128xf32, #tpu.memory_space<vmem>>, vector<1x128xf32>
    %add3A = vector.broadcast %get3A_8 : vector<1x128xf32> to vector<2000x128xf32>
    %add3A_9 = arith.addf %dot_general3A_5, %add3A : vector<2000x128xf32>
    %get3A_10 = arith.constant 0 : index
    %get3A_11 = arith.constant 0 : index
    %get3A_12 = vector.load %arg6[%get3A_10, %get3A_11] : memref<128x256xf32, #tpu.memory_space<vmem>>, vector<128x256xf32>
    %dot_general3A_13 = arith.constant dense<0.000000e+00> : vector<2000x256xf32>
    %dot_general3A_14 = tpu.matmul %add3A_9, %get3A_12, %dot_general3A_13 {dimension_numbers = #tpu.dot_dimension_numbers<[1], [0], [0], [1], [0, 0, 1, 1], [], []>, transpose_lhs_hint = false} : vector<2000x128xf32>, vector<128x256xf32>, vector<2000x256xf32> -> vector<2000x256xf32>
    %get3A_15 = arith.constant 0 : index
    %get3A_16 = arith.constant 0 : index
    %get3A_17 = vector.load %arg1[%get3A_15, %get3A_16] : memref<2000x128xf32, #tpu.memory_space<vmem>>, vector<2000x128xf32>
    %get3A_18 = arith.constant 0 : index
    %get3A_19 = arith.constant 0 : index
    %get3A_20 = vector.load %arg7[%get3A_18, %get3A_19] : memref<128x256xf32, #tpu.memory_space<vmem>>, vector<128x256xf32>
    %dot_general3A_21 = arith.constant dense<0.000000e+00> : vector<2000x256xf32>
    %dot_general3A_22 = tpu.matmul %get3A_17, %get3A_20, %dot_general3A_21 {dimension_numbers = #tpu.dot_dimension_numbers<[1], [0], [0], [1], [0, 0, 1, 1], [], []>, transpose_lhs_hint = false} : vector<2000x128xf32>, vector<128x256xf32>, vector<2000x256xf32> -> vector<2000x256xf32>
    %add3A_23 = arith.addf %dot_general3A_14, %dot_general3A_22 : vector<2000x256xf32>
    %get3A_24 = arith.constant 0 : index
    %get3A_25 = arith.constant 0 : index
    %get3A_26 = vector.load %arg2[%get3A_24, %get3A_25] : memref<2000x128xf32, #tpu.memory_space<vmem>>, vector<2000x128xf32>
    %get3A_27 = arith.constant 0 : index
    %get3A_28 = arith.constant 0 : index
    %get3A_29 = vector.load %arg8[%get3A_27, %get3A_28] : memref<128x256xf32, #tpu.memory_space<vmem>>, vector<128x256xf32>
    %dot_general3A_30 = arith.constant dense<0.000000e+00> : vector<2000x256xf32>
    %dot_general3A_31 = tpu.matmul %get3A_26, %get3A_29, %dot_general3A_30 {dimension_numbers = #tpu.dot_dimension_numbers<[1], [0], [0], [1], [0, 0, 1, 1], [], []>, transpose_lhs_hint = false} : vector<2000x128xf32>, vector<128x256xf32>, vector<2000x256xf32> -> vector<2000x256xf32>
    %add3A_32 = arith.addf %add3A_23, %dot_general3A_31 : vector<2000x256xf32>
    %get3A_33 = arith.constant 0 : index
    %get3A_34 = arith.constant 0 : index
    %get3A_35 = vector.load %arg10[%get3A_33, %get3A_34] : memref<1x256xf32, #tpu.memory_space<vmem>>, vector<1x256xf32>
    %add3A_36 = vector.broadcast %get3A_35 : vector<1x256xf32> to vector<2000x256xf32>
    %add3A_37 = arith.addf %add3A_32, %add3A_36 : vector<2000x256xf32>
    %max3A = arith.constant 0.000000e+00 : f32
    %max3A_38 = vector.broadcast %max3A : f32 to vector<2000x256xf32>
    %max3A_39 = arith.maximumf %add3A_37, %max3A_38 : vector<2000x256xf32>
    %get3A_40 = arith.constant 0 : index
    %get3A_41 = arith.constant 0 : index
    %get3A_42 = vector.load %arg9[%get3A_40, %get3A_41] : memref<256x128xf32, #tpu.memory_space<vmem>>, vector<256x128xf32>
    %dot_general3A_43 = arith.constant dense<0.000000e+00> : vector<2000x128xf32>
    %dot_general3A_44 = tpu.matmul %max3A_39, %get3A_42, %dot_general3A_43 {dimension_numbers = #tpu.dot_dimension_numbers<[1], [0], [0], [1], [0, 0, 1, 1], [], []>, transpose_lhs_hint = false} : vector<2000x256xf32>, vector<256x128xf32>, vector<2000x128xf32> -> vector<2000x128xf32>
    %get3A_45 = arith.constant 0 : index
    %get3A_46 = arith.constant 0 : index
    %get3A_47 = vector.load %arg11[%get3A_45, %get3A_46] : memref<1x128xf32, #tpu.memory_space<vmem>>, vector<1x128xf32>
    %add3A_48 = vector.broadcast %get3A_47 : vector<1x128xf32> to vector<2000x128xf32>
    %add3A_49 = arith.addf %dot_general3A_44, %add3A_48 : vector<2000x128xf32>
    %swap3A = arith.constant 0 : index
    %swap3A_50 = arith.constant 0 : index
    %swap3A_51 = vector.load %arg12[%swap3A, %swap3A_50] : memref<2000x128xf32, #tpu.memory_space<vmem>>, vector<2000x128xf32>
    tpu.vector_store %arg12[%swap3A, %swap3A_50], %add3A_49 {strides = array<i32>} : memref<2000x128xf32, #tpu.memory_space<vmem>>, vector<2000x128xf32>,
    return
  }
  func.func @transform_0(%arg0: i32) -> (i32, i32) {
    %c0_i32 = arith.constant 0 : i32
    %c0_i32_0 = arith.constant 0 : i32
    return %arg0, %c0_i32 : i32, i32
  }
  func.func @transform_1(%arg0: i32) -> (i32, i32) {
    %add3A = arith.constant 40 : i32
    %add3A_0 = arith.addi %arg0, %add3A : i32
    %c0_i32 = arith.constant 0 : i32
    %c0_i32_1 = arith.constant 0 : i32
    return %add3A_0, %c0_i32 : i32, i32
  }
  func.func @transform_2(%arg0: i32) -> (i32, i32) {
    %add3A = arith.constant 40 : i32
    %add3A_0 = arith.addi %arg0, %add3A : i32
    %c0_i32 = arith.constant 0 : i32
    %c0_i32_1 = arith.constant 0 : i32
    return %add3A_0, %c0_i32 : i32, i32
  }
  func.func @transform_3(%arg0: i32) -> (i32, i32) {
    %c0_i32 = arith.constant 0 : i32
    %c0_i32_0 = arith.constant 0 : i32
    %c0_i32_1 = arith.constant 0 : i32
    return %c0_i32, %c0_i32_0 : i32, i32
  }
  func.func @transform_4(%arg0: i32) -> (i32, i32) {
    %c0_i32 = arith.constant 0 : i32
    %c0_i32_0 = arith.constant 0 : i32
    %c0_i32_1 = arith.constant 0 : i32
    return %c0_i32, %c0_i32_0 : i32, i32
  }
  func.func @transform_5(%arg0: i32) -> (i32, i32) {
    %c0_i32 = arith.constant 0 : i32
    %c0_i32_0 = arith.constant 0 : i32
    %c0_i32_1 = arith.constant 0 : i32
    return %c0_i32, %c0_i32_0 : i32, i32
  }
  func.func @transform_6(%arg0: i32) -> (i32, i32) {
    %c0_i32 = arith.constant 0 : i32
    %c0_i32_0 = arith.constant 0 : i32
    %c0_i32_1 = arith.constant 0 : i32
    return %c0_i32, %c0_i32_0 : i32, i32
  }
  func.func @transform_7(%arg0: i32) -> (i32, i32) {
    %c0_i32 = arith.constant 0 : i32
    %c0_i32_0 = arith.constant 0 : i32
    %c0_i32_1 = arith.constant 0 : i32
    return %c0_i32, %c0_i32_0 : i32, i32
  }
  func.func @transform_8(%arg0: i32) -> (i32, i32) {
    %c0_i32 = arith.constant 0 : i32
    %c0_i32_0 = arith.constant 0 : i32
    %c0_i32_1 = arith.constant 0 : i32
    return %c0_i32, %c0_i32_0 : i32, i32
  }
  func.func @transform_9(%arg0: i32) -> (i32, i32) {
    %c0_i32 = arith.constant 0 : i32
    %c0_i32_0 = arith.constant 0 : i32
    %c0_i32_1 = arith.constant 0 : i32
    return %c0_i32, %c0_i32_0 : i32, i32
  }
  func.func @transform_10(%arg0: i32) -> (i32, i32) {
    %c0_i32 = arith.constant 0 : i32
    %c0_i32_0 = arith.constant 0 : i32
    %c0_i32_1 = arith.constant 0 : i32
    return %c0_i32, %c0_i32_0 : i32, i32
  }
  func.func @transform_11(%arg0: i32) -> (i32, i32) {
    %c0_i32 = arith.constant 0 : i32
    %c0_i32_0 = arith.constant 0 : i32
    return %arg0, %c0_i32 : i32, i32
  }
}

module attributes {stable_mosaic.version = 14 : i64} {
  func.func @body(%arg0: i32, %arg1: memref<2000x128xf32, #tpu.memory_space<vmem>>, %arg2: memref<2000x128xf32, #tpu.memory_space<vmem>>, %arg3: memref<2000x16xf32, #tpu.memory_space<vmem>>, %arg4: memref<16x128xf32, #tpu.memory_space<vmem>>, %arg5: memref<1x128xf32, #tpu.memory_space<vmem>>, %arg6: memref<128x256xf32, #tpu.memory_space<vmem>>, %arg7: memref<128x256xf32, #tpu.memory_space<vmem>>, %arg8: memref<128x256xf32, #tpu.memory_space<vmem>>, %arg9: memref<256x128xf32, #tpu.memory_space<vmem>>, %arg10: memref<1x256xf32, #tpu.memory_space<vmem>>, %arg11: memref<1x128xf32, #tpu.memory_space<vmem>>, %arg12: memref<2000x128xf32, #tpu.memory_space<vmem>>) attributes {dimension_semantics = [#tpu.dimension_semantics<arbitrary>], iteration_bounds = array<i64: 40>, scalar_prefetch = 0 : i64, scratch_operands = 0 : i64, tpu.core_type = #tpu.core_type<tc>, window_params = [{transform_indices = @transform_0, window_bounds = array<i64: 2000, 128>}, {transform_indices = @transform_1, window_bounds = array<i64: 2000, 128>}, {transform_indices = @transform_2, window_bounds = array<i64: 2000, 16>}, {pipeline_mode = #tpu.pipeline_mode<synchronous>, transform_indices = @transform_3, window_bounds = array<i64: 16, 128>}, {pipeline_mode = #tpu.pipeline_mode<synchronous>, transform_indices = @transform_4, window_bounds = array<i64: 1, 128>}, {pipeline_mode = #tpu.pipeline_mode<synchronous>, transform_indices = @transform_5, window_bounds = array<i64: 128, 256>}, {pipeline_mode = #tpu.pipeline_mode<synchronous>, transform_indices = @transform_6, window_bounds = array<i64: 128, 256>}, {pipeline_mode = #tpu.pipeline_mode<synchronous>, transform_indices = @transform_7, window_bounds = array<i64: 128, 256>}, {pipeline_mode = #tpu.pipeline_mode<synchronous>, transform_indices = @transform_8, window_bounds = array<i64: 256, 128>}, {pipeline_mode = #tpu.pipeline_mode<synchronous>, transform_indices = @transform_9, window_bounds = array<i64: 1, 256>}, {pipeline_mode = #tpu.pipeline_mode<synchronous>, transform_indices = @transform_10, window_bounds = array<i64: 1, 128>}, {transform_indices = @transform_11, window_bounds = array<i64: 2000, 128>}]} {
    %get3A = arith.constant 0 : index
    %get3A_0 = arith.constant 0 : index
    %get3A_1 = vector.load %arg3[%get3A, %get3A_0] : memref<2000x16xf32, #tpu.memory_space<vmem>>, vector<2000x16xf32>
    %get3A_2 = arith.constant 0 : index
    %get3A_3 = arith.constant 0 : index
    %get3A_4 = vector.load %arg4[%get3A_2, %get3A_3] : memref<16x128xf32, #tpu.memory_space<vmem>>, vector<16x128xf32>
    %dot_general3A = arith.constant dense<0.000000e+00> : vector<2000x128xf32>
    %dot_general3A_5 = tpu.matmul %get3A_1, %get3A_4, %dot_general3A {dimension_numbers = #tpu.dot_dimension_numbers<[1], [0], [0], [1], [0, 0, 1, 1], [], []>, transpose_lhs_hint = false} : vector<2000x16xf32>, vector<16x128xf32>, vector<2000x128xf32> -> vector<2000x128xf32>
    %get3A_6 = arith.constant 0 : index
    %get3A_7 = arith.constant 0 : index
    %get3A_8 = vector.load %arg5[%get3A_6, %get3A_7] : memref<1x128xf32, #tpu.memory_space<vmem>>, vector<1x128xf32>
    %add3A = vector.broadcast %get3A_8 : vector<1x128xf32> to vector<2000x128xf32>
    %add3A_9 = arith.addf %dot_general3A_5, %add3A : vector<2000x128xf32>
    %get3A_10 = arith.constant 0 : index
    %get3A_11 = arith.constant 0 : index
    %get3A_12 = vector.load %arg6[%get3A_10, %get3A_11] : memref<128x256xf32, #tpu.memory_space<vmem>>, vector<128x256xf32>
    %dot_general3A_13 = arith.constant dense<0.000000e+00> : vector<2000x256xf32>
    %dot_general3A_14 = tpu.matmul %add3A_9, %get3A_12, %dot_general3A_13 {dimension_numbers = #tpu.dot_dimension_numbers<[1], [0], [0], [1], [0, 0, 1, 1], [], []>, transpose_lhs_hint = false} : vector<2000x128xf32>, vector<128x256xf32>, vector<2000x256xf32> -> vector<2000x256xf32>
    %get3A_15 = arith.constant 0 : index
    %get3A_16 = arith.constant 0 : index
    %get3A_17 = vector.load %arg1[%get3A_15, %get3A_16] : memref<2000x128xf32, #tpu.memory_space<vmem>>, vector<2000x128xf32>
    %get3A_18 = arith.constant 0 : index
    %get3A_19 = arith.constant 0 : index
    %get3A_20 = vector.load %arg7[%get3A_18, %get3A_19] : memref<128x256xf32, #tpu.memory_space<vmem>>, vector<128x256xf32>
    %dot_general3A_21 = arith.constant dense<0.000000e+00> : vector<2000x256xf32>
    %dot_general3A_22 = tpu.matmul %get3A_17, %get3A_20, %dot_general3A_21 {dimension_numbers = #tpu.dot_dimension_numbers<[1], [0], [0], [1], [0, 0, 1, 1], [], []>, transpose_lhs_hint = false} : vector<2000x128xf32>, vector<128x256xf32>, vector<2000x256xf32> -> vector<2000x256xf32>
    %add3A_23 = arith.addf %dot_general3A_14, %dot_general3A_22 : vector<2000x256xf32>
    %get3A_24 = arith.constant 0 : index
    %get3A_25 = arith.constant 0 : index
    %get3A_26 = vector.load %arg2[%get3A_24, %get3A_25] : memref<2000x128xf32, #tpu.memory_space<vmem>>, vector<2000x128xf32>
    %get3A_27 = arith.constant 0 : index
    %get3A_28 = arith.constant 0 : index
    %get3A_29 = vector.load %arg8[%get3A_27, %get3A_28] : memref<128x256xf32, #tpu.memory_space<vmem>>, vector<128x256xf32>
    %dot_general3A_30 = arith.constant dense<0.000000e+00> : vector<2000x256xf32>
    %dot_general3A_31 = tpu.matmul %get3A_26, %get3A_29, %dot_general3A_30 {dimension_numbers = #tpu.dot_dimension_numbers<[1], [0], [0], [1], [0, 0, 1, 1], [], []>, transpose_lhs_hint = false} : vector<2000x128xf32>, vector<128x256xf32>, vector<2000x256xf32> -> vector<2000x256xf32>
    %add3A_32 = arith.addf %add3A_23, %dot_general3A_31 : vector<2000x256xf32>
    %get3A_33 = arith.constant 0 : index
    %get3A_34 = arith.constant 0 : index
    %get3A_35 = vector.load %arg10[%get3A_33, %get3A_34] : memref<1x256xf32, #tpu.memory_space<vmem>>, vector<1x256xf32>
    %add3A_36 = vector.broadcast %get3A_35 : vector<1x256xf32> to vector<2000x256xf32>
    %add3A_37 = arith.addf %add3A_32, %add3A_36 : vector<2000x256xf32>
    %max3A = arith.constant 0.000000e+00 : f32
    %max3A_38 = vector.broadcast %max3A : f32 to vector<2000x256xf32>
    %max3A_39 = arith.maximumf %add3A_37, %max3A_38 : vector<2000x256xf32>
    %get3A_40 = arith.constant 0 : index
    %get3A_41 = arith.constant 0 : index
    %get3A_42 = vector.load %arg9[%get3A_40, %get3A_41] : memref<256x128xf32, #tpu.memory_space<vmem>>, vector<256x128xf32>
    %dot_general3A_43 = arith.constant dense<0.000000e+00> : vector<2000x128xf32>
    %dot_general3A_44 = tpu.matmul %max3A_39, %get3A_42, %dot_general3A_43 {dimension_numbers = #tpu.dot_dimension_numbers<[1], [0], [0], [1], [0, 0, 1, 1], [], []>, transpose_lhs_hint = false} : vector<2000x256xf32>, vector<256x128xf32>, vector<2000x128xf32> -> vector<2000x128xf32>
    %get3A_45 = arith.constant 0 : index
    %get3A_46 = arith.constant 0 : index
    %get3A_47 = vector.load %arg11[%get3A_45, %get3A_46] : memref<1x128xf32, #tpu.memory_space<vmem>>, vector<1x128xf32>
    %add3A_48 = vector.broadcast %get3A_47 : vector<1x128xf32> to vector<2000x128xf32>
    %add3A_49 = arith.addf %dot_general3A_44, %add3A_48 : vector<2000x128xf32>
    %swap3A = arith.constant 0 : index
    %swap3A_50 = arith.constant 0 : index
    %swap3A_51 = vector.load %arg12[%swap3A, %swap3A_50] : memref<2000x128xf32, #tpu.memory_space<vmem>>, vector<2000x128xf32>
    tpu.vector_store %arg12[%swap3A, %swap3A_50], %add3A_49 {strides = array<i32>} : memref<2000x128xf32, #tpu.memory_space<vmem>>, vector<2000x128xf32>,
    return
  }
  func.func @transform_0(%arg0: i32) -> (i32, i32) {
    %c0_i32 = arith.constant 0 : i32
    %c0_i32_0 = arith.constant 0 : i32
    return %arg0, %c0_i32 : i32, i32
  }
  func.func @transform_1(%arg0: i32) -> (i32, i32) {
    %add3A = arith.constant 40 : i32
    %add3A_0 = arith.addi %arg0, %add3A : i32
    %c0_i32 = arith.constant 0 : i32
    %c0_i32_1 = arith.constant 0 : i32
    return %add3A_0, %c0_i32 : i32, i32
  }
  func.func @transform_2(%arg0: i32) -> (i32, i32) {
    %add3A = arith.constant 0 : i32
    %add3A_0 = arith.addi %arg0, %add3A : i32
    %c0_i32 = arith.constant 0 : i32
    %c0_i32_1 = arith.constant 0 : i32
    return %add3A_0, %c0_i32 : i32, i32
  }
  func.func @transform_3(%arg0: i32) -> (i32, i32) {
    %c0_i32 = arith.constant 0 : i32
    %c0_i32_0 = arith.constant 0 : i32
    %c0_i32_1 = arith.constant 0 : i32
    return %c0_i32, %c0_i32_0 : i32, i32
  }
  func.func @transform_4(%arg0: i32) -> (i32, i32) {
    %c0_i32 = arith.constant 0 : i32
    %c0_i32_0 = arith.constant 0 : i32
    %c0_i32_1 = arith.constant 0 : i32
    return %c0_i32, %c0_i32_0 : i32, i32
  }
  func.func @transform_5(%arg0: i32) -> (i32, i32) {
    %c0_i32 = arith.constant 0 : i32
    %c0_i32_0 = arith.constant 0 : i32
    %c0_i32_1 = arith.constant 0 : i32
    return %c0_i32, %c0_i32_0 : i32, i32
  }
  func.func @transform_6(%arg0: i32) -> (i32, i32) {
    %c0_i32 = arith.constant 0 : i32
    %c0_i32_0 = arith.constant 0 : i32
    %c0_i32_1 = arith.constant 0 : i32
    return %c0_i32, %c0_i32_0 : i32, i32
  }
  func.func @transform_7(%arg0: i32) -> (i32, i32) {
    %c0_i32 = arith.constant 0 : i32
    %c0_i32_0 = arith.constant 0 : i32
    %c0_i32_1 = arith.constant 0 : i32
    return %c0_i32, %c0_i32_0 : i32, i32
  }
  func.func @transform_8(%arg0: i32) -> (i32, i32) {
    %c0_i32 = arith.constant 0 : i32
    %c0_i32_0 = arith.constant 0 : i32
    %c0_i32_1 = arith.constant 0 : i32
    return %c0_i32, %c0_i32_0 : i32, i32
  }
  func.func @transform_9(%arg0: i32) -> (i32, i32) {
    %c0_i32 = arith.constant 0 : i32
    %c0_i32_0 = arith.constant 0 : i32
    %c0_i32_1 = arith.constant 0 : i32
    return %c0_i32, %c0_i32_0 : i32, i32
  }
  func.func @transform_10(%arg0: i32) -> (i32, i32) {
    %c0_i32 = arith.constant 0 : i32
    %c0_i32_0 = arith.constant 0 : i32
    %c0_i32_1 = arith.constant 0 : i32
    return %c0_i32, %c0_i32_0 : i32, i32
  }
  func.func @transform_11(%arg0: i32) -> (i32, i32) {
    %c0_i32 = arith.constant 0 : i32
    %c0_i32_0 = arith.constant 0 : i32
    return %arg0, %c0_i32 : i32, i32
  }
}

module attributes {stable_mosaic.version = 14 : i64} {
  func.func @body(%arg0: i32, %arg1: memref<1000x128xf32, #tpu.memory_space<vmem>>, %arg2: memref<1000x128xf32, #tpu.memory_space<vmem>>, %arg3: memref<1000x128xf32, #tpu.memory_space<vmem>>, %arg4: memref<1000x128xf32, #tpu.memory_space<vmem>>, %arg5: memref<1000x128xf32, #tpu.memory_space<vmem>>, %arg6: memref<128x256xf32, #tpu.memory_space<vmem>>, %arg7: memref<128x256xf32, #tpu.memory_space<vmem>>, %arg8: memref<128x256xf32, #tpu.memory_space<vmem>>, %arg9: memref<1x256xf32, #tpu.memory_space<vmem>>, %arg10: memref<256x128xf32, #tpu.memory_space<vmem>>, %arg11: memref<1x128xf32, #tpu.memory_space<vmem>>, %arg12: memref<128x256xf32, #tpu.memory_space<vmem>>, %arg13: memref<128x256xf32, #tpu.memory_space<vmem>>, %arg14: memref<1x256xf32, #tpu.memory_space<vmem>>, %arg15: memref<256x128xf32, #tpu.memory_space<vmem>>, %arg16: memref<1x128xf32, #tpu.memory_space<vmem>>, %arg17: memref<1x128xf32, #tpu.memory_space<vmem>>, %arg18: memref<1x1xf32, #tpu.memory_space<vmem>>, %arg19: memref<1x1xf32, #tpu.memory_space<vmem>>, %arg20: memref<8x128xf32, #tpu.memory_space<vmem>>, %arg21: memref<8x128xf32, #tpu.memory_space<vmem>>) attributes {dimension_semantics = [#tpu.dimension_semantics<arbitrary>], iteration_bounds = array<i64: 10>, scalar_prefetch = 0 : i64, scratch_operands = 2 : i64, tpu.core_type = #tpu.core_type<tc>, window_params = [{transform_indices = @transform_0, window_bounds = array<i64: 1000, 128>}, {transform_indices = @transform_1, window_bounds = array<i64: 1000, 128>}, {transform_indices = @transform_2, window_bounds = array<i64: 1000, 128>}, {transform_indices = @transform_3, window_bounds = array<i64: 1000, 128>}, {transform_indices = @transform_4, window_bounds = array<i64: 1000, 128>}, {pipeline_mode = #tpu.pipeline_mode<synchronous>, transform_indices = @transform_5, window_bounds = array<i64: 128, 256>}, {pipeline_mode = #tpu.pipeline_mode<synchronous>, transform_indices = @transform_6, window_bounds = array<i64: 128, 256>}, {pipeline_mode = #tpu.pipeline_mode<synchronous>, transform_indices = @transform_7, window_bounds = array<i64: 128, 256>}, {pipeline_mode = #tpu.pipeline_mode<synchronous>, transform_indices = @transform_8, window_bounds = array<i64: 1, 256>}, {pipeline_mode = #tpu.pipeline_mode<synchronous>, transform_indices = @transform_9, window_bounds = array<i64: 256, 128>}, {pipeline_mode = #tpu.pipeline_mode<synchronous>, transform_indices = @transform_10, window_bounds = array<i64: 1, 128>}, {pipeline_mode = #tpu.pipeline_mode<synchronous>, transform_indices = @transform_11, window_bounds = array<i64: 128, 256>}, {pipeline_mode = #tpu.pipeline_mode<synchronous>, transform_indices = @transform_12, window_bounds = array<i64: 128, 256>}, {pipeline_mode = #tpu.pipeline_mode<synchronous>, transform_indices = @transform_13, window_bounds = array<i64: 1, 256>}, {pipeline_mode = #tpu.pipeline_mode<synchronous>, transform_indices = @transform_14, window_bounds = array<i64: 256, 128>}, {pipeline_mode = #tpu.pipeline_mode<synchronous>, transform_indices = @transform_15, window_bounds = array<i64: 1, 128>}, {pipeline_mode = #tpu.pipeline_mode<synchronous>, transform_indices = @transform_16, window_bounds = array<i64: 1, 128>}, {pipeline_mode = #tpu.pipeline_mode<synchronous>, transform_indices = @transform_17, window_bounds = array<i64: 1, 1>}, {pipeline_mode = #tpu.pipeline_mode<synchronous>, transform_indices = @transform_18, window_bounds = array<i64: 1, 1>}]} {
    %eq3A = arith.constant 0 : i32
    %eq3A_0 = arith.cmpi eq, %arg0, %eq3A : i32
    %convert_element_type3A = arith.extui %eq3A_0 : i1 to i32
    %cond3A = arith.constant 0 : i32
    %cond3A_1 = arith.cmpi ne, %convert_element_type3A, %cond3A : i32
    scf.if %cond3A_1 {
      %broadcast_in_dim3A = arith.constant 0.000000e+00 : f32
      %broadcast_in_dim3A_72 = vector.broadcast %broadcast_in_dim3A : f32 to vector<8x128xf32>
      %swap3A_73 = arith.constant 0 : index
      %swap3A_74 = arith.constant 0 : index
      %swap3A_75 = vector.load %arg20[%swap3A_73, %swap3A_74] : memref<8x128xf32, #tpu.memory_space<vmem>>, vector<8x128xf32>
      tpu.vector_store %arg20[%swap3A_73, %swap3A_74], %broadcast_in_dim3A_72 {strides = array<i32>} : memref<8x128xf32, #tpu.memory_space<vmem>>, vector<8x128xf32>,
      %broadcast_in_dim3A_76 = arith.constant 0.000000e+00 : f32
      %broadcast_in_dim3A_77 = vector.broadcast %broadcast_in_dim3A_76 : f32 to vector<8x128xf32>
      %swap3A_78 = arith.constant 0 : index
      %swap3A_79 = arith.constant 0 : index
      %swap3A_80 = vector.load %arg21[%swap3A_78, %swap3A_79] : memref<8x128xf32, #tpu.memory_space<vmem>>, vector<8x128xf32>
      tpu.vector_store %arg21[%swap3A_78, %swap3A_79], %broadcast_in_dim3A_77 {strides = array<i32>} : memref<8x128xf32, #tpu.memory_space<vmem>>, vector<8x128xf32>,
    } else {
    }
    %get3A = arith.constant 0 : index
    %get3A_2 = arith.constant 0 : index
    %get3A_3 = vector.load %arg2[%get3A, %get3A_2] : memref<1000x128xf32, #tpu.memory_space<vmem>>, vector<1000x128xf32>
    %get3A_4 = arith.constant 0 : index
    %get3A_5 = arith.constant 0 : index
    %get3A_6 = vector.load %arg4[%get3A_4, %get3A_5] : memref<1000x128xf32, #tpu.memory_space<vmem>>, vector<1000x128xf32>
    %get3A_7 = arith.constant 0 : index
    %get3A_8 = arith.constant 0 : index
    %get3A_9 = vector.load %arg3[%get3A_7, %get3A_8] : memref<1000x128xf32, #tpu.memory_space<vmem>>, vector<1000x128xf32>
    %add3A = arith.addf %get3A_3, %get3A_9 : vector<1000x128xf32>
    %get3A_10 = arith.constant 0 : index
    %get3A_11 = arith.constant 0 : index
    %get3A_12 = vector.load %arg5[%get3A_10, %get3A_11] : memref<1000x128xf32, #tpu.memory_space<vmem>>, vector<1000x128xf32>
    %add3A_13 = arith.addf %get3A_6, %get3A_12 : vector<1000x128xf32>
    %get3A_14 = arith.constant 0 : index
    %get3A_15 = arith.constant 0 : index
    %get3A_16 = vector.load %arg1[%get3A_14, %get3A_15] : memref<1000x128xf32, #tpu.memory_space<vmem>>, vector<1000x128xf32>
    %get3A_17 = arith.constant 0 : index
    %get3A_18 = arith.constant 0 : index
    %get3A_19 = vector.load %arg6[%get3A_17, %get3A_18] : memref<128x256xf32, #tpu.memory_space<vmem>>, vector<128x256xf32>
    %dot_general3A = arith.constant dense<0.000000e+00> : vector<1000x256xf32>
    %dot_general3A_20 = tpu.matmul %get3A_16, %get3A_19, %dot_general3A {dimension_numbers = #tpu.dot_dimension_numbers<[1], [0], [0], [1], [0, 0, 1, 1], [], []>, transpose_lhs_hint = false} : vector<1000x128xf32>, vector<128x256xf32>, vector<1000x256xf32> -> vector<1000x256xf32>
    %get3A_21 = arith.constant 0 : index
    %get3A_22 = arith.constant 0 : index
    %get3A_23 = vector.load %arg7[%get3A_21, %get3A_22] : memref<128x256xf32, #tpu.memory_space<vmem>>, vector<128x256xf32>
    %dot_general3A_24 = arith.constant dense<0.000000e+00> : vector<1000x256xf32>
    %dot_general3A_25 = tpu.matmul %add3A, %get3A_23, %dot_general3A_24 {dimension_numbers = #tpu.dot_dimension_numbers<[1], [0], [0], [1], [0, 0, 1, 1], [], []>, transpose_lhs_hint = false} : vector<1000x128xf32>, vector<128x256xf32>, vector<1000x256xf32> -> vector<1000x256xf32>
    %add3A_26 = arith.addf %dot_general3A_20, %dot_general3A_25 : vector<1000x256xf32>
    %get3A_27 = arith.constant 0 : index
    %get3A_28 = arith.constant 0 : index
    %get3A_29 = vector.load %arg8[%get3A_27, %get3A_28] : memref<128x256xf32, #tpu.memory_space<vmem>>, vector<128x256xf32>
    %dot_general3A_30 = arith.constant dense<0.000000e+00> : vector<1000x256xf32>
    %dot_general3A_31 = tpu.matmul %add3A_13, %get3A_29, %dot_general3A_30 {dimension_numbers = #tpu.dot_dimension_numbers<[1], [0], [0], [1], [0, 0, 1, 1], [], []>, transpose_lhs_hint = false} : vector<1000x128xf32>, vector<128x256xf32>, vector<1000x256xf32> -> vector<1000x256xf32>
    %add3A_32 = arith.addf %add3A_26, %dot_general3A_31 : vector<1000x256xf32>
    %get3A_33 = arith.constant 0 : index
    %get3A_34 = arith.constant 0 : index
    %get3A_35 = vector.load %arg9[%get3A_33, %get3A_34] : memref<1x256xf32, #tpu.memory_space<vmem>>, vector<1x256xf32>
    %add3A_36 = vector.broadcast %get3A_35 : vector<1x256xf32> to vector<1000x256xf32>
    %add3A_37 = arith.addf %add3A_32, %add3A_36 : vector<1000x256xf32>
    %max3A = arith.constant 0.000000e+00 : f32
    %max3A_38 = vector.broadcast %max3A : f32 to vector<1000x256xf32>
    %max3A_39 = arith.maximumf %add3A_37, %max3A_38 : vector<1000x256xf32>
    %get3A_40 = arith.constant 0 : index
    %get3A_41 = arith.constant 0 : index
    %get3A_42 = vector.load %arg10[%get3A_40, %get3A_41] : memref<256x128xf32, #tpu.memory_space<vmem>>, vector<256x128xf32>
    %dot_general3A_43 = arith.constant dense<0.000000e+00> : vector<1000x128xf32>
    %dot_general3A_44 = tpu.matmul %max3A_39, %get3A_42, %dot_general3A_43 {dimension_numbers = #tpu.dot_dimension_numbers<[1], [0], [0], [1], [0, 0, 1, 1], [], []>, transpose_lhs_hint = false} : vector<1000x256xf32>, vector<256x128xf32>, vector<1000x128xf32> -> vector<1000x128xf32>
    %get3A_45 = arith.constant 0 : index
    %get3A_46 = arith.constant 0 : index
    %get3A_47 = vector.load %arg11[%get3A_45, %get3A_46] : memref<1x128xf32, #tpu.memory_space<vmem>>, vector<1x128xf32>
    %add3A_48 = vector.broadcast %get3A_47 : vector<1x128xf32> to vector<1000x128xf32>
    %add3A_49 = arith.addf %dot_general3A_44, %add3A_48 : vector<1000x128xf32>
    %get3A_50 = arith.constant 0 : index
    %get3A_51 = arith.constant 0 : index
    %get3A_52 = vector.load %arg20[%get3A_50, %get3A_51] : memref<8x128xf32, #tpu.memory_space<vmem>>, vector<8x128xf32>
    %reshape3A = vector.shape_cast %add3A_49 : vector<1000x128xf32> to vector<125x8x128xf32>
    %reduce_sum3A = arith.constant dense<0.000000e+00> : vector<8x128xf32>
    %reduce_sum3A_53 = vector.multi_reduction <add>, %reshape3A, %reduce_sum3A [0] : vector<125x8x128xf32> to vector<8x128xf32>
    %add3A_54 = arith.addf %get3A_52, %reduce_sum3A_53 : vector<8x128xf32>
    %swap3A = arith.constant 0 : index
    %swap3A_55 = arith.constant 0 : index
    %swap3A_56 = vector.load %arg20[%swap3A, %swap3A_55] : memref<8x128xf32, #tpu.memory_space<vmem>>, vector<8x128xf32>
    tpu.vector_store %arg20[%swap3A, %swap3A_55], %add3A_54 {strides = array<i32>} : memref<8x128xf32, #tpu.memory_space<vmem>>, vector<8x128xf32>,
    %get3A_57 = arith.constant 0 : index
    %get3A_58 = arith.constant 0 : index
    %get3A_59 = vector.load %arg21[%get3A_57, %get3A_58] : memref<8x128xf32, #tpu.memory_space<vmem>>, vector<8x128xf32>
    %reshape3A_60 = vector.shape_cast %add3A : vector<1000x128xf32> to vector<125x8x128xf32>
    %reduce_sum3A_61 = arith.constant dense<0.000000e+00> : vector<8x128xf32>
    %reduce_sum3A_62 = vector.multi_reduction <add>, %reshape3A_60, %reduce_sum3A_61 [0] : vector<125x8x128xf32> to vector<8x128xf32>
    %add3A_63 = arith.addf %get3A_59, %reduce_sum3A_62 : vector<8x128xf32>
    %swap3A_64 = arith.constant 0 : index
    %swap3A_65 = arith.constant 0 : index
    %swap3A_66 = vector.load %arg21[%swap3A_64, %swap3A_65] : memref<8x128xf32, #tpu.memory_space<vmem>>, vector<8x128xf32>
    tpu.vector_store %arg21[%swap3A_64, %swap3A_65], %add3A_63 {strides = array<i32>} : memref<8x128xf32, #tpu.memory_space<vmem>>, vector<8x128xf32>,
    %eq3A_67 = arith.constant 9 : i32
    %eq3A_68 = arith.cmpi eq, %arg0, %eq3A_67 : i32
    %convert_element_type3A_69 = arith.extui %eq3A_68 : i1 to i32
    %cond3A_70 = arith.constant 0 : i32
    %cond3A_71 = arith.cmpi ne, %convert_element_type3A_69, %cond3A_70 : i32
    scf.if %cond3A_71 {
      %get3A_72 = arith.constant 0 : index
      %get3A_73 = arith.constant 0 : index
      %get3A_74 = vector.load %arg20[%get3A_72, %get3A_73] : memref<8x128xf32, #tpu.memory_space<vmem>>, vector<8x128xf32>
      %reduce_sum3A_75 = arith.constant dense<0.000000e+00> : vector<128xf32>
      %reduce_sum3A_76 = vector.multi_reduction <add>, %get3A_74, %reduce_sum3A_75 [0] : vector<8x128xf32> to vector<128xf32>
      %broadcast_in_dim3A = vector.shape_cast %reduce_sum3A_76 : vector<128xf32> to vector<1x128xf32>
      %get3A_77 = arith.constant 0 : index
      %get3A_78 = arith.constant 0 : index
      %get3A_79 = vector.load %arg21[%get3A_77, %get3A_78] : memref<8x128xf32, #tpu.memory_space<vmem>>, vector<8x128xf32>
      %reduce_sum3A_80 = arith.constant dense<0.000000e+00> : vector<128xf32>
      %reduce_sum3A_81 = vector.multi_reduction <add>, %get3A_79, %reduce_sum3A_80 [0] : vector<8x128xf32> to vector<128xf32>
      %broadcast_in_dim3A_82 = vector.shape_cast %reduce_sum3A_81 : vector<128xf32> to vector<1x128xf32>
      %get3A_83 = arith.constant 0 : index
      %get3A_84 = arith.constant 0 : index
      %get3A_85 = vector.load %arg12[%get3A_83, %get3A_84] : memref<128x256xf32, #tpu.memory_space<vmem>>, vector<128x256xf32>
      %dot_general3A_86 = arith.constant dense<0.000000e+00> : vector<1x256xf32>
      %dot_general3A_87 = tpu.matmul %broadcast_in_dim3A, %get3A_85, %dot_general3A_86 {dimension_numbers = #tpu.dot_dimension_numbers<[1], [0], [0], [1], [0, 0, 1, 1], [], []>, transpose_lhs_hint = false} : vector<1x128xf32>, vector<128x256xf32>, vector<1x256xf32> -> vector<1x256xf32>
      %get3A_88 = arith.constant 0 : index
      %get3A_89 = arith.constant 0 : index
      %get3A_90 = vector.load %arg13[%get3A_88, %get3A_89] : memref<128x256xf32, #tpu.memory_space<vmem>>, vector<128x256xf32>
      %dot_general3A_91 = arith.constant dense<0.000000e+00> : vector<1x256xf32>
      %dot_general3A_92 = tpu.matmul %broadcast_in_dim3A_82, %get3A_90, %dot_general3A_91 {dimension_numbers = #tpu.dot_dimension_numbers<[1], [0], [0], [1], [0, 0, 1, 1], [], []>, transpose_lhs_hint = false} : vector<1x128xf32>, vector<128x256xf32>, vector<1x256xf32> -> vector<1x256xf32>
      %add3A_93 = arith.addf %dot_general3A_87, %dot_general3A_92 : vector<1x256xf32>
      %get3A_94 = arith.constant 0 : index
      %get3A_95 = arith.constant 0 : index
      %get3A_96 = vector.load %arg14[%get3A_94, %get3A_95] : memref<1x256xf32, #tpu.memory_space<vmem>>, vector<1x256xf32>
      %add3A_97 = arith.addf %add3A_93, %get3A_96 : vector<1x256xf32>
      %max3A_98 = arith.constant 0.000000e+00 : f32
      %max3A_99 = vector.broadcast %max3A_98 : f32 to vector<1x256xf32>
      %max3A_100 = arith.maximumf %add3A_97, %max3A_99 : vector<1x256xf32>
      %get3A_101 = arith.constant 0 : index
      %get3A_102 = arith.constant 0 : index
      %get3A_103 = vector.load %arg15[%get3A_101, %get3A_102] : memref<256x128xf32, #tpu.memory_space<vmem>>, vector<256x128xf32>
      %dot_general3A_104 = arith.constant dense<0.000000e+00> : vector<1x128xf32>
      %dot_general3A_105 = tpu.matmul %max3A_100, %get3A_103, %dot_general3A_104 {dimension_numbers = #tpu.dot_dimension_numbers<[1], [0], [0], [1], [0, 0, 1, 1], [], []>, transpose_lhs_hint = false} : vector<1x256xf32>, vector<256x128xf32>, vector<1x128xf32> -> vector<1x128xf32>
      %get3A_106 = arith.constant 0 : index
      %get3A_107 = arith.constant 0 : index
      %get3A_108 = vector.load %arg16[%get3A_106, %get3A_107] : memref<1x128xf32, #tpu.memory_space<vmem>>, vector<1x128xf32>
      %add3A_109 = arith.addf %dot_general3A_105, %get3A_108 : vector<1x128xf32>
      %max3A_110 = arith.constant 0.000000e+00 : f32
      %max3A_111 = vector.broadcast %max3A_110 : f32 to vector<1x128xf32>
      %max3A_112 = arith.maximumf %add3A_109, %max3A_111 : vector<1x128xf32>
      %get3A_113 = arith.constant 0 : index
      %get3A_114 = arith.constant 0 : index
      %get3A_115 = vector.load %arg17[%get3A_113, %get3A_114] : memref<1x128xf32, #tpu.memory_space<vmem>>, vector<1x128xf32>
      %mul3A = arith.mulf %max3A_112, %get3A_115 : vector<1x128xf32>
      %reduce_sum3A_116 = arith.constant dense<0.000000e+00> : vector<1xf32>
      %reduce_sum3A_117 = vector.multi_reduction <add>, %mul3A, %reduce_sum3A_116 [1] : vector<1x128xf32> to vector<1xf32>
      %broadcast_in_dim3A_118 = vector.shape_cast %reduce_sum3A_117 : vector<1xf32> to vector<1x1xf32>
      %get3A_119 = arith.constant 0 : index
      %get3A_120 = arith.constant 0 : index
      %get3A_121 = vector.load %arg18[%get3A_119, %get3A_120] : memref<1x1xf32, #tpu.memory_space<vmem>>, vector<1x1xf32>
      %add3A_122 = arith.addf %broadcast_in_dim3A_118, %get3A_121 : vector<1x1xf32>
      %swap3A_123 = arith.constant 0 : index
      %swap3A_124 = arith.constant 0 : index
      %swap3A_125 = vector.load %arg19[%swap3A_123, %swap3A_124] : memref<1x1xf32, #tpu.memory_space<vmem>>, vector<1x1xf32>
      tpu.vector_store %arg19[%swap3A_123, %swap3A_124], %add3A_122 {strides = array<i32>} : memref<1x1xf32, #tpu.memory_space<vmem>>, vector<1x1xf32>,
    } else {
    }
    return
  }
  func.func @transform_0(%arg0: i32) -> (i32, i32) {
    %c0_i32 = arith.constant 0 : i32
    %c0_i32_0 = arith.constant 0 : i32
    return %arg0, %c0_i32 : i32, i32
  }
  func.func @transform_1(%arg0: i32) -> (i32, i32) {
    %c0_i32 = arith.constant 0 : i32
    %c0_i32_0 = arith.constant 0 : i32
    return %arg0, %c0_i32 : i32, i32
  }
  func.func @transform_2(%arg0: i32) -> (i32, i32) {
    %c0_i32 = arith.constant 0 : i32
    %c0_i32_0 = arith.constant 0 : i32
    return %arg0, %c0_i32 : i32, i32
  }
  func.func @transform_3(%arg0: i32) -> (i32, i32) {
    %c0_i32 = arith.constant 0 : i32
    %c0_i32_0 = arith.constant 0 : i32
    return %arg0, %c0_i32 : i32, i32
  }
  func.func @transform_4(%arg0: i32) -> (i32, i32) {
    %c0_i32 = arith.constant 0 : i32
    %c0_i32_0 = arith.constant 0 : i32
    return %arg0, %c0_i32 : i32, i32
  }
  func.func @transform_5(%arg0: i32) -> (i32, i32) {
    %c0_i32 = arith.constant 0 : i32
    %c0_i32_0 = arith.constant 0 : i32
    %c0_i32_1 = arith.constant 0 : i32
    return %c0_i32, %c0_i32_0 : i32, i32
  }
  func.func @transform_6(%arg0: i32) -> (i32, i32) {
    %c0_i32 = arith.constant 0 : i32
    %c0_i32_0 = arith.constant 0 : i32
    %c0_i32_1 = arith.constant 0 : i32
    return %c0_i32, %c0_i32_0 : i32, i32
  }
  func.func @transform_7(%arg0: i32) -> (i32, i32) {
    %c0_i32 = arith.constant 0 : i32
    %c0_i32_0 = arith.constant 0 : i32
    %c0_i32_1 = arith.constant 0 : i32
    return %c0_i32, %c0_i32_0 : i32, i32
  }
  func.func @transform_8(%arg0: i32) -> (i32, i32) {
    %c0_i32 = arith.constant 0 : i32
    %c0_i32_0 = arith.constant 0 : i32
    %c0_i32_1 = arith.constant 0 : i32
    return %c0_i32, %c0_i32_0 : i32, i32
  }
  func.func @transform_9(%arg0: i32) -> (i32, i32) {
    %c0_i32 = arith.constant 0 : i32
    %c0_i32_0 = arith.constant 0 : i32
    %c0_i32_1 = arith.constant 0 : i32
    return %c0_i32, %c0_i32_0 : i32, i32
  }
  func.func @transform_10(%arg0: i32) -> (i32, i32) {
    %c0_i32 = arith.constant 0 : i32
    %c0_i32_0 = arith.constant 0 : i32
    %c0_i32_1 = arith.constant 0 : i32
    return %c0_i32, %c0_i32_0 : i32, i32
  }
  func.func @transform_11(%arg0: i32) -> (i32, i32) {
    %c0_i32 = arith.constant 0 : i32
    %c0_i32_0 = arith.constant 0 : i32
    %c0_i32_1 = arith.constant 0 : i32
    return %c0_i32, %c0_i32_0 : i32, i32
  }
  func.func @transform_12(%arg0: i32) -> (i32, i32) {
    %c0_i32 = arith.constant 0 : i32
    %c0_i32_0 = arith.constant 0 : i32
    %c0_i32_1 = arith.constant 0 : i32
    return %c0_i32, %c0_i32_0 : i32, i32
  }
  func.func @transform_13(%arg0: i32) -> (i32, i32) {
    %c0_i32 = arith.constant 0 : i32
    %c0_i32_0 = arith.constant 0 : i32
    %c0_i32_1 = arith.constant 0 : i32
    return %c0_i32, %c0_i32_0 : i32, i32
  }
  func.func @transform_14(%arg0: i32) -> (i32, i32) {
    %c0_i32 = arith.constant 0 : i32
    %c0_i32_0 = arith.constant 0 : i32
    %c0_i32_1 = arith.constant 0 : i32
    return %c0_i32, %c0_i32_0 : i32, i32
  }
  func.func @transform_15(%arg0: i32) -> (i32, i32) {
    %c0_i32 = arith.constant 0 : i32
    %c0_i32_0 = arith.constant 0 : i32
    %c0_i32_1 = arith.constant 0 : i32
    return %c0_i32, %c0_i32_0 : i32, i32
  }
  func.func @transform_16(%arg0: i32) -> (i32, i32) {
    %c0_i32 = arith.constant 0 : i32
    %c0_i32_0 = arith.constant 0 : i32
    %c0_i32_1 = arith.constant 0 : i32
    return %c0_i32, %c0_i32_0 : i32, i32
  }
  func.func @transform_17(%arg0: i32) -> (i32, i32) {
    %c0_i32 = arith.constant 0 : i32
    %c0_i32_0 = arith.constant 0 : i32
    %c0_i32_1 = arith.constant 0 : i32
    return %c0_i32, %c0_i32_0 : i32, i32
  }
  func.func @transform_18(%arg0: i32) -> (i32, i32) {
    %c0_i32 = arith.constant 0 : i32
    %c0_i32_0 = arith.constant 0 : i32
    %c0_i32_1 = arith.constant 0 : i32
    return %c0_i32, %c0_i32_0 : i32, i32
  }
}

</mosaic_0001>

<sc_bundles>
// kernel: kernel.10.cloned.1.call-start
scs
__scs_entry_jumppad:
0x0: {  	(pc) =	sbr.rel $0x88, $3  }
0x1: {  	(tag) =	ssettag $0x0;
	lr =	simm.s32 $0x1  }
0x2: {  	[smem:$0x3F8B] =	sst lr;
	_ =	strace $0xD0000000  }
0x3: {  	_ = 	snop  }
0x4: {  	_ = 	snop  }
0x5: {  	_ = 	snop  }
0x6: {  	_ = 	snop  }
0x7: {  	_ = 	snop  }
__scs_overlays_trampoline_lowered:
0x8: {  	[smem:$0x3F9A] =	sst s0  }
0x9: {  	[smem:$0x3F9B] =	sst s1  }
0xa: {  	[smem:$0x3F9C] =	sst s2  }
0xb: {  	[smem:$0x3F9D] =	sst s3  }
0xc: {  	[smem:$0x3F9E] =	sst s4  }
0xd: {  	[smem:$0x3F9F] =	sst s5  }
0xe: {  	[smem:$0x3FA0] =	sst s6  }
0xf: {  	[smem:$0x3FA1] =	sst s7  }
0x10: {  	[smem:$0x3FA2] =	sst s8  }
0x11: {  	[smem:$0x3FA3] =	sst s9;
	s0 =	simm.s32 @!p0 $0x0  }
0x12: {  	s1 =	sld [smem:$0x3F89];
	s0 =	simm.s32 @p0 $0x1  }
0x13: {  	[smem:$0x3FA4] =	sst s0;
	s0 =	simm.s32 @!p1 $0x0  }
0x14: {  	s2 =	sld [smem:$0x3F88];
	s0 =	simm.s32 @p1 $0x1  }
0x15: {  	[smem:$0x3FA5] =	sst s0;
	s0 =	simm.s32 @!p2 $0x0  }
0x16: {  	s3 =	sld [smem:$0x3FDB];
	s0 =	simm.s32 @p2 $0x1  }
0x17: {  	s4 =	simm.s32 $0x1BF5;
	[smem:$0x3FA7] =	sst s0  }
0x18: {  	s0 =	sld [smem:$0x3F8A];
	_ =	swait.ge [sflag:s4], $0x0  }
0x19: {  	s7 =	sld [smem:$0x3F8B]  }
0x1a: {  	s8 =	sadd.s32 $0xFFFFE003, lr  }
0x1b: {  	s9 =	sadd.s32 $0xFFFFFEF7, lr;
	s5 =	simm.s32 $0xFFFFFFFF;
	p2 =	slt.u32 s8, $0xFFFFF086  }
0x1c: {  	p1 =	slt.u32 s9, $0xF7A;
	s5 =	simm.s32 @!p2 $0x0  }
0x1d: {  	s5 =	simm.s32 @p1 $0x1;
	p0 =	seq.s32 s7, s2  }
0x1e: {  	s7 =	smul.u32 @!p0 $0xF7A, s2;
	p2 =	seq.s32 @!p0 s5, $0x0  }
0x1f: {  	s9 =	smul.u32 $0xF7A, s1;
	s8 =	simm.s32 @!p0 $0x1BF5;
	p2 =	por !p2, p0  }
0x20: {  	[sflag:s8] =	ssyncset.s32 @!p0 $0xFFFFF086;
	s6 =	sadd.s32 @!p0 s3, s7;
	s7 =	simm.s32 @!p0 $0x108  }
0x21: {  	s3 =	sadd.s32 s3, s9;
	s6 =	sadd.s32 @!p0 $0x88, s6;
	s7 =	simm.s32 @p2 $0x1082  }
0x22: {  	[simem:s7], [sflag:s8] =	dma.local @!p0 [hbm:s6], $0xF7A  }
0x23: {  	s9 =	sor.u32 $0xD0000000, s2;
	s6 =	simm.s32 $0x108;
	_ =	swait.ge @!p0 [sflag:s8], $0x0  }
0x24: {  	s3 =	sadd.s32 $0x88, s3;
	s6 =	simm.s32 @!p1 $0x1082;
	[sflag:s4] =	ssyncset.s32 $0xFFFFF086  }
0x25: {  	[simem:s6], [sflag:s4] =	dma.local [hbm:s3], $0xF7A  }
0x26: {  	[smem:$0x3F8B] =	sst s1;
	(tag) =	ssettag s2;
	_ =	strace s9  }
0x27: {  	s1 =	sld [smem:$0x3F9B]  }
0x28: {  	s2 =	sld [smem:$0x3F9C]  }
0x29: {  	s4 =	sld [smem:$0x3F9E]  }
0x2a: {  	p0 =	seq.s32 s5, $0x0;
	s5 =	sld [smem:$0x3F9F]  }
0x2b: {  	s6 =	sld [smem:$0x3FA0]  }
0x2c: {  	s7 =	sld [smem:$0x3FA1]  }
0x2d: {  	s3 =	simm.s32 $0x108;
	s8 =	sld [smem:$0x3FA2]  }
0x2e: {  	s3 =	simm.s32 @!p0 $0x1082;
	s9 =	sld [smem:$0x3FA3]  }
0x2f: {  	lr =	sadd.s32 s0, s3;
	s0 =	sld [smem:$0x3F9A]  }
0x30: {  	s3 =	sld [smem:$0x3F9D]  }
0x31: {  	[smem:$0x3FA6] =	sst s10  }
0x32: {  	s10 =	sld [smem:$0x3FA4];
	_ =	sdelay $0x3  }
0x33: {  	p0 =	seq.s32 s10, $0x1;
	s10 =	sld [smem:$0x3FA6];
	_ =	sdelay $0x3  }
0x34: {  	[smem:$0x3FA6] =	sst s10  }
0x35: {  	s10 =	sld [smem:$0x3FA5];
	_ =	sdelay $0x3  }
0x36: {  	p1 =	seq.s32 s10, $0x1;
	s10 =	sld [smem:$0x3FA6];
	_ =	sdelay $0x3  }
0x37: {  	[smem:$0x3FA6] =	sst s10  }
0x38: {  	s10 =	sld [smem:$0x3FA7]  }
0x39: {  	_ = 	snop;
	(pc) =	sbr.ind lr, $3  }
0x3a: {  	_ = 	snop  }
0x3b: {  	_ = 	snop  }
0x3c: {  	p2 =	seq.s32 s10, $0x1;
	s10 =	sld [smem:$0x3FA6]  }
0x3d: {  	_ =	shalt  }
0x3e: {  	_ =	shalt  }
0x3f: {  	_ =	shalt  }
0x40: {  	_ =	shalt  }
0x41: {  	_ =	shalt  }
0x42: {  	_ =	shalt  }
0x43: {  	_ =	shalt  }
0x44: {  	_ =	shalt  }
0x45: {  	_ =	shalt  }
0x46: {  	_ =	shalt  }
0x47: {  	_ =	shalt  }
0x48: {  	_ =	shalt  }
0x49: {  	_ =	shalt  }
0x4a: {  	_ =	shalt  }
0x4b: {  	_ =	shalt  }
0x4c: {  	_ =	shalt  }
0x4d: {  	_ =	shalt  }
0x4e: {  	_ =	shalt  }
0x4f: {  	_ =	shalt  }
0x50: {  	_ =	shalt  }
0x51: {  	_ =	shalt  }
0x52: {  	_ =	shalt  }
0x53: {  	_ =	shalt  }
0x54: {  	_ =	shalt  }
0x55: {  	_ =	shalt  }
0x56: {  	_ =	shalt  }
0x57: {  	_ =	shalt  }
0x58: {  	_ =	shalt  }
0x59: {  	_ =	shalt  }
0x5a: {  	_ =	shalt  }
0x5b: {  	_ =	shalt  }
0x5c: {  	_ =	shalt  }
0x5d: {  	_ =	shalt  }
0x5e: {  	_ =	shalt  }
0x5f: {  	_ =	shalt  }
0x60: {  	_ =	shalt  }
0x61: {  	_ =	shalt  }
0x62: {  	_ =	shalt  }
0x63: {  	_ =	shalt  }
0x64: {  	_ =	shalt  }
0x65: {  	_ =	shalt  }
0x66: {  	_ =	shalt  }
0x67: {  	_ =	shalt  }
0x68: {  	_ =	shalt  }
0x69: {  	_ =	shalt  }
0x6a: {  	_ =	shalt  }
0x6b: {  	_ =	shalt  }
0x6c: {  	_ =	shalt  }
0x6d: {  	_ =	shalt  }
0x6e: {  	_ =	shalt  }
0x6f: {  	_ =	shalt  }
0x70: {  	_ =	shalt  }
0x71: {  	_ =	shalt  }
0x72: {  	_ =	shalt  }
0x73: {  	_ =	shalt  }
0x74: {  	_ =	shalt  }
0x75: {  	_ =	shalt  }
0x76: {  	_ =	shalt  }
0x77: {  	_ =	shalt  }
0x78: {  	_ =	shalt  }
0x79: {  	_ =	shalt  }
0x7a: {  	_ =	shalt  }
0x7b: {  	_ =	shalt  }
0x7c: {  	_ =	shalt  }
0x7d: {  	_ =	shalt  }
0x7e: {  	_ =	shalt  }
0x7f: {  	_ =	shalt  }
0x80: {  	_ =	shalt  }
0x81: {  	_ =	shalt  }
0x82: {  	_ =	shalt  }
0x83: {  	_ =	shalt  }
0x84: {  	_ =	shalt  }
0x85: {  	_ =	shalt  }
0x86: {  	_ =	shalt  }
0x87: {  	_ =	shalt  }
.Lfunc_end0:
.L_simem_size_0:
called_computation_lowered:
.L_overlay_start_0:
0x88: {  	s2 =	sld [smem:$0x3FD9]  }
0x89: {  	s3 =	sld [smem:$0x3FFE];
	_ =	sdelay $0x1  }
0x8a: {  	s1 =	srdreg.scid  }
0x8b: {  	s0 =	sand.u32 $0x1, s1  }
0x8c: {  	s16 =	sshll.u32 s0, $0xA;
	s2 =	sadd.s32 s3, s2  }
0x8d: {  	s2 =	sadd.s32 s2, s16  }
0x8e: {  	[smem:$0x3FB2] =	sst s2  }
0x8f: {  	_ = 	snop  }
0x90: {  	(tm) =	ssettm $0x1  }
0x91: {  	s17 =	sld [smem:$0x3FFB];
	_ =	sdelay $0x3  }
0x92: {  	_ =	strace s17  }
0x93: {  	s2 =	sld [smem:$0x3FFC];
	_ =	sdelay $0x3  }
0x94: {  	_ =	strace s2  }
0x95: {  	s2 =	sld [smem:$0x3FFD];
	_ =	sdelay $0x3  }
0x96: {  	_ =	strace s2  }
0x97: {  	_ =	strace $0x8FFFFFFF  }
0x98: {  	s18 =	sld [smem:$0x3FDB];
	_ =	sdelay $0x1  }
0x99: {  	s19 =	simm.s32 $_scs_section_size  }
0x9a: {  	s4 =	simm.s32 $_size__tile_overlayer_lowered;
	s5 =	simm.s32 $_tile_overlayer_lowered  }
0x9b: {  	s22 =	simm.s32 $0x1BFF;
	s21 =	sshll.u32 s5, $0x1;
	s2 =	sadd.s32 s19, s18  }
0x9c: {  	s6 =	simm.s32 $0x0;
	s20 =	sshll.u32 s4, $0x1;
	s4 =	sadd.s32 s21, s2  }
0x9d: {  	[timem:s6], [sflag:s22] =	dma.local [hbm:s4], s20  }
0x9e: {  	_ =	swait.ge [sflag:s22], s20  }
0x9f: {  	s3 =	ssub.s32 $0x0, s20;
	[sflag:s22] =	ssyncset.done $0x0  }
0xa0: {  	[sflag:s22] =	ssyncadd.s32 s3;
	_ =	sdelay $0x1  }
0xa1: {  	s23 =	simm.s32 $0x1B8B  }
0xa2: {  	_ =	swait.ge [sflag:s23], $0x1  }
0xa3: {  	[sflag:s23] =	ssyncset.done $0x0  }
0xa4: {  	s25 =	simm.s32 $0x1B8E;
	s24 =	sld [smem:$0x3FFE];
	[sflag:s23] =	ssyncadd.s32 $0xFFFFFFFF  }
0xa5: {  	s26 =	simm.s32 $execute0_lowered;
	[smem:$0x3FD2] =	sst s25  }
0xa6: {  	s4 =	sshll.u32 s26, $0x1;
	_ =	strace $0x80000046;
	[dreg:$0x1] =	wrdreg $0xFFFFFFFF  }
0xa7: {  	s28 =	simm.s32 $_size_execute0_lowered;
	s2 =	sadd.s32 s2, s4;
	[dreg:$0x0] =	wrdreg $0x0  }
0xa8: {  	s4 =	sshll.u32 s28, $0x1;
	[dreg:$0x2] =	wrdreg s2  }
0xa9: {  	[dreg:$0x3] =	wrdreg s4  }
0xaa: {  	[dreg:$0x4] =	wrdreg $0xC0  }
0xab: {  	_ =	task [dreg:s6], $0x5FFFF  }
0xac: {  	[dreg:$0x1] =	wrdreg $0xFFFFFFFF  }
0xad: {  	[dreg:$0x0] =	wrdreg $0x60  }
0xae: {  	[dreg:$0x2] =	wrdreg s24  }
0xaf: {  	[dreg:$0x3] =	wrdreg $0x9  }
0xb0: {  	_ =	task.clear_ibuf [dreg:s6], $0x4FFFF;
	_ =	strace $0x90000046  }
0xb1: {  	s29 =	simm.s32 $0x9;
	_ =	strace $0x80000048  }
0xb2: {  	_ =	swait.ge [sflag:s29], $0x1  }
0xb3: {  	[sflag:s29] =	ssyncadd.s32 $0xFFFFFFFF  }
0xb4: {  	_ =	strace $0x90000048  }
0xb5: {  	_ =	sfence  }
0xb6: {  	s30 =	sld [smem:$0x0];
	_ =	sdelay $0x2  }
0xb7: {  	s31 =	sshll.u32 s1, $0xD;
	s1 =	sshrl.u32 s1, $0x2  }
0xb8: {  	s3 =	sand.u32 $0x4000, s31;
	s1 =	sadd.s32 s1, s30  }
0xb9: {  	s0 =	sor.u32 s3, s0;
	s1 =	sshll.u32 s1, $0x11  }
0xba: {  	s0 =	sor.u32 s1, s0  }
0xbb: {  	s0 =	sadd.s32 $0x8F2B, s0  }
0xbc: {  	[sflag:s0] =	ssyncadd.remote.s32 $0x1  }
0xbd: {  	_ =	sfence.sel $0xFFFF  }
0xbe: {  	[dreg:$0x0] =	wrdreg $0xFFFFFFFF;
	(pc) =	sbr.abs _section_cstart, $3  }
0xbf: {  	[dreg:$0x1] =	wrdreg $0xFFFFFFFF  }
0xc0: {  	_ =	task.clear_ibuf [dreg:s6], $0x2FFFF;
	_ =	strace $0x9FFFFFFF  }
0xc1: {  	(tm) =	ssettm $0x7FFFFFFF  }
tec
execute0_lowered:
.L_overlay_start_1:
0x0: {  	(tag) =	ssettag $0x1  }
0x1: {  	s1 =	srdreg.scid  }
0x2: {  	s0 =	stileid.u32;
	s6 =	rddreg [dreg:$0x0]  }
0x3: {  	s2 =	simm.s32 $0x0;
	s12 =	simm.s32 $0x80;
	s13 =	simm.s32 $0x5400  }
0x4: {  	s14 =	simm.s32 $0x2;
	s15 =	simm.s32 $0x8;
	s5 =	smul.u32 $0x1388, s0  }
0x5: {  	s16 =	simm.s32 $0x1380;
	s4 =	sand.u32 $0x1, s1;
	s11 =	smul.u32 $0x13880, s0  }
0x6: {  	s17 =	simm.s32 $0x0;
	s1 =	rddreg [dreg:$0x1];
	s3 =	smul.u32 $0x27100, s4  }
0x7: {  	[smem:$0x7FF] =	sst s2;
	s8 =	smul.u32 $0x13880, s4;
	s9 =	ssub.s32 $0x2, s4  }
0x8: {  	_ =	strace $0x80000047;
	s10 =	smul.u32 $0x138800, s4;
	s30 =	sshrl.u32 s9, $0x1  }
0x9: {  	s3 =	sadd.s32 s5, s3;
	s5 =	sadd.s32 s5, s8;
	s8 =	ssub.s32 s9, s30  }
0xa: {  	s9 =	simm.s32 $0x3;
	s7 =	sshrl.u32 s3, $0x3;
	s3 =	sadd.s32 $0xE600, s6  }
0xb: {  	s5 =	sshll.u32 s5, $0x4;
	s7 =	sadd.s32 s7, s6;
	s6 =	sadd.s32 $0x35800, s6  }
0xc: {  	s31 =	sadd.s32 s6, s5;
	s4 =	sadd.s32 $0x4800, s7;
	s10 =	sadd.s32 s10, s6  }
0xd: {  	s7 =	smax.u32 s8, $0x1;
	s5 =	sadd.s32 $0x13000, s31;
	s6 =	sadd.s32 $0x13800, s31  }
0xe: {  	s8 =	sadd.s32 s11, s10;
	s10 =	simm.s32 $0x1400;
	s11 =	simm.s32 $0x1  }
.LBB2_1:
0xf: {  	[tilespmem:s2], [sflag:$0x3] =	stream.linear.gather [hbm4b:s4+s2], $0x1388, $0x38;
	[tilespmem:$0x9400] =	vst v63  }
0x10: {  	_ =	swait.ge [sflag:s9], $0x1388  }
0x11: {  	[sflag:s9] =	ssyncset.done $0x0  }
0x12: {  	[sflag:s9] =	ssyncadd.s32 $0xFFFFEC78  }
0x13: {  	[tilespmem:s10], [sflag:$0x1] =	stream.indirect.gather [hbm4b:s3+s12], $0x80, s2, s12, $0xb8;
	[tilespmem:$0x9400] =	vst v63  }
0x14: {  	_ =	swait.ge [sflag:s11], $0x4000  }
0x15: {  	[sflag:s11] =	ssyncset.done $0x0  }
0x16: {  	[sflag:s11] =	ssyncadd.s32 $0xFFFFC000  }
0x17: {  	[tilespmem:s13], [sflag:$0x2] =	stream.indirect.gather [hbm4b:s3+s12], $0x80, s12, s12, $0xb8;
	[tilespmem:$0x9400] =	vst v63  }
0x18: {  	s18 =	sadd.s32 $0x0, s8  }
0x19: {  	[hbm4b:s18+s2] =	stream.linear.scatter [tilespmem:s10], [sflag:$0x3], $0x4000, $0x38;
	[tilespmem:$0x9400] =	vst v63  }
0x1a: {  	_ =	swait.ge [sflag:s9], $0x4000  }
0x1b: {  	[sflag:s9] =	ssyncset.done $0x0  }
0x1c: {  	[sflag:s9] =	ssyncadd.s32 $0xFFFFC000  }
0x1d: {  	_ =	swait.ge [sflag:s14], $0x4000  }
0x1e: {  	[sflag:s14] =	ssyncset.done $0x0  }
0x1f: {  	s19 =	simm.s32 $0x100;
	[sflag:s14] =	ssyncadd.s32 $0xFFFFC000  }
0x20: {  	[tilespmem:s10], [sflag:$0x1] =	stream.indirect.gather [hbm4b:s3+s12], $0x80, s19, s12, $0xb8;
	[tilespmem:$0x9400] =	vst v63  }
0x21: {  	s18 =	sadd.s32 $0x800, s18  }
0x22: {  	[hbm4b:s18+s2] =	stream.linear.scatter [tilespmem:s13], [sflag:$0x3], $0x4000, $0x38;
	[tilespmem:$0x9400] =	vst v63  }
0x23: {  	_ =	swait.ge [sflag:s9], $0x4000  }
0x24: {  	s19 =	simm.s32 $0x80;
	s18 =	simm.s32 $0x1000;
	[sflag:s9] =	ssyncset.done $0x0  }
.LBB2_2:
0x25: {  	p0 =	sne.s32 s18, $0x12000;
	[sflag:s9] =	ssyncadd.s32 $0xFFFFC000;
	s19 =	sadd.s32 $0x100, s19  }
0x26: {  	s20 =	smov.u32 s18;
	s18 =	sadd.s32 $0x1000, s18  }
0x27: {  	_ =	swait.ge [sflag:s11], $0x4000  }
0x28: {  	[sflag:s11] =	ssyncset.done $0x0  }
0x29: {  	[sflag:s11] =	ssyncadd.s32 $0xFFFFC000  }
0x2a: {  	[tilespmem:s13], [sflag:$0x2] =	stream.indirect.gather [hbm4b:s3+s12], $0x80, s19, s12, $0xb8;
	[tilespmem:$0x9400] =	vst v63  }
0x2b: {  	s20 =	sadd.s32 s20, s8  }
0x2c: {  	[hbm4b:s20+s2] =	stream.linear.scatter [tilespmem:s10], [sflag:$0x3], $0x4000, $0x38;
	[tilespmem:$0x9400] =	vst v63  }
0x2d: {  	_ =	swait.ge [sflag:s9], $0x4000  }
0x2e: {  	[sflag:s9] =	ssyncset.done $0x0  }
0x2f: {  	[sflag:s9] =	ssyncadd.s32 $0xFFFFC000  }
0x30: {  	_ =	swait.ge [sflag:s14], $0x4000  }
0x31: {  	[sflag:s14] =	ssyncset.done $0x0  }
0x32: {  	s21 =	sadd.s32 $0x80, s19;
	[sflag:s14] =	ssyncadd.s32 $0xFFFFC000  }
0x33: {  	[tilespmem:s10], [sflag:$0x1] =	stream.indirect.gather [hbm4b:s3+s12], $0x80, s21, s12, $0xb8;
	[tilespmem:$0x9400] =	vst v63  }
.Ltmp0:
0x34: {  	_ = 	snop;
	(pc) =	sbr.rel @p0 .LBB2_2-.Ltmp0, $4  }
0x35: {  	s20 =	sadd.s32 $0x800, s20  }
0x36: {  	[hbm4b:s20+s2] =	stream.linear.scatter [tilespmem:s13], [sflag:$0x3], $0x4000, $0x38;
	[tilespmem:$0x9400] =	vst v63  }
0x37: {  	_ =	swait.ge [sflag:s9], $0x4000  }
0x38: {  	[sflag:s9] =	ssyncset.done $0x0  }
0x39: {  	[sflag:s9] =	ssyncadd.s32 $0xFFFFC000  }
0x3a: {  	_ =	swait.ge [sflag:s11], $0x4000  }
0x3b: {  	[sflag:s11] =	ssyncset.done $0x0  }
0x3c: {  	[sflag:s11] =	ssyncadd.s32 $0xFFFFC000  }
0x3d: {  	[hbm4b:s5+s2] =	stream.linear.scatter [tilespmem:s10], [sflag:$0x3], $0x4000, $0x38;
	[tilespmem:$0x9400] =	vst v63  }
0x3e: {  	_ =	swait.ge [sflag:s9], $0x4000  }
0x3f: {  	[sflag:s9] =	ssyncset.done $0x0  }
0x40: {  	[sflag:s9] =	ssyncadd.s32 $0xFFFFC000  }
0x41: {  	[tilespmem:s13], [sflag:$0x2] =	stream.indirect.gather [hbm4b:s3+s15], $0x80, s16, s15, $0xb8;
	[tilespmem:$0x9400] =	vst v63  }
0x42: {  	s17 =	sadd.s32 $0x1, s17;
	_ =	swait.ge [sflag:s14], $0x400  }
0x43: {  	p0 =	sne.s32 s17, s7;
	[sflag:s14] =	ssyncset.done $0x0  }
.Ltmp1:
0x44: {  	[sflag:s14] =	ssyncadd.s32 $0xFFFFFC00;
	(pc) =	sbr.rel @p0 .LBB2_1-.Ltmp1, $4  }
0x45: {  	[hbm4b:s6+s2] =	stream.linear.scatter [tilespmem:s13], [sflag:$0x3], $0x400, $0x38;
	[tilespmem:$0x9400] =	vst v63  }
0x46: {  	_ =	swait.ge [sflag:s9], $0x400  }
0x47: {  	[sflag:s9] =	ssyncset.done $0x0  }
0x48: {  	[sflag:s9] =	ssyncadd.s32 $0xFFFFFC00  }
0x49: {  	_ =	sfence.sel $0x180000  }
0x4a: {  	[bflag:$0x0] =	sbarrier.arrive $0xFFFF  }
0x4b: {  	p0 =	sne.s32 s0, $0x0;
	_ =	strace $0x90000047  }
0x4c: {  	s0 =	sadd.s32 @!p0 $0x100000, s1;
	[bflag:$0x2] =	sbarrier.arrive $0xFFFF  }
0x4d: {  	[sflag:s0] =	ssyncadd.tile.s32 @!p0 $0x1;
	_ =	shalt  }
.Lfunc_end2:
_tile_overlayer_lowered:
.L_overlay_start_2:
0x4e: {  	(tag) =	ssettag $0x2  }
0x4f: {  	s0 =	rddreg [dreg:$0x0];
	s2 =	stileid.u32  }
0x50: {  	s1 =	rddreg [dreg:$0x1];
	p0 =	sne.s32 s2, $0x0  }
0x51: {  	s3 =	rddreg [dreg:$0x2];
	[bflag:$0x3] =	sbarrier.arrive $0xFFFF;
	s2 =	simm.s32 @!p0 $0x1C03  }
0x52: {  	[timem:s3], [sflag:s2] =	dma.local @!p0 [hbm:s0], s1  }
0x53: {  	s0 =	simm.s32 @!p0 $0x3  }
0x54: {  	_ =	swait.ge @!p0 [sflag:s0], s1  }
0x55: {  	s1 =	ssub.s32 @!p0 $0x0, s1;
	[sflag:s0] =	ssyncset.done @!p0 $0x0  }
0x56: {  	[sflag:s0] =	ssyncadd.s32 @!p0 s1  }
0x57: {  	[bflag:$0x3] =	sbarrier.arrive $0xFFFF  }
0x58: {  	_ =	shalt  }

// kernel: kernel.13.cloned.1.call-start
scs
__scs_entry_jumppad:
0x0: {  	(pc) =	sbr.rel $0x88, $3  }
0x1: {  	(tag) =	ssettag $0x0;
	lr =	simm.s32 $0x1  }
0x2: {  	[smem:$0x3F8B] =	sst lr;
	_ =	strace $0xD0000000  }
0x3: {  	_ = 	snop  }
0x4: {  	_ = 	snop  }
0x5: {  	_ = 	snop  }
0x6: {  	_ = 	snop  }
0x7: {  	_ = 	snop  }
__scs_overlays_trampoline_lowered:
0x8: {  	[smem:$0x3F9A] =	sst s0  }
0x9: {  	[smem:$0x3F9B] =	sst s1  }
0xa: {  	[smem:$0x3F9C] =	sst s2  }
0xb: {  	[smem:$0x3F9D] =	sst s3  }
0xc: {  	[smem:$0x3F9E] =	sst s4  }
0xd: {  	[smem:$0x3F9F] =	sst s5  }
0xe: {  	[smem:$0x3FA0] =	sst s6  }
0xf: {  	[smem:$0x3FA1] =	sst s7  }
0x10: {  	[smem:$0x3FA2] =	sst s8  }
0x11: {  	[smem:$0x3FA3] =	sst s9;
	s0 =	simm.s32 @!p0 $0x0  }
0x12: {  	s1 =	sld [smem:$0x3F89];
	s0 =	simm.s32 @p0 $0x1  }
0x13: {  	[smem:$0x3FA4] =	sst s0;
	s0 =	simm.s32 @!p1 $0x0  }
0x14: {  	s2 =	sld [smem:$0x3F88];
	s0 =	simm.s32 @p1 $0x1  }
0x15: {  	[smem:$0x3FA5] =	sst s0;
	s0 =	simm.s32 @!p2 $0x0  }
0x16: {  	s3 =	sld [smem:$0x3FDB];
	s0 =	simm.s32 @p2 $0x1  }
0x17: {  	s4 =	simm.s32 $0x1BF5;
	[smem:$0x3FA7] =	sst s0  }
0x18: {  	s0 =	sld [smem:$0x3F8A];
	_ =	swait.ge [sflag:s4], $0x0  }
0x19: {  	s7 =	sld [smem:$0x3F8B]  }
0x1a: {  	s8 =	sadd.s32 $0xFFFFE003, lr  }
0x1b: {  	s9 =	sadd.s32 $0xFFFFFEF7, lr;
	s5 =	simm.s32 $0xFFFFFFFF;
	p2 =	slt.u32 s8, $0xFFFFF086  }
0x1c: {  	p1 =	slt.u32 s9, $0xF7A;
	s5 =	simm.s32 @!p2 $0x0  }
0x1d: {  	s5 =	simm.s32 @p1 $0x1;
	p0 =	seq.s32 s7, s2  }
0x1e: {  	s7 =	smul.u32 @!p0 $0xF7A, s2;
	p2 =	seq.s32 @!p0 s5, $0x0  }
0x1f: {  	s9 =	smul.u32 $0xF7A, s1;
	s8 =	simm.s32 @!p0 $0x1BF5;
	p2 =	por !p2, p0  }
0x20: {  	[sflag:s8] =	ssyncset.s32 @!p0 $0xFFFFF086;
	s6 =	sadd.s32 @!p0 s3, s7;
	s7 =	simm.s32 @!p0 $0x108  }
0x21: {  	s3 =	sadd.s32 s3, s9;
	s6 =	sadd.s32 @!p0 $0x88, s6;
	s7 =	simm.s32 @p2 $0x1082  }
0x22: {  	[simem:s7], [sflag:s8] =	dma.local @!p0 [hbm:s6], $0xF7A  }
0x23: {  	s9 =	sor.u32 $0xD0000000, s2;
	s6 =	simm.s32 $0x108;
	_ =	swait.ge @!p0 [sflag:s8], $0x0  }
0x24: {  	s3 =	sadd.s32 $0x88, s3;
	s6 =	simm.s32 @!p1 $0x1082;
	[sflag:s4] =	ssyncset.s32 $0xFFFFF086  }
0x25: {  	[simem:s6], [sflag:s4] =	dma.local [hbm:s3], $0xF7A  }
0x26: {  	[smem:$0x3F8B] =	sst s1;
	(tag) =	ssettag s2;
	_ =	strace s9  }
0x27: {  	s1 =	sld [smem:$0x3F9B]  }
0x28: {  	s2 =	sld [smem:$0x3F9C]  }
0x29: {  	s4 =	sld [smem:$0x3F9E]  }
0x2a: {  	p0 =	seq.s32 s5, $0x0;
	s5 =	sld [smem:$0x3F9F]  }
0x2b: {  	s6 =	sld [smem:$0x3FA0]  }
0x2c: {  	s7 =	sld [smem:$0x3FA1]  }
0x2d: {  	s3 =	simm.s32 $0x108;
	s8 =	sld [smem:$0x3FA2]  }
0x2e: {  	s3 =	simm.s32 @!p0 $0x1082;
	s9 =	sld [smem:$0x3FA3]  }
0x2f: {  	lr =	sadd.s32 s0, s3;
	s0 =	sld [smem:$0x3F9A]  }
0x30: {  	s3 =	sld [smem:$0x3F9D]  }
0x31: {  	[smem:$0x3FA6] =	sst s10  }
0x32: {  	s10 =	sld [smem:$0x3FA4];
	_ =	sdelay $0x3  }
0x33: {  	p0 =	seq.s32 s10, $0x1;
	s10 =	sld [smem:$0x3FA6];
	_ =	sdelay $0x3  }
0x34: {  	[smem:$0x3FA6] =	sst s10  }
0x35: {  	s10 =	sld [smem:$0x3FA5];
	_ =	sdelay $0x3  }
0x36: {  	p1 =	seq.s32 s10, $0x1;
	s10 =	sld [smem:$0x3FA6];
	_ =	sdelay $0x3  }
0x37: {  	[smem:$0x3FA6] =	sst s10  }
0x38: {  	s10 =	sld [smem:$0x3FA7]  }
0x39: {  	_ = 	snop;
	(pc) =	sbr.ind lr, $3  }
0x3a: {  	_ = 	snop  }
0x3b: {  	_ = 	snop  }
0x3c: {  	p2 =	seq.s32 s10, $0x1;
	s10 =	sld [smem:$0x3FA6]  }
0x3d: {  	_ =	shalt  }
0x3e: {  	_ =	shalt  }
0x3f: {  	_ =	shalt  }
0x40: {  	_ =	shalt  }
0x41: {  	_ =	shalt  }
0x42: {  	_ =	shalt  }
0x43: {  	_ =	shalt  }
0x44: {  	_ =	shalt  }
0x45: {  	_ =	shalt  }
0x46: {  	_ =	shalt  }
0x47: {  	_ =	shalt  }
0x48: {  	_ =	shalt  }
0x49: {  	_ =	shalt  }
0x4a: {  	_ =	shalt  }
0x4b: {  	_ =	shalt  }
0x4c: {  	_ =	shalt  }
0x4d: {  	_ =	shalt  }
0x4e: {  	_ =	shalt  }
0x4f: {  	_ =	shalt  }
0x50: {  	_ =	shalt  }
0x51: {  	_ =	shalt  }
0x52: {  	_ =	shalt  }
0x53: {  	_ =	shalt  }
0x54: {  	_ =	shalt  }
0x55: {  	_ =	shalt  }
0x56: {  	_ =	shalt  }
0x57: {  	_ =	shalt  }
0x58: {  	_ =	shalt  }
0x59: {  	_ =	shalt  }
0x5a: {  	_ =	shalt  }
0x5b: {  	_ =	shalt  }
0x5c: {  	_ =	shalt  }
0x5d: {  	_ =	shalt  }
0x5e: {  	_ =	shalt  }
0x5f: {  	_ =	shalt  }
0x60: {  	_ =	shalt  }
0x61: {  	_ =	shalt  }
0x62: {  	_ =	shalt  }
0x63: {  	_ =	shalt  }
0x64: {  	_ =	shalt  }
0x65: {  	_ =	shalt  }
0x66: {  	_ =	shalt  }
0x67: {  	_ =	shalt  }
0x68: {  	_ =	shalt  }
0x69: {  	_ =	shalt  }
0x6a: {  	_ =	shalt  }
0x6b: {  	_ =	shalt  }
0x6c: {  	_ =	shalt  }
0x6d: {  	_ =	shalt  }
0x6e: {  	_ =	shalt  }
0x6f: {  	_ =	shalt  }
0x70: {  	_ =	shalt  }
0x71: {  	_ =	shalt  }
0x72: {  	_ =	shalt  }
0x73: {  	_ =	shalt  }
0x74: {  	_ =	shalt  }
0x75: {  	_ =	shalt  }
0x76: {  	_ =	shalt  }
0x77: {  	_ =	shalt  }
0x78: {  	_ =	shalt  }
0x79: {  	_ =	shalt  }
0x7a: {  	_ =	shalt  }
0x7b: {  	_ =	shalt  }
0x7c: {  	_ =	shalt  }
0x7d: {  	_ =	shalt  }
0x7e: {  	_ =	shalt  }
0x7f: {  	_ =	shalt  }
0x80: {  	_ =	shalt  }
0x81: {  	_ =	shalt  }
0x82: {  	_ =	shalt  }
0x83: {  	_ =	shalt  }
0x84: {  	_ =	shalt  }
0x85: {  	_ =	shalt  }
0x86: {  	_ =	shalt  }
0x87: {  	_ =	shalt  }
.Lfunc_end0:
.L_simem_size_0:
called_computation.1_lowered:
.L_overlay_start_0:
0x88: {  	s2 =	sld [smem:$0x3FD9]  }
0x89: {  	s3 =	sld [smem:$0x3FFE];
	_ =	sdelay $0x1  }
0x8a: {  	s1 =	srdreg.scid  }
0x8b: {  	s0 =	sand.u32 $0x1, s1  }
0x8c: {  	s17 =	sshll.u32 s0, $0xA;
	s2 =	sadd.s32 s3, s2  }
0x8d: {  	s2 =	sadd.s32 s2, s17  }
0x8e: {  	[smem:$0x3FB2] =	sst s2  }
0x8f: {  	_ = 	snop  }
0x90: {  	(tm) =	ssettm $0x1  }
0x91: {  	s18 =	sld [smem:$0x3FFB];
	_ =	sdelay $0x3  }
0x92: {  	_ =	strace s18  }
0x93: {  	s2 =	sld [smem:$0x3FFC];
	_ =	sdelay $0x3  }
0x94: {  	_ =	strace s2  }
0x95: {  	s2 =	sld [smem:$0x3FFD];
	_ =	sdelay $0x3  }
0x96: {  	_ =	strace s2  }
0x97: {  	_ =	strace $0x8FFFFFFF  }
0x98: {  	s19 =	sld [smem:$0x3FDB];
	_ =	sdelay $0x1  }
0x99: {  	s20 =	simm.s32 $_scs_section_size  }
0x9a: {  	s4 =	simm.s32 $_size__tile_overlayer_lowered;
	s5 =	simm.s32 $_tile_overlayer_lowered  }
0x9b: {  	s6 =	simm.s32 $0x1BFF;
	s21 =	sshll.u32 s5, $0x1;
	s3 =	sadd.s32 s20, s19  }
0x9c: {  	s22 =	simm.s32 $0x0;
	s4 =	sshll.u32 s4, $0x1;
	s5 =	sadd.s32 s21, s3  }
0x9d: {  	[timem:s22], [sflag:s6] =	dma.local [hbm:s5], s4  }
0x9e: {  	_ =	swait.ge [sflag:s6], s4  }
0x9f: {  	s4 =	ssub.s32 $0x0, s4;
	[sflag:s6] =	ssyncset.done $0x0  }
0xa0: {  	[sflag:s6] =	ssyncadd.s32 s4;
	_ =	sdelay $0x1  }
0xa1: {  	s23 =	simm.s32 $0x1B8B  }
0xa2: {  	_ =	swait.ge [sflag:s23], $0x1  }
0xa3: {  	[sflag:s23] =	ssyncset.done $0x0  }
0xa4: {  	[sflag:s23] =	ssyncadd.s32 $0xFFFFFFFF  }
0xa5: {  	s4 =	sld [smem:$0x0]  }
0xa6: {  	s5 =	sand.u32 $0xFFFFFFFE, s1  }
0xa7: {  	p0 =	sne.s32 s1, s5  }
0xa8: {  	s5 =	sshll.u32 @p0 s5, $0xE  }
0xa9: {  	s5 =	sadd.s32 @p0 $0x11B8D, s5;
	s6 =	sshll.u32 @p0 s4, $0x11  }
0xaa: {  	s5 =	sor.u32 @p0 s6, s5  }
0xab: {  	[sflag:s5] =	ssyncadd.remote.s32 @p0 $0x1;
	_ =	sdelay $0x1  }
0xac: {  	s5 =	simm.s32 @p0 $0x1B8D  }
0xad: {  	_ =	swait.eq @p0 [sflag:s5], $0x1  }
0xae: {  	[sflag:s5] =	ssyncadd.s32 @p0 $0xFFFFFFFF  }
0xaf: {  	s6 =	sshll.u32 @!p0 s1, $0xE  }
0xb0: {  	s6 =	sor.u32 @!p0 $0x4000, s6;
	s5 =	simm.s32 @!p0 $0x1B8D  }
0xb1: {  	s4 =	sshll.u32 @!p0 s4, $0x11;
	s6 =	sadd.s32 @!p0 $0x11B8D, s6;
	_ =	swait.eq @!p0 [sflag:s5], $0x1  }
0xb2: {  	s4 =	sor.u32 @!p0 s4, s6;
	[sflag:s5] =	ssyncadd.s32 @!p0 $0xFFFFFFFF  }
0xb3: {  	s25 =	simm.s32 $0x1B8E;
	s24 =	sld [smem:$0x3FFE];
	[sflag:s4] =	ssyncadd.remote.s32 @!p0 $0x1  }
0xb4: {  	s26 =	simm.s32 $execute0_lowered;
	[smem:$0x3FD2] =	sst s25  }
0xb5: {  	s5 =	sshll.u32 s26, $0x1;
	_ =	strace $0x8000004C;
	[dreg:$0x1] =	wrdreg $0xFFFFFFFF  }
0xb6: {  	s28 =	simm.s32 $_size_execute0_lowered;
	s3 =	sadd.s32 s3, s5;
	[dreg:$0x0] =	wrdreg $0x0  }
0xb7: {  	s5 =	sshll.u32 s28, $0x1;
	[dreg:$0x2] =	wrdreg s3  }
0xb8: {  	[dreg:$0x3] =	wrdreg s5  }
0xb9: {  	[dreg:$0x4] =	wrdreg $0xC0  }
0xba: {  	_ =	task [dreg:s22], $0x5FFFF  }
0xbb: {  	[dreg:$0x1] =	wrdreg $0xFFFFFFFF  }
0xbc: {  	[dreg:$0x0] =	wrdreg $0x60  }
0xbd: {  	[dreg:$0x2] =	wrdreg s24  }
0xbe: {  	[dreg:$0x3] =	wrdreg $0x0  }
0xbf: {  	[dreg:$0x4] =	wrdreg $0x9  }
0xc0: {  	_ =	task.clear_ibuf [dreg:s22], $0x5FFFF;
	_ =	strace $0x9000004C  }
0xc1: {  	s29 =	simm.s32 $0x9;
	_ =	strace $0x8000004E  }
0xc2: {  	_ =	swait.ge [sflag:s29], $0x1  }
0xc3: {  	[sflag:s29] =	ssyncadd.s32 $0xFFFFFFFF  }
0xc4: {  	_ =	strace $0x9000004E  }
0xc5: {  	_ =	sfence  }
0xc6: {  	s30 =	sld [smem:$0x0];
	_ =	sdelay $0x2  }
0xc7: {  	s31 =	sshll.u32 s1, $0xD;
	s1 =	sshrl.u32 s1, $0x2  }
0xc8: {  	s4 =	sand.u32 $0x4000, s31;
	s1 =	sadd.s32 s1, s30  }
0xc9: {  	s0 =	sor.u32 s4, s0;
	s1 =	sshll.u32 s1, $0x11  }
0xca: {  	s0 =	sor.u32 s1, s0  }
0xcb: {  	s0 =	sadd.s32 $0x8F2B, s0  }
0xcc: {  	[sflag:s0] =	ssyncadd.remote.s32 $0x1  }
0xcd: {  	_ =	sfence.sel $0xFFFF  }
0xce: {  	[dreg:$0x0] =	wrdreg $0xFFFFFFFF;
	(pc) =	sbr.abs _section_cstart, $3  }
0xcf: {  	[dreg:$0x1] =	wrdreg $0xFFFFFFFF  }
0xd0: {  	_ =	task.clear_ibuf [dreg:s22], $0x2FFFF;
	_ =	strace $0x9FFFFFFF  }
0xd1: {  	(tm) =	ssettm $0x7FFFFFFF  }
tec
execute0_lowered:
.L_overlay_start_1:
0x0: {  	(tag) =	ssettag $0x1  }
0x1: {  	s0 =	rddreg [dreg:$0x0]  }
0x2: {  	s1 =	rddreg [dreg:$0x1];
	s3 =	simm.s32 $0x0  }
0x3: {  	s4 =	srdreg.scid;
	s2 =	stileid.u32;
	s16 =	simm.s32 $0x13880  }
0x4: {  	s17 =	simm.s32 $0x3;
	s19 =	simm.s32 $0x1;
	s20 =	simm.s32 $0x15880  }
0x5: {  	s21 =	simm.s32 $0x40;
	s22 =	simm.s32 $0x18C80;
	s6 =	smul.u32 $0x1388, s2  }
0x6: {  	s23 =	simm.s32 $0x2;
	s24 =	simm.s32 $0x18D00;
	s12 =	smul.u32 $0x13880, s2  }
0x7: {  	s28 =	simm.s32 $0x0;
	[smem:$0x7FF] =	sst s3;
	s30 =	smul.u32 $0x5000, s2  }
0x8: {  	s8 =	sand.u32 $0x1, s4;
	s9 =	sadd.s32 $0x788800, s0;
	s15 =	smul.u32 $0x19000, s2  }
0x9: {  	s10 =	sadd.s32 $0x4800, s0;
	s4 =	sadd.s32 $0x35800, s0;
	s31 =	smul.u32 $0x6400, s2  }
0xa: {  	p0 =	slt.u32 s2, $0xA;
	s5 =	ssub.s32 $0x2, s8;
	s11 =	smul.u32 $0x27100, s8  }
0xb: {  	_ =	strace $0x8000004D;
	s14 =	smul.u32 $0x138800, s8;
	s7 =	sshrl.u32 s5, $0x1  }
0xc: {  	s13 =	sadd.s32 $0x1380, s6;
	s15 =	sshrl.u32 s15, $0x2;
	s25 =	ssub.s32 s5, s7  }
0xd: {  	s5 =	simm.s32 $0x10;
	s26 =	sadd.s32 s6, s11;
	s11 =	sadd.s32 s11, s13  }
0xe: {  	s29 =	sshll.u32 s13, $0x4;
	s13 =	sshrl.u32 s30, $0x2;
	s14 =	sadd.s32 s31, s14  }
0xf: {  	s0 =	sadd.s32 s15, s1;
	s5 =	simm.s32 @!p0 $0xF;
	s7 =	sshrl.u32 s26, $0x3  }
0x10: {  	s11 =	sshrl.u32 s11, $0x3;
	s8 =	sadd.s32 s9, s29;
	p0 =	slt.u32 s2, $0x2  }
0x11: {  	s13 =	sadd.s32 s13, s1;
	s6 =	sadd.s32 s10, s7;
	s7 =	sadd.s32 s9, s12  }
0x12: {  	s9 =	sadd.s32 s10, s11;
	s10 =	simm.s32 $0x4;
	s11 =	smax.u32 s25, $0x1  }
0x13: {  	v0 =	vimm.f32 $0.0e+00;
	s25 =	simm.s32 $0x18D80;
	s10 =	simm.s32 @!p0 $0x3;
	s12 =	sadd.s32 $0x13400, s7  }
.LBB2_1:
0x14: {  	s29 =	simm.s32 $0x0;
	s30 =	simm.s32 $0x200  }
.LBB2_2:
0x15: {  	p0 =	sne.s32 s30, $0x4E00;
	[tilespmem:s29+$0x138F0] =	vst v0  }
0x16: {  	[tilespmem:s29+$0x13880] =	vst v0  }
0x17: {  	[tilespmem:s29+$0x13890] =	vst v0  }
.Ltmp0:
0x18: {  	[tilespmem:s29+$0x138A0] =	vst v0;
	(pc) =	sbr.rel @p0 .LBB2_2-.Ltmp0, $4  }
0x19: {  	[tilespmem:s29+$0x138B0] =	vst v0  }
0x1a: {  	[tilespmem:s29+$0x138C0] =	vst v0  }
0x1b: {  	[tilespmem:s29+$0x138D0] =	vst v0  }
0x1c: {  	[tilespmem:s29+$0x138E0] =	vst v0;
	s29 =	sshra.s32 s30, $0x2;
	s30 =	sadd.s32 $0x200, s30  }
0x1d: {  	[tilespmem:s29+$0x138F0] =	vst v0  }
0x1e: {  	[tilespmem:s29+$0x13880] =	vst v0  }
0x1f: {  	[tilespmem:s29+$0x13890] =	vst v0  }
0x20: {  	[tilespmem:s29+$0x138A0] =	vst v0  }
0x21: {  	[tilespmem:s29+$0x138B0] =	vst v0  }
0x22: {  	[tilespmem:s29+$0x138C0] =	vst v0;
	p0 =	sne.s32 s5, $0x1  }
.Ltmp1:
0x23: {  	[tilespmem:s29+$0x138D0] =	vst v0;
	(pc) =	sbr.rel @!p0 .LBB2_5-.Ltmp1, $4  }
0x24: {  	[tilespmem:s29+$0x138E0] =	vst v0  }
0x25: {  	[spmem:s13] =	stream.linear.scatter [tilespmem:s16], [sflag:$0x3], $0x1400, $0x38;
	[tilespmem:$0x18E00] =	vst v63  }
0x26: {  	_ =	swait.ge [sflag:s17], $0x1400  }
0x27: {  	s15 =	sadd.s32 $0xFFFFFFFF, s5;
	s29 =	smov.u32 s13;
	[sflag:s17] =	ssyncset.done $0x0  }
.LBB2_4:
0x28: {  	p0 =	sne.s32 s15, $0x1;
	[sflag:s17] =	ssyncadd.s32 $0xFFFFEC00;
	s29 =	sadd.s32 $0x14000, s29  }
.Ltmp2:
0x29: {  	s15 =	sadd.s32 $0xFFFFFFFF, s15;
	(pc) =	sbr.rel @p0 .LBB2_4-.Ltmp2, $4  }
0x2a: {  	_ = 	snop  }
0x2b: {  	[spmem:s29] =	stream.linear.scatter [tilespmem:s16], [sflag:$0x3], $0x1400, $0x38;
	[tilespmem:$0x18E00] =	vst v63  }
0x2c: {  	_ =	swait.ge [sflag:s17], $0x1400  }
0x2d: {  	[sflag:s17] =	ssyncset.done $0x0  }
.LBB2_5:
0x2e: {  	[sflag:s17] =	ssyncadd.s32 $0xFFFFEC00  }
0x2f: {  	s15 =	simm.s32 $0x17880;
	[bflag:$0x0] =	sbarrier.arrive $0xFFFF  }
0x30: {  	[tilespmem:s15], [sflag:$0x3] =	stream.linear.gather [hbm4b:s6+s3], $0x1388, $0x38;
	[tilespmem:$0x18E00] =	vst v63  }
0x31: {  	_ =	swait.ge [sflag:s17], $0x1388  }
0x32: {  	[sflag:s17] =	ssyncset.done $0x0  }
0x33: {  	[sflag:s17] =	ssyncadd.s32 $0xFFFFEC78  }
0x34: {  	[tilespmem:s16], [sflag:$0x1] =	stream.linear.gather [hbm4b:s7+s3], $0x2000, $0x38;
	[tilespmem:$0x18E00] =	vst v63  }
0x35: {  	_ =	swait.ge [sflag:s19], $0x2000  }
0x36: {  	s31 =	sadd.s32 $0xFFFED000, s7;
	[sflag:s19] =	ssyncset.done $0x0  }
0x37: {  	s29 =	simm.s32 $0x178C0;
	s30 =	sadd.s32 $0x13400, s31;
	[sflag:s19] =	ssyncadd.s32 $0xFFFFE000  }
0x38: {  	[tilespmem:s20], [sflag:$0x2] =	stream.linear.gather [hbm4b:s30+s3], $0x2000, $0x38;
	[tilespmem:$0x18E00] =	vst v63  }
0x39: {  	v1 =	vld [tilespmem:s29+$0xFFFFFFC0];
	_ =	sdelay $0x4  }
0x3a: {  	[tilespmem:$0x18C80] =	vst v1  }
0x3b: {  	v1 =	vld [tilespmem:s29+$0xFFFFFFD0];
	_ =	sdelay $0x4  }
0x3c: {  	[tilespmem:$0x18C90] =	vst v1  }
0x3d: {  	v1 =	vld [tilespmem:s29+$0xFFFFFFE0];
	_ =	sdelay $0x4  }
0x3e: {  	[tilespmem:$0x18CA0] =	vst v1  }
0x3f: {  	v1 =	vld [tilespmem:s29+$0xFFFFFFF0];
	_ =	sdelay $0x4  }
0x40: {  	[tilespmem:$0x18CB0] =	vst v1  }
0x41: {  	[spmem:s1] =	stream.indirect.scatter.add.f32 [tilespmem:s16], [sflag:$0x3], $0x80, s22, s21, $0xb8;
	[tilespmem:$0x18E00] =	vst v63  }
0x42: {  	_ =	swait.ge [sflag:s17], $0x2000  }
0x43: {  	[sflag:s17] =	ssyncset.done $0x0  }
0x44: {  	[sflag:s17] =	ssyncadd.s32 $0xFFFFE000  }
0x45: {  	_ =	swait.ge [sflag:s23], $0x2000  }
0x46: {  	[sflag:s23] =	ssyncset.done $0x0  }
0x47: {  	s15 =	sadd.s32 $0x13800, s31;
	[sflag:s23] =	ssyncadd.s32 $0xFFFFE000  }
0x48: {  	[tilespmem:s16], [sflag:$0x1] =	stream.linear.gather [hbm4b:s15+s3], $0x2000, $0x38;
	[tilespmem:$0x18E00] =	vst v63  }
0x49: {  	v1 =	vld [tilespmem:s29+$0x0];
	_ =	sdelay $0x4  }
0x4a: {  	[tilespmem:$0x18D00] =	vst v1  }
0x4b: {  	v1 =	vld [tilespmem:s29+$0x10];
	_ =	sdelay $0x4  }
0x4c: {  	[tilespmem:$0x18D10] =	vst v1  }
0x4d: {  	v1 =	vld [tilespmem:s29+$0x20];
	_ =	sdelay $0x4  }
0x4e: {  	[tilespmem:$0x18D20] =	vst v1  }
0x4f: {  	v1 =	vld [tilespmem:s29+$0x30];
	_ =	sdelay $0x4  }
0x50: {  	[tilespmem:$0x18D30] =	vst v1  }
0x51: {  	[spmem:s1] =	stream.indirect.scatter.add.f32 [tilespmem:s20], [sflag:$0x3], $0x80, s24, s21, $0xb8;
	[tilespmem:$0x18E00] =	vst v63  }
0x52: {  	_ =	swait.ge [sflag:s17], $0x2000  }
0x53: {  	s30 =	simm.s32 $0xFFFED800;
	[sflag:s17] =	ssyncset.done $0x0  }
.LBB2_6:
0x54: {  	p0 =	sne.s32 s30, $0xFFFFF800;
	[sflag:s17] =	ssyncadd.s32 $0xFFFFE000;
	s29 =	sadd.s32 $0x80, s29  }
0x55: {  	s15 =	smov.u32 s30;
	s30 =	sadd.s32 $0x800, s30;
	_ =	swait.ge [sflag:s19], $0x2000  }
0x56: {  	s15 =	sadd.s32 s15, s7;
	[sflag:s19] =	ssyncset.done $0x0  }
0x57: {  	s31 =	sadd.s32 $0x13400, s15;
	[sflag:s19] =	ssyncadd.s32 $0xFFFFE000  }
0x58: {  	[tilespmem:s20], [sflag:$0x2] =	stream.linear.gather [hbm4b:s31+s3], $0x2000, $0x38;
	[tilespmem:$0x18E00] =	vst v63  }
0x59: {  	v1 =	vld [tilespmem:s29+$0xFFFFFFC0];
	_ =	sdelay $0x4  }
0x5a: {  	[tilespmem:$0x18C80] =	vst v1  }
0x5b: {  	v1 =	vld [tilespmem:s29+$0xFFFFFFD0];
	_ =	sdelay $0x4  }
0x5c: {  	[tilespmem:$0x18C90] =	vst v1  }
0x5d: {  	v1 =	vld [tilespmem:s29+$0xFFFFFFE0];
	_ =	sdelay $0x4  }
0x5e: {  	[tilespmem:$0x18CA0] =	vst v1  }
0x5f: {  	v1 =	vld [tilespmem:s29+$0xFFFFFFF0];
	_ =	sdelay $0x4  }
0x60: {  	[tilespmem:$0x18CB0] =	vst v1  }
0x61: {  	[spmem:s1] =	stream.indirect.scatter.add.f32 [tilespmem:s16], [sflag:$0x3], $0x80, s22, s21, $0xb8;
	[tilespmem:$0x18E00] =	vst v63  }
0x62: {  	_ =	swait.ge [sflag:s17], $0x2000  }
0x63: {  	[sflag:s17] =	ssyncset.done $0x0  }
0x64: {  	[sflag:s17] =	ssyncadd.s32 $0xFFFFE000  }
0x65: {  	_ =	swait.ge [sflag:s23], $0x2000  }
0x66: {  	[sflag:s23] =	ssyncset.done $0x0  }
0x67: {  	s15 =	sadd.s32 $0x13800, s15;
	[sflag:s23] =	ssyncadd.s32 $0xFFFFE000  }
0x68: {  	[tilespmem:s16], [sflag:$0x1] =	stream.linear.gather [hbm4b:s15+s3], $0x2000, $0x38;
	[tilespmem:$0x18E00] =	vst v63  }
0x69: {  	v1 =	vld [tilespmem:s29+$0x0];
	_ =	sdelay $0x4  }
0x6a: {  	[tilespmem:$0x18D00] =	vst v1  }
0x6b: {  	v1 =	vld [tilespmem:s29+$0x10];
	_ =	sdelay $0x4  }
0x6c: {  	[tilespmem:$0x18D10] =	vst v1  }
0x6d: {  	v1 =	vld [tilespmem:s29+$0x20];
	_ =	sdelay $0x4  }
0x6e: {  	[tilespmem:$0x18D20] =	vst v1  }
0x6f: {  	v1 =	vld [tilespmem:s29+$0x30];
	_ =	sdelay $0x3  }
.Ltmp3:
0x70: {  	(pc) =	sbr.rel @p0 .LBB2_6-.Ltmp3, $4  }
0x71: {  	[tilespmem:$0x18D30] =	vst v1  }
0x72: {  	[spmem:s1] =	stream.indirect.scatter.add.f32 [tilespmem:s20], [sflag:$0x3], $0x80, s24, s21, $0xb8;
	[tilespmem:$0x18E00] =	vst v63  }
0x73: {  	_ =	swait.ge [sflag:s17], $0x2000  }
0x74: {  	[sflag:s17] =	ssyncset.done $0x0  }
0x75: {  	[sflag:s17] =	ssyncadd.s32 $0xFFFFE000  }
0x76: {  	_ =	swait.ge [sflag:s19], $0x2000  }
0x77: {  	[sflag:s19] =	ssyncset.done $0x0  }
0x78: {  	[sflag:s19] =	ssyncadd.s32 $0xFFFFE000  }
0x79: {  	[tilespmem:s20], [sflag:$0x2] =	stream.linear.gather [hbm4b:s12+s3], $0x2000, $0x38;
	[tilespmem:$0x18E00] =	vst v63  }
0x7a: {  	v1 =	vld [tilespmem:$0x18B80]  }
0x7b: {  	v2 =	vld [tilespmem:$0x18B90]  }
0x7c: {  	v3 =	vld [tilespmem:$0x18BA0]  }
0x7d: {  	v4 =	vld [tilespmem:$0x18BB0];
	_ =	sdelay $0x1  }
0x7e: {  	[tilespmem:$0x18C80] =	vst v1  }
0x7f: {  	[tilespmem:$0x18C90] =	vst v2  }
0x80: {  	[tilespmem:$0x18CA0] =	vst v3  }
0x81: {  	[tilespmem:$0x18CB0] =	vst v4  }
0x82: {  	[spmem:s1] =	stream.indirect.scatter.add.f32 [tilespmem:s16], [sflag:$0x3], $0x80, s22, s21, $0xb8;
	[tilespmem:$0x18E00] =	vst v63  }
0x83: {  	_ =	swait.ge [sflag:s17], $0x2000  }
0x84: {  	[sflag:s17] =	ssyncset.done $0x0  }
0x85: {  	[sflag:s17] =	ssyncadd.s32 $0xFFFFE000  }
0x86: {  	_ =	swait.ge [sflag:s23], $0x2000  }
0x87: {  	[sflag:s23] =	ssyncset.done $0x0  }
0x88: {  	[sflag:s23] =	ssyncadd.s32 $0xFFFFE000  }
0x89: {  	v1 =	vld [tilespmem:$0x18BC0]  }
0x8a: {  	v2 =	vld [tilespmem:$0x18BD0]  }
0x8b: {  	v3 =	vld [tilespmem:$0x18BE0]  }
0x8c: {  	v63 =	vld [tilespmem:$0x18BF0];
	_ =	sdelay $0x1  }
0x8d: {  	[tilespmem:$0x18D00] =	vst v1  }
0x8e: {  	[tilespmem:$0x18D10] =	vst v2  }
0x8f: {  	[tilespmem:$0x18D20] =	vst v3  }
0x90: {  	[tilespmem:$0x18D30] =	vst v63  }
0x91: {  	[spmem:s1] =	stream.indirect.scatter.add.f32 [tilespmem:s20], [sflag:$0x3], $0x80, s24, s21, $0xb8;
	[tilespmem:$0x18E00] =	vst v63  }
0x92: {  	_ =	swait.ge [sflag:s17], $0x2000  }
0x93: {  	[sflag:s17] =	ssyncset.done $0x0  }
0x94: {  	[sflag:s17] =	ssyncadd.s32 $0xFFFFE000  }
0x95: {  	[tilespmem:s20], [sflag:$0x3] =	stream.linear.gather [hbm4b:s8+s3], $0x400, $0x38;
	[tilespmem:$0x18E00] =	vst v63  }
0x96: {  	_ =	swait.ge [sflag:s17], $0x400  }
0x97: {  	[sflag:s17] =	ssyncset.done $0x0  }
0x98: {  	[sflag:s17] =	ssyncadd.s32 $0xFFFFFC00  }
0x99: {  	[tilespmem:s25], [sflag:$0x3] =	stream.linear.gather [hbm4b:s9+s3], $0x8, $0x38;
	[tilespmem:$0x18E00] =	vst v63  }
0x9a: {  	_ =	swait.ge [sflag:s17], $0x8  }
0x9b: {  	[sflag:s17] =	ssyncset.done $0x0  }
0x9c: {  	s15 =	simm.s32 $0x8;
	[sflag:s17] =	ssyncadd.s32 $0xFFFFFFF8  }
0x9d: {  	[spmem:s1] =	stream.indirect.scatter.add.f32 [tilespmem:s20], [sflag:$0x3], $0x80, s25, s15, $0xb8;
	[tilespmem:$0x18E00] =	vst v63  }
0x9e: {  	p0 =	sne.s32 s10, $0x1;
	_ =	swait.ge [sflag:s17], $0x400  }
.Ltmp4:
0x9f: {  	s26 =	sshll.u32 s2, $0x6;
	[sflag:s17] =	ssyncset.done $0x0;
	(pc) =	sbr.rel @!p0 .LBB2_9-.Ltmp4, $4  }
0xa0: {  	s29 =	sshrl.u32 s14, $0x3;
	s30 =	sshrl.u32 s0, $0x3;
	[sflag:s17] =	ssyncadd.s32 $0xFFFFFC00  }
0xa1: {  	s31 =	sadd.s32 s4, s29;
	s29 =	sor.u32 $0x1C03, s26;
	[bflag:$0x0] =	sbarrier.arrive $0xFFFF  }
0xa2: {  	[hbm:s31], [sflag:s29] =	dma.local [spmem:s30], $0xC80  }
0xa3: {  	s15 =	smov.u32 s0;
	s30 =	sadd.s32 $0xFFFFFFFF, s10;
	s31 =	sadd.s32 $0x64000, s14  }
.LBB2_8:
0xa4: {  	_ =	swait.ge [sflag:s17], $0xC80  }
0xa5: {  	s15 =	sadd.s32 $0x64000, s15;
	s18 =	sshrl.u32 s31, $0x3;
	p0 =	sne.s32 s30, $0x1  }
.Ltmp5:
0xa6: {  	s26 =	sshrl.u32 s15, $0x3;
	[sflag:s17] =	ssyncset.done $0x0;
	(pc) =	sbr.rel @p0 .LBB2_8-.Ltmp5, $4  }
0xa7: {  	s18 =	sadd.s32 s4, s18;
	[sflag:s17] =	ssyncadd.s32 $0xFFFFF380  }
0xa8: {  	[hbm:s18], [sflag:s29] =	dma.local [spmem:s26], $0xC80  }
0xa9: {  	s30 =	sadd.s32 $0xFFFFFFFF, s30  }
0xaa: {  	s31 =	sadd.s32 $0x64000, s31  }
.LBB2_9:
0xab: {  	s28 =	sadd.s32 $0x1, s28  }
0xac: {  	p0 =	sne.s32 s28, s11  }
.Ltmp6:
0xad: {  	_ = 	snop;
	(pc) =	sbr.rel @p0 .LBB2_1-.Ltmp6, $4  }
0xae: {  	_ = 	snop  }
0xaf: {  	_ =	swait.ge [sflag:s17], $0xC80  }
0xb0: {  	[sflag:s17] =	ssyncset.done $0x0  }
0xb1: {  	[sflag:s17] =	ssyncadd.s32 $0xFFFFF380  }
0xb2: {  	_ =	sfence.sel $0x180000  }
0xb3: {  	[bflag:$0x0] =	sbarrier.arrive $0xFFFF  }
0xb4: {  	_ =	strace $0x9000004D  }
0xb5: {  	[bflag:$0x2] =	sbarrier.arrive $0xFFFF  }
0xb6: {  	p0 =	sne.s32 s2, $0x0;
	s0 =	rddreg [dreg:$0x2]  }
0xb7: {  	s0 =	sadd.s32 @!p0 $0x100000, s0  }
0xb8: {  	[sflag:s0] =	ssyncadd.tile.s32 @!p0 $0x1;
	_ =	shalt  }
.Lfunc_end2:
_tile_overlayer_lowered:
.L_overlay_start_2:
0xb9: {  	(tag) =	ssettag $0x2  }
0xba: {  	s0 =	rddreg [dreg:$0x0];
	s2 =	stileid.u32  }
0xbb: {  	s1 =	rddreg [dreg:$0x1];
	p0 =	sne.s32 s2, $0x0  }
0xbc: {  	s3 =	rddreg [dreg:$0x2];
	[bflag:$0x3] =	sbarrier.arrive $0xFFFF;
	s2 =	simm.s32 @!p0 $0x1C03  }
0xbd: {  	[timem:s3], [sflag:s2] =	dma.local @!p0 [hbm:s0], s1  }
0xbe: {  	s0 =	simm.s32 @!p0 $0x3  }
0xbf: {  	_ =	swait.ge @!p0 [sflag:s0], s1  }
0xc0: {  	s1 =	ssub.s32 @!p0 $0x0, s1;
	[sflag:s0] =	ssyncset.done @!p0 $0x0  }
0xc1: {  	[sflag:s0] =	ssyncadd.s32 @!p0 s1  }
0xc2: {  	[bflag:$0x3] =	sbarrier.arrive $0xFFFF  }
0xc3: {  	_ =	shalt  }

// kernel: kernel.16.cloned.1.call-start
scs
__scs_entry_jumppad:
0x0: {  	(pc) =	sbr.rel $0x88, $3  }
0x1: {  	(tag) =	ssettag $0x0;
	lr =	simm.s32 $0x1  }
0x2: {  	[smem:$0x3F8B] =	sst lr;
	_ =	strace $0xD0000000  }
0x3: {  	_ = 	snop  }
0x4: {  	_ = 	snop  }
0x5: {  	_ = 	snop  }
0x6: {  	_ = 	snop  }
0x7: {  	_ = 	snop  }
__scs_overlays_trampoline_lowered:
0x8: {  	[smem:$0x3F9A] =	sst s0  }
0x9: {  	[smem:$0x3F9B] =	sst s1  }
0xa: {  	[smem:$0x3F9C] =	sst s2  }
0xb: {  	[smem:$0x3F9D] =	sst s3  }
0xc: {  	[smem:$0x3F9E] =	sst s4  }
0xd: {  	[smem:$0x3F9F] =	sst s5  }
0xe: {  	[smem:$0x3FA0] =	sst s6  }
0xf: {  	[smem:$0x3FA1] =	sst s7  }
0x10: {  	[smem:$0x3FA2] =	sst s8  }
0x11: {  	[smem:$0x3FA3] =	sst s9;
	s0 =	simm.s32 @!p0 $0x0  }
0x12: {  	s1 =	sld [smem:$0x3F89];
	s0 =	simm.s32 @p0 $0x1  }
0x13: {  	[smem:$0x3FA4] =	sst s0;
	s0 =	simm.s32 @!p1 $0x0  }
0x14: {  	s2 =	sld [smem:$0x3F88];
	s0 =	simm.s32 @p1 $0x1  }
0x15: {  	[smem:$0x3FA5] =	sst s0;
	s0 =	simm.s32 @!p2 $0x0  }
0x16: {  	s3 =	sld [smem:$0x3FDB];
	s0 =	simm.s32 @p2 $0x1  }
0x17: {  	s4 =	simm.s32 $0x1BF5;
	[smem:$0x3FA7] =	sst s0  }
0x18: {  	s0 =	sld [smem:$0x3F8A];
	_ =	swait.ge [sflag:s4], $0x0  }
0x19: {  	s7 =	sld [smem:$0x3F8B]  }
0x1a: {  	s8 =	sadd.s32 $0xFFFFE003, lr  }
0x1b: {  	s9 =	sadd.s32 $0xFFFFFEF7, lr;
	s5 =	simm.s32 $0xFFFFFFFF;
	p2 =	slt.u32 s8, $0xFFFFF086  }
0x1c: {  	p1 =	slt.u32 s9, $0xF7A;
	s5 =	simm.s32 @!p2 $0x0  }
0x1d: {  	s5 =	simm.s32 @p1 $0x1;
	p0 =	seq.s32 s7, s2  }
0x1e: {  	s7 =	smul.u32 @!p0 $0xF7A, s2;
	p2 =	seq.s32 @!p0 s5, $0x0  }
0x1f: {  	s9 =	smul.u32 $0xF7A, s1;
	s8 =	simm.s32 @!p0 $0x1BF5;
	p2 =	por !p2, p0  }
0x20: {  	[sflag:s8] =	ssyncset.s32 @!p0 $0xFFFFF086;
	s6 =	sadd.s32 @!p0 s3, s7;
	s7 =	simm.s32 @!p0 $0x108  }
0x21: {  	s3 =	sadd.s32 s3, s9;
	s6 =	sadd.s32 @!p0 $0x88, s6;
	s7 =	simm.s32 @p2 $0x1082  }
0x22: {  	[simem:s7], [sflag:s8] =	dma.local @!p0 [hbm:s6], $0xF7A  }
0x23: {  	s9 =	sor.u32 $0xD0000000, s2;
	s6 =	simm.s32 $0x108;
	_ =	swait.ge @!p0 [sflag:s8], $0x0  }
0x24: {  	s3 =	sadd.s32 $0x88, s3;
	s6 =	simm.s32 @!p1 $0x1082;
	[sflag:s4] =	ssyncset.s32 $0xFFFFF086  }
0x25: {  	[simem:s6], [sflag:s4] =	dma.local [hbm:s3], $0xF7A  }
0x26: {  	[smem:$0x3F8B] =	sst s1;
	(tag) =	ssettag s2;
	_ =	strace s9  }
0x27: {  	s1 =	sld [smem:$0x3F9B]  }
0x28: {  	s2 =	sld [smem:$0x3F9C]  }
0x29: {  	s4 =	sld [smem:$0x3F9E]  }
0x2a: {  	p0 =	seq.s32 s5, $0x0;
	s5 =	sld [smem:$0x3F9F]  }
0x2b: {  	s6 =	sld [smem:$0x3FA0]  }
0x2c: {  	s7 =	sld [smem:$0x3FA1]  }
0x2d: {  	s3 =	simm.s32 $0x108;
	s8 =	sld [smem:$0x3FA2]  }
0x2e: {  	s3 =	simm.s32 @!p0 $0x1082;
	s9 =	sld [smem:$0x3FA3]  }
0x2f: {  	lr =	sadd.s32 s0, s3;
	s0 =	sld [smem:$0x3F9A]  }
0x30: {  	s3 =	sld [smem:$0x3F9D]  }
0x31: {  	[smem:$0x3FA6] =	sst s10  }
0x32: {  	s10 =	sld [smem:$0x3FA4];
	_ =	sdelay $0x3  }
0x33: {  	p0 =	seq.s32 s10, $0x1;
	s10 =	sld [smem:$0x3FA6];
	_ =	sdelay $0x3  }
0x34: {  	[smem:$0x3FA6] =	sst s10  }
0x35: {  	s10 =	sld [smem:$0x3FA5];
	_ =	sdelay $0x3  }
0x36: {  	p1 =	seq.s32 s10, $0x1;
	s10 =	sld [smem:$0x3FA6];
	_ =	sdelay $0x3  }
0x37: {  	[smem:$0x3FA6] =	sst s10  }
0x38: {  	s10 =	sld [smem:$0x3FA7]  }
0x39: {  	_ = 	snop;
	(pc) =	sbr.ind lr, $3  }
0x3a: {  	_ = 	snop  }
0x3b: {  	_ = 	snop  }
0x3c: {  	p2 =	seq.s32 s10, $0x1;
	s10 =	sld [smem:$0x3FA6]  }
0x3d: {  	_ =	shalt  }
0x3e: {  	_ =	shalt  }
0x3f: {  	_ =	shalt  }
0x40: {  	_ =	shalt  }
0x41: {  	_ =	shalt  }
0x42: {  	_ =	shalt  }
0x43: {  	_ =	shalt  }
0x44: {  	_ =	shalt  }
0x45: {  	_ =	shalt  }
0x46: {  	_ =	shalt  }
0x47: {  	_ =	shalt  }
0x48: {  	_ =	shalt  }
0x49: {  	_ =	shalt  }
0x4a: {  	_ =	shalt  }
0x4b: {  	_ =	shalt  }
0x4c: {  	_ =	shalt  }
0x4d: {  	_ =	shalt  }
0x4e: {  	_ =	shalt  }
0x4f: {  	_ =	shalt  }
0x50: {  	_ =	shalt  }
0x51: {  	_ =	shalt  }
0x52: {  	_ =	shalt  }
0x53: {  	_ =	shalt  }
0x54: {  	_ =	shalt  }
0x55: {  	_ =	shalt  }
0x56: {  	_ =	shalt  }
0x57: {  	_ =	shalt  }
0x58: {  	_ =	shalt  }
0x59: {  	_ =	shalt  }
0x5a: {  	_ =	shalt  }
0x5b: {  	_ =	shalt  }
0x5c: {  	_ =	shalt  }
0x5d: {  	_ =	shalt  }
0x5e: {  	_ =	shalt  }
0x5f: {  	_ =	shalt  }
0x60: {  	_ =	shalt  }
0x61: {  	_ =	shalt  }
0x62: {  	_ =	shalt  }
0x63: {  	_ =	shalt  }
0x64: {  	_ =	shalt  }
0x65: {  	_ =	shalt  }
0x66: {  	_ =	shalt  }
0x67: {  	_ =	shalt  }
0x68: {  	_ =	shalt  }
0x69: {  	_ =	shalt  }
0x6a: {  	_ =	shalt  }
0x6b: {  	_ =	shalt  }
0x6c: {  	_ =	shalt  }
0x6d: {  	_ =	shalt  }
0x6e: {  	_ =	shalt  }
0x6f: {  	_ =	shalt  }
0x70: {  	_ =	shalt  }
0x71: {  	_ =	shalt  }
0x72: {  	_ =	shalt  }
0x73: {  	_ =	shalt  }
0x74: {  	_ =	shalt  }
0x75: {  	_ =	shalt  }
0x76: {  	_ =	shalt  }
0x77: {  	_ =	shalt  }
0x78: {  	_ =	shalt  }
0x79: {  	_ =	shalt  }
0x7a: {  	_ =	shalt  }
0x7b: {  	_ =	shalt  }
0x7c: {  	_ =	shalt  }
0x7d: {  	_ =	shalt  }
0x7e: {  	_ =	shalt  }
0x7f: {  	_ =	shalt  }
0x80: {  	_ =	shalt  }
0x81: {  	_ =	shalt  }
0x82: {  	_ =	shalt  }
0x83: {  	_ =	shalt  }
0x84: {  	_ =	shalt  }
0x85: {  	_ =	shalt  }
0x86: {  	_ =	shalt  }
0x87: {  	_ =	shalt  }
.Lfunc_end0:
.L_simem_size_0:
called_computation.2_lowered:
.L_overlay_start_0:
0x88: {  	s2 =	sld [smem:$0x3FD9]  }
0x89: {  	s3 =	sld [smem:$0x3FFE];
	_ =	sdelay $0x1  }
0x8a: {  	s1 =	srdreg.scid  }
0x8b: {  	s0 =	sand.u32 $0x1, s1  }
0x8c: {  	s17 =	sshll.u32 s0, $0xA;
	s2 =	sadd.s32 s3, s2  }
0x8d: {  	s2 =	sadd.s32 s2, s17  }
0x8e: {  	[smem:$0x3FB2] =	sst s2  }
0x8f: {  	_ = 	snop  }
0x90: {  	(tm) =	ssettm $0x1  }
0x91: {  	s18 =	sld [smem:$0x3FFB];
	_ =	sdelay $0x3  }
0x92: {  	_ =	strace s18  }
0x93: {  	s2 =	sld [smem:$0x3FFC];
	_ =	sdelay $0x3  }
0x94: {  	_ =	strace s2  }
0x95: {  	s2 =	sld [smem:$0x3FFD];
	_ =	sdelay $0x3  }
0x96: {  	_ =	strace s2  }
0x97: {  	_ =	strace $0x8FFFFFFF  }
0x98: {  	s19 =	sld [smem:$0x3FDB];
	_ =	sdelay $0x1  }
0x99: {  	s20 =	simm.s32 $_scs_section_size  }
0x9a: {  	s4 =	simm.s32 $_size__tile_overlayer_lowered;
	s5 =	simm.s32 $_tile_overlayer_lowered  }
0x9b: {  	s6 =	simm.s32 $0x1BFF;
	s21 =	sshll.u32 s5, $0x1;
	s3 =	sadd.s32 s20, s19  }
0x9c: {  	s22 =	simm.s32 $0x0;
	s4 =	sshll.u32 s4, $0x1;
	s5 =	sadd.s32 s21, s3  }
0x9d: {  	[timem:s22], [sflag:s6] =	dma.local [hbm:s5], s4  }
0x9e: {  	_ =	swait.ge [sflag:s6], s4  }
0x9f: {  	s4 =	ssub.s32 $0x0, s4;
	[sflag:s6] =	ssyncset.done $0x0  }
0xa0: {  	[sflag:s6] =	ssyncadd.s32 s4;
	_ =	sdelay $0x1  }
0xa1: {  	s23 =	simm.s32 $0x1B8B  }
0xa2: {  	_ =	swait.ge [sflag:s23], $0x1  }
0xa3: {  	[sflag:s23] =	ssyncset.done $0x0  }
0xa4: {  	[sflag:s23] =	ssyncadd.s32 $0xFFFFFFFF  }
0xa5: {  	s4 =	sld [smem:$0x0]  }
0xa6: {  	s5 =	sand.u32 $0xFFFFFFFE, s1  }
0xa7: {  	p0 =	sne.s32 s1, s5  }
0xa8: {  	s5 =	sshll.u32 @p0 s5, $0xE  }
0xa9: {  	s5 =	sadd.s32 @p0 $0x11B8D, s5;
	s6 =	sshll.u32 @p0 s4, $0x11  }
0xaa: {  	s5 =	sor.u32 @p0 s6, s5  }
0xab: {  	[sflag:s5] =	ssyncadd.remote.s32 @p0 $0x1;
	_ =	sdelay $0x1  }
0xac: {  	s5 =	simm.s32 @p0 $0x1B8D  }
0xad: {  	_ =	swait.eq @p0 [sflag:s5], $0x1  }
0xae: {  	[sflag:s5] =	ssyncadd.s32 @p0 $0xFFFFFFFF  }
0xaf: {  	s6 =	sshll.u32 @!p0 s1, $0xE  }
0xb0: {  	s6 =	sor.u32 @!p0 $0x4000, s6;
	s5 =	simm.s32 @!p0 $0x1B8D  }
0xb1: {  	s4 =	sshll.u32 @!p0 s4, $0x11;
	s6 =	sadd.s32 @!p0 $0x11B8D, s6;
	_ =	swait.eq @!p0 [sflag:s5], $0x1  }
0xb2: {  	s4 =	sor.u32 @!p0 s4, s6;
	[sflag:s5] =	ssyncadd.s32 @!p0 $0xFFFFFFFF  }
0xb3: {  	s25 =	simm.s32 $0x1B8E;
	s24 =	sld [smem:$0x3FFE];
	[sflag:s4] =	ssyncadd.remote.s32 @!p0 $0x1  }
0xb4: {  	s26 =	simm.s32 $execute0_lowered;
	[smem:$0x3FD2] =	sst s25  }
0xb5: {  	s5 =	sshll.u32 s26, $0x1;
	_ =	strace $0x80000049;
	[dreg:$0x1] =	wrdreg $0xFFFFFFFF  }
0xb6: {  	s28 =	simm.s32 $_size_execute0_lowered;
	s3 =	sadd.s32 s3, s5;
	[dreg:$0x0] =	wrdreg $0x0  }
0xb7: {  	s5 =	sshll.u32 s28, $0x1;
	[dreg:$0x2] =	wrdreg s3  }
0xb8: {  	[dreg:$0x3] =	wrdreg s5  }
0xb9: {  	[dreg:$0x4] =	wrdreg $0xC0  }
0xba: {  	_ =	task [dreg:s22], $0x5FFFF  }
0xbb: {  	[dreg:$0x1] =	wrdreg $0xFFFFFFFF  }
0xbc: {  	[dreg:$0x0] =	wrdreg $0x60  }
0xbd: {  	[dreg:$0x2] =	wrdreg s24  }
0xbe: {  	[dreg:$0x3] =	wrdreg $0xA  }
0xbf: {  	_ =	task.clear_ibuf [dreg:s22], $0x4FFFF;
	_ =	strace $0x90000049  }
0xc0: {  	s29 =	simm.s32 $0xA;
	_ =	strace $0x8000004B  }
0xc1: {  	_ =	swait.ge [sflag:s29], $0x1  }
0xc2: {  	[sflag:s29] =	ssyncadd.s32 $0xFFFFFFFF  }
0xc3: {  	_ =	strace $0x9000004B  }
0xc4: {  	_ =	sfence  }
0xc5: {  	s30 =	sld [smem:$0x0];
	_ =	sdelay $0x2  }
0xc6: {  	s31 =	sshll.u32 s1, $0xD;
	s1 =	sshrl.u32 s1, $0x2  }
0xc7: {  	s4 =	sand.u32 $0x4000, s31;
	s1 =	sadd.s32 s1, s30  }
0xc8: {  	s0 =	sor.u32 s4, s0;
	s1 =	sshll.u32 s1, $0x11  }
0xc9: {  	s0 =	sor.u32 s1, s0  }
0xca: {  	s0 =	sadd.s32 $0x8F2B, s0  }
0xcb: {  	[sflag:s0] =	ssyncadd.remote.s32 $0x1  }
0xcc: {  	_ =	sfence.sel $0xFFFF  }
0xcd: {  	[dreg:$0x0] =	wrdreg $0xFFFFFFFF;
	(pc) =	sbr.abs _section_cstart, $3  }
0xce: {  	[dreg:$0x1] =	wrdreg $0xFFFFFFFF  }
0xcf: {  	_ =	task.clear_ibuf [dreg:s22], $0x2FFFF;
	_ =	strace $0x9FFFFFFF  }
0xd0: {  	(tm) =	ssettm $0x7FFFFFFF  }
0xd1: {  	_ =	shalt  }
tec
execute0_lowered:
.L_overlay_start_1:
0x0: {  	(tag) =	ssettag $0x1  }
0x1: {  	s4 =	rddreg [dreg:$0x0]  }
0x2: {  	s0 =	rddreg [dreg:$0x1];
	s3 =	srdreg.scid  }
0x3: {  	s1 =	stileid.u32;
	s2 =	simm.s32 $0x0;
	s12 =	simm.s32 $0x80  }
0x4: {  	s13 =	simm.s32 $0x5400;
	s14 =	simm.s32 $0x2;
	s15 =	simm.s32 $0x8  }
0x5: {  	s16 =	simm.s32 $0x1380;
	s5 =	sand.u32 $0x1, s3;
	s6 =	smul.u32 $0x1388, s1  }
0x6: {  	s17 =	simm.s32 $0x0;
	[smem:$0x7FF] =	sst s2;
	s7 =	smul.u32 $0x13880, s5  }
0x7: {  	s3 =	sadd.s32 $0xE600, s4;
	s8 =	ssub.s32 $0x2, s5;
	s9 =	smul.u32 $0x27100, s5  }
0x8: {  	s10 =	sadd.s32 $0x2A6800, s4;
	s29 =	smul.u32 $0x138800, s5;
	s11 =	sshrl.u32 s8, $0x1  }
0x9: {  	s31 =	smul.u32 $0x13880, s1;
	_ =	strace $0x8000004A;
	s8 =	ssub.s32 s8, s11  }
0xa: {  	s7 =	sadd.s32 s6, s7;
	s6 =	sadd.s32 s6, s9;
	s9 =	sadd.s32 s29, s10  }
0xb: {  	s11 =	simm.s32 $0x1;
	s6 =	sshrl.u32 s6, $0x3;
	s7 =	sshll.u32 s7, $0x4  }
0xc: {  	s4 =	sadd.s32 s4, s6;
	s30 =	sadd.s32 s10, s7;
	s7 =	smax.u32 s8, $0x1  }
0xd: {  	s8 =	sadd.s32 s31, s9;
	s9 =	simm.s32 $0x3;
	s10 =	simm.s32 $0x1400  }
0xe: {  	s4 =	sadd.s32 $0x6F10, s4;
	s5 =	sadd.s32 $0x13000, s30;
	s6 =	sadd.s32 $0x13800, s30  }
.LBB2_1:
0xf: {  	[tilespmem:s2], [sflag:$0x3] =	stream.linear.gather [hbm4b:s4+s2], $0x1388, $0x38;
	[tilespmem:$0x9400] =	vst v63  }
0x10: {  	_ =	swait.ge [sflag:s9], $0x1388  }
0x11: {  	[sflag:s9] =	ssyncset.done $0x0  }
0x12: {  	[sflag:s9] =	ssyncadd.s32 $0xFFFFEC78  }
0x13: {  	[tilespmem:s10], [sflag:$0x1] =	stream.indirect.gather [hbm4b:s3+s12], $0x80, s2, s12, $0xb8;
	[tilespmem:$0x9400] =	vst v63  }
0x14: {  	_ =	swait.ge [sflag:s11], $0x4000  }
0x15: {  	[sflag:s11] =	ssyncset.done $0x0  }
0x16: {  	[sflag:s11] =	ssyncadd.s32 $0xFFFFC000  }
0x17: {  	[tilespmem:s13], [sflag:$0x2] =	stream.indirect.gather [hbm4b:s3+s12], $0x80, s12, s12, $0xb8;
	[tilespmem:$0x9400] =	vst v63  }
0x18: {  	s18 =	sadd.s32 $0x0, s8  }
0x19: {  	[hbm4b:s18+s2] =	stream.linear.scatter [tilespmem:s10], [sflag:$0x3], $0x4000, $0x38;
	[tilespmem:$0x9400] =	vst v63  }
0x1a: {  	_ =	swait.ge [sflag:s9], $0x4000  }
0x1b: {  	[sflag:s9] =	ssyncset.done $0x0  }
0x1c: {  	[sflag:s9] =	ssyncadd.s32 $0xFFFFC000  }
0x1d: {  	_ =	swait.ge [sflag:s14], $0x4000  }
0x1e: {  	[sflag:s14] =	ssyncset.done $0x0  }
0x1f: {  	s19 =	simm.s32 $0x100;
	[sflag:s14] =	ssyncadd.s32 $0xFFFFC000  }
0x20: {  	[tilespmem:s10], [sflag:$0x1] =	stream.indirect.gather [hbm4b:s3+s12], $0x80, s19, s12, $0xb8;
	[tilespmem:$0x9400] =	vst v63  }
0x21: {  	s18 =	sadd.s32 $0x800, s18  }
0x22: {  	[hbm4b:s18+s2] =	stream.linear.scatter [tilespmem:s13], [sflag:$0x3], $0x4000, $0x38;
	[tilespmem:$0x9400] =	vst v63  }
0x23: {  	_ =	swait.ge [sflag:s9], $0x4000  }
0x24: {  	s19 =	simm.s32 $0x80;
	s18 =	simm.s32 $0x1000;
	[sflag:s9] =	ssyncset.done $0x0  }
.LBB2_2:
0x25: {  	p0 =	sne.s32 s18, $0x12000;
	[sflag:s9] =	ssyncadd.s32 $0xFFFFC000;
	s19 =	sadd.s32 $0x100, s19  }
0x26: {  	s20 =	smov.u32 s18;
	s18 =	sadd.s32 $0x1000, s18  }
0x27: {  	_ =	swait.ge [sflag:s11], $0x4000  }
0x28: {  	[sflag:s11] =	ssyncset.done $0x0  }
0x29: {  	[sflag:s11] =	ssyncadd.s32 $0xFFFFC000  }
0x2a: {  	[tilespmem:s13], [sflag:$0x2] =	stream.indirect.gather [hbm4b:s3+s12], $0x80, s19, s12, $0xb8;
	[tilespmem:$0x9400] =	vst v63  }
0x2b: {  	s20 =	sadd.s32 s20, s8  }
0x2c: {  	[hbm4b:s20+s2] =	stream.linear.scatter [tilespmem:s10], [sflag:$0x3], $0x4000, $0x38;
	[tilespmem:$0x9400] =	vst v63  }
0x2d: {  	_ =	swait.ge [sflag:s9], $0x4000  }
0x2e: {  	[sflag:s9] =	ssyncset.done $0x0  }
0x2f: {  	[sflag:s9] =	ssyncadd.s32 $0xFFFFC000  }
0x30: {  	_ =	swait.ge [sflag:s14], $0x4000  }
0x31: {  	[sflag:s14] =	ssyncset.done $0x0  }
0x32: {  	s21 =	sadd.s32 $0x80, s19;
	[sflag:s14] =	ssyncadd.s32 $0xFFFFC000  }
0x33: {  	[tilespmem:s10], [sflag:$0x1] =	stream.indirect.gather [hbm4b:s3+s12], $0x80, s21, s12, $0xb8;
	[tilespmem:$0x9400] =	vst v63  }
.Ltmp0:
0x34: {  	_ = 	snop;
	(pc) =	sbr.rel @p0 .LBB2_2-.Ltmp0, $4  }
0x35: {  	s20 =	sadd.s32 $0x800, s20  }
0x36: {  	[hbm4b:s20+s2] =	stream.linear.scatter [tilespmem:s13], [sflag:$0x3], $0x4000, $0x38;
	[tilespmem:$0x9400] =	vst v63  }
0x37: {  	_ =	swait.ge [sflag:s9], $0x4000  }
0x38: {  	[sflag:s9] =	ssyncset.done $0x0  }
0x39: {  	[sflag:s9] =	ssyncadd.s32 $0xFFFFC000  }
0x3a: {  	_ =	swait.ge [sflag:s11], $0x4000  }
0x3b: {  	[sflag:s11] =	ssyncset.done $0x0  }
0x3c: {  	[sflag:s11] =	ssyncadd.s32 $0xFFFFC000  }
0x3d: {  	[hbm4b:s5+s2] =	stream.linear.scatter [tilespmem:s10], [sflag:$0x3], $0x4000, $0x38;
	[tilespmem:$0x9400] =	vst v63  }
0x3e: {  	_ =	swait.ge [sflag:s9], $0x4000  }
0x3f: {  	[sflag:s9] =	ssyncset.done $0x0  }
0x40: {  	[sflag:s9] =	ssyncadd.s32 $0xFFFFC000  }
0x41: {  	[tilespmem:s13], [sflag:$0x2] =	stream.indirect.gather [hbm4b:s3+s15], $0x80, s16, s15, $0xb8;
	[tilespmem:$0x9400] =	vst v63  }
0x42: {  	s17 =	sadd.s32 $0x1, s17;
	_ =	swait.ge [sflag:s14], $0x400  }
0x43: {  	p0 =	sne.s32 s17, s7;
	[sflag:s14] =	ssyncset.done $0x0  }
.Ltmp1:
0x44: {  	[sflag:s14] =	ssyncadd.s32 $0xFFFFFC00;
	(pc) =	sbr.rel @p0 .LBB2_1-.Ltmp1, $4  }
0x45: {  	[hbm4b:s6+s2] =	stream.linear.scatter [tilespmem:s13], [sflag:$0x3], $0x400, $0x38;
	[tilespmem:$0x9400] =	vst v63  }
0x46: {  	_ =	swait.ge [sflag:s9], $0x400  }
0x47: {  	[sflag:s9] =	ssyncset.done $0x0  }
0x48: {  	[sflag:s9] =	ssyncadd.s32 $0xFFFFFC00  }
0x49: {  	_ =	sfence.sel $0x180000  }
0x4a: {  	[bflag:$0x0] =	sbarrier.arrive $0xFFFF  }
0x4b: {  	p0 =	sne.s32 s1, $0x0;
	_ =	strace $0x9000004A  }
0x4c: {  	s0 =	sadd.s32 @!p0 $0x100000, s0;
	[bflag:$0x2] =	sbarrier.arrive $0xFFFF  }
0x4d: {  	[sflag:s0] =	ssyncadd.tile.s32 @!p0 $0x1;
	_ =	shalt  }
.Lfunc_end2:
_tile_overlayer_lowered:
.L_overlay_start_2:
0x4e: {  	(tag) =	ssettag $0x2  }
0x4f: {  	s0 =	rddreg [dreg:$0x0];
	s2 =	stileid.u32  }
0x50: {  	s1 =	rddreg [dreg:$0x1];
	p0 =	sne.s32 s2, $0x0  }
0x51: {  	s3 =	rddreg [dreg:$0x2];
	[bflag:$0x3] =	sbarrier.arrive $0xFFFF;
	s2 =	simm.s32 @!p0 $0x1C03  }
0x52: {  	[timem:s3], [sflag:s2] =	dma.local @!p0 [hbm:s0], s1  }
0x53: {  	s0 =	simm.s32 @!p0 $0x3  }
0x54: {  	_ =	swait.ge @!p0 [sflag:s0], s1  }
0x55: {  	s1 =	ssub.s32 @!p0 $0x0, s1;
	[sflag:s0] =	ssyncset.done @!p0 $0x0  }
0x56: {  	[sflag:s0] =	ssyncadd.s32 @!p0 s1  }
0x57: {  	[bflag:$0x3] =	sbarrier.arrive $0xFFFF  }
0x58: {  	_ =	shalt  }

// kernel: kernel.19.cloned.1.call-start
scs
__scs_entry_jumppad:
0x0: {  	(pc) =	sbr.rel $0x88, $3  }
0x1: {  	(tag) =	ssettag $0x0;
	lr =	simm.s32 $0x1  }
0x2: {  	[smem:$0x3F8B] =	sst lr;
	_ =	strace $0xD0000000  }
0x3: {  	_ = 	snop  }
0x4: {  	_ = 	snop  }
0x5: {  	_ = 	snop  }
0x6: {  	_ = 	snop  }
0x7: {  	_ = 	snop  }
__scs_overlays_trampoline_lowered:
0x8: {  	[smem:$0x3F9A] =	sst s0  }
0x9: {  	[smem:$0x3F9B] =	sst s1  }
0xa: {  	[smem:$0x3F9C] =	sst s2  }
0xb: {  	[smem:$0x3F9D] =	sst s3  }
0xc: {  	[smem:$0x3F9E] =	sst s4  }
0xd: {  	[smem:$0x3F9F] =	sst s5  }
0xe: {  	[smem:$0x3FA0] =	sst s6  }
0xf: {  	[smem:$0x3FA1] =	sst s7  }
0x10: {  	[smem:$0x3FA2] =	sst s8  }
0x11: {  	[smem:$0x3FA3] =	sst s9;
	s0 =	simm.s32 @!p0 $0x0  }
0x12: {  	s1 =	sld [smem:$0x3F89];
	s0 =	simm.s32 @p0 $0x1  }
0x13: {  	[smem:$0x3FA4] =	sst s0;
	s0 =	simm.s32 @!p1 $0x0  }
0x14: {  	s2 =	sld [smem:$0x3F88];
	s0 =	simm.s32 @p1 $0x1  }
0x15: {  	[smem:$0x3FA5] =	sst s0;
	s0 =	simm.s32 @!p2 $0x0  }
0x16: {  	s3 =	sld [smem:$0x3FDB];
	s0 =	simm.s32 @p2 $0x1  }
0x17: {  	s4 =	simm.s32 $0x1BF5;
	[smem:$0x3FA7] =	sst s0  }
0x18: {  	s0 =	sld [smem:$0x3F8A];
	_ =	swait.ge [sflag:s4], $0x0  }
0x19: {  	s7 =	sld [smem:$0x3F8B]  }
0x1a: {  	s8 =	sadd.s32 $0xFFFFE003, lr  }
0x1b: {  	s9 =	sadd.s32 $0xFFFFFEF7, lr;
	s5 =	simm.s32 $0xFFFFFFFF;
	p2 =	slt.u32 s8, $0xFFFFF086  }
0x1c: {  	p1 =	slt.u32 s9, $0xF7A;
	s5 =	simm.s32 @!p2 $0x0  }
0x1d: {  	s5 =	simm.s32 @p1 $0x1;
	p0 =	seq.s32 s7, s2  }
0x1e: {  	s7 =	smul.u32 @!p0 $0xF7A, s2;
	p2 =	seq.s32 @!p0 s5, $0x0  }
0x1f: {  	s9 =	smul.u32 $0xF7A, s1;
	s8 =	simm.s32 @!p0 $0x1BF5;
	p2 =	por !p2, p0  }
0x20: {  	[sflag:s8] =	ssyncset.s32 @!p0 $0xFFFFF086;
	s6 =	sadd.s32 @!p0 s3, s7;
	s7 =	simm.s32 @!p0 $0x108  }
0x21: {  	s3 =	sadd.s32 s3, s9;
	s6 =	sadd.s32 @!p0 $0x88, s6;
	s7 =	simm.s32 @p2 $0x1082  }
0x22: {  	[simem:s7], [sflag:s8] =	dma.local @!p0 [hbm:s6], $0xF7A  }
0x23: {  	s9 =	sor.u32 $0xD0000000, s2;
	s6 =	simm.s32 $0x108;
	_ =	swait.ge @!p0 [sflag:s8], $0x0  }
0x24: {  	s3 =	sadd.s32 $0x88, s3;
	s6 =	simm.s32 @!p1 $0x1082;
	[sflag:s4] =	ssyncset.s32 $0xFFFFF086  }
0x25: {  	[simem:s6], [sflag:s4] =	dma.local [hbm:s3], $0xF7A  }
0x26: {  	[smem:$0x3F8B] =	sst s1;
	(tag) =	ssettag s2;
	_ =	strace s9  }
0x27: {  	s1 =	sld [smem:$0x3F9B]  }
0x28: {  	s2 =	sld [smem:$0x3F9C]  }
0x29: {  	s4 =	sld [smem:$0x3F9E]  }
0x2a: {  	p0 =	seq.s32 s5, $0x0;
	s5 =	sld [smem:$0x3F9F]  }
0x2b: {  	s6 =	sld [smem:$0x3FA0]  }
0x2c: {  	s7 =	sld [smem:$0x3FA1]  }
0x2d: {  	s3 =	simm.s32 $0x108;
	s8 =	sld [smem:$0x3FA2]  }
0x2e: {  	s3 =	simm.s32 @!p0 $0x1082;
	s9 =	sld [smem:$0x3FA3]  }
0x2f: {  	lr =	sadd.s32 s0, s3;
	s0 =	sld [smem:$0x3F9A]  }
0x30: {  	s3 =	sld [smem:$0x3F9D]  }
0x31: {  	[smem:$0x3FA6] =	sst s10  }
0x32: {  	s10 =	sld [smem:$0x3FA4];
	_ =	sdelay $0x3  }
0x33: {  	p0 =	seq.s32 s10, $0x1;
	s10 =	sld [smem:$0x3FA6];
	_ =	sdelay $0x3  }
0x34: {  	[smem:$0x3FA6] =	sst s10  }
0x35: {  	s10 =	sld [smem:$0x3FA5];
	_ =	sdelay $0x3  }
0x36: {  	p1 =	seq.s32 s10, $0x1;
	s10 =	sld [smem:$0x3FA6];
	_ =	sdelay $0x3  }
0x37: {  	[smem:$0x3FA6] =	sst s10  }
0x38: {  	s10 =	sld [smem:$0x3FA7]  }
0x39: {  	_ = 	snop;
	(pc) =	sbr.ind lr, $3  }
0x3a: {  	_ = 	snop  }
0x3b: {  	_ = 	snop  }
0x3c: {  	p2 =	seq.s32 s10, $0x1;
	s10 =	sld [smem:$0x3FA6]  }
0x3d: {  	_ =	shalt  }
0x3e: {  	_ =	shalt  }
0x3f: {  	_ =	shalt  }
0x40: {  	_ =	shalt  }
0x41: {  	_ =	shalt  }
0x42: {  	_ =	shalt  }
0x43: {  	_ =	shalt  }
0x44: {  	_ =	shalt  }
0x45: {  	_ =	shalt  }
0x46: {  	_ =	shalt  }
0x47: {  	_ =	shalt  }
0x48: {  	_ =	shalt  }
0x49: {  	_ =	shalt  }
0x4a: {  	_ =	shalt  }
0x4b: {  	_ =	shalt  }
0x4c: {  	_ =	shalt  }
0x4d: {  	_ =	shalt  }
0x4e: {  	_ =	shalt  }
0x4f: {  	_ =	shalt  }
0x50: {  	_ =	shalt  }
0x51: {  	_ =	shalt  }
0x52: {  	_ =	shalt  }
0x53: {  	_ =	shalt  }
0x54: {  	_ =	shalt  }
0x55: {  	_ =	shalt  }
0x56: {  	_ =	shalt  }
0x57: {  	_ =	shalt  }
0x58: {  	_ =	shalt  }
0x59: {  	_ =	shalt  }
0x5a: {  	_ =	shalt  }
0x5b: {  	_ =	shalt  }
0x5c: {  	_ =	shalt  }
0x5d: {  	_ =	shalt  }
0x5e: {  	_ =	shalt  }
0x5f: {  	_ =	shalt  }
0x60: {  	_ =	shalt  }
0x61: {  	_ =	shalt  }
0x62: {  	_ =	shalt  }
0x63: {  	_ =	shalt  }
0x64: {  	_ =	shalt  }
0x65: {  	_ =	shalt  }
0x66: {  	_ =	shalt  }
0x67: {  	_ =	shalt  }
0x68: {  	_ =	shalt  }
0x69: {  	_ =	shalt  }
0x6a: {  	_ =	shalt  }
0x6b: {  	_ =	shalt  }
0x6c: {  	_ =	shalt  }
0x6d: {  	_ =	shalt  }
0x6e: {  	_ =	shalt  }
0x6f: {  	_ =	shalt  }
0x70: {  	_ =	shalt  }
0x71: {  	_ =	shalt  }
0x72: {  	_ =	shalt  }
0x73: {  	_ =	shalt  }
0x74: {  	_ =	shalt  }
0x75: {  	_ =	shalt  }
0x76: {  	_ =	shalt  }
0x77: {  	_ =	shalt  }
0x78: {  	_ =	shalt  }
0x79: {  	_ =	shalt  }
0x7a: {  	_ =	shalt  }
0x7b: {  	_ =	shalt  }
0x7c: {  	_ =	shalt  }
0x7d: {  	_ =	shalt  }
0x7e: {  	_ =	shalt  }
0x7f: {  	_ =	shalt  }
0x80: {  	_ =	shalt  }
0x81: {  	_ =	shalt  }
0x82: {  	_ =	shalt  }
0x83: {  	_ =	shalt  }
0x84: {  	_ =	shalt  }
0x85: {  	_ =	shalt  }
0x86: {  	_ =	shalt  }
0x87: {  	_ =	shalt  }
.Lfunc_end0:
.L_simem_size_0:
called_computation.3_lowered:
.L_overlay_start_0:
0x88: {  	s2 =	sld [smem:$0x3FD9]  }
0x89: {  	s3 =	sld [smem:$0x3FFE];
	_ =	sdelay $0x1  }
0x8a: {  	s1 =	srdreg.scid  }
0x8b: {  	s0 =	sand.u32 $0x1, s1  }
0x8c: {  	s17 =	sshll.u32 s0, $0xA;
	s2 =	sadd.s32 s3, s2  }
0x8d: {  	s2 =	sadd.s32 s2, s17  }
0x8e: {  	[smem:$0x3FB2] =	sst s2  }
0x8f: {  	_ = 	snop  }
0x90: {  	(tm) =	ssettm $0x1  }
0x91: {  	s18 =	sld [smem:$0x3FFB];
	_ =	sdelay $0x3  }
0x92: {  	_ =	strace s18  }
0x93: {  	s2 =	sld [smem:$0x3FFC];
	_ =	sdelay $0x3  }
0x94: {  	_ =	strace s2  }
0x95: {  	s2 =	sld [smem:$0x3FFD];
	_ =	sdelay $0x3  }
0x96: {  	_ =	strace s2  }
0x97: {  	_ =	strace $0x8FFFFFFF  }
0x98: {  	s19 =	sld [smem:$0x3FDB];
	_ =	sdelay $0x1  }
0x99: {  	s20 =	simm.s32 $_scs_section_size  }
0x9a: {  	s4 =	simm.s32 $_size__tile_overlayer_lowered;
	s5 =	simm.s32 $_tile_overlayer_lowered  }
0x9b: {  	s6 =	simm.s32 $0x1BFF;
	s21 =	sshll.u32 s5, $0x1;
	s3 =	sadd.s32 s20, s19  }
0x9c: {  	s22 =	simm.s32 $0x0;
	s4 =	sshll.u32 s4, $0x1;
	s5 =	sadd.s32 s21, s3  }
0x9d: {  	[timem:s22], [sflag:s6] =	dma.local [hbm:s5], s4  }
0x9e: {  	_ =	swait.ge [sflag:s6], s4  }
0x9f: {  	s4 =	ssub.s32 $0x0, s4;
	[sflag:s6] =	ssyncset.done $0x0  }
0xa0: {  	[sflag:s6] =	ssyncadd.s32 s4;
	_ =	sdelay $0x1  }
0xa1: {  	s23 =	simm.s32 $0x1B8B  }
0xa2: {  	_ =	swait.ge [sflag:s23], $0x1  }
0xa3: {  	[sflag:s23] =	ssyncset.done $0x0  }
0xa4: {  	[sflag:s23] =	ssyncadd.s32 $0xFFFFFFFF  }
0xa5: {  	s4 =	sld [smem:$0x0]  }
0xa6: {  	s5 =	sand.u32 $0xFFFFFFFE, s1  }
0xa7: {  	p0 =	sne.s32 s1, s5  }
0xa8: {  	s5 =	sshll.u32 @p0 s5, $0xE  }
0xa9: {  	s5 =	sadd.s32 @p0 $0x11B8D, s5;
	s6 =	sshll.u32 @p0 s4, $0x11  }
0xaa: {  	s5 =	sor.u32 @p0 s6, s5  }
0xab: {  	[sflag:s5] =	ssyncadd.remote.s32 @p0 $0x1;
	_ =	sdelay $0x1  }
0xac: {  	s5 =	simm.s32 @p0 $0x1B8D  }
0xad: {  	_ =	swait.eq @p0 [sflag:s5], $0x1  }
0xae: {  	[sflag:s5] =	ssyncadd.s32 @p0 $0xFFFFFFFF  }
0xaf: {  	s6 =	sshll.u32 @!p0 s1, $0xE  }
0xb0: {  	s6 =	sor.u32 @!p0 $0x4000, s6;
	s5 =	simm.s32 @!p0 $0x1B8D  }
0xb1: {  	s4 =	sshll.u32 @!p0 s4, $0x11;
	s6 =	sadd.s32 @!p0 $0x11B8D, s6;
	_ =	swait.eq @!p0 [sflag:s5], $0x1  }
0xb2: {  	s4 =	sor.u32 @!p0 s4, s6;
	[sflag:s5] =	ssyncadd.s32 @!p0 $0xFFFFFFFF  }
0xb3: {  	s25 =	simm.s32 $0x1B8E;
	s24 =	sld [smem:$0x3FFE];
	[sflag:s4] =	ssyncadd.remote.s32 @!p0 $0x1  }
0xb4: {  	s26 =	simm.s32 $execute0_lowered;
	[smem:$0x3FD2] =	sst s25  }
0xb5: {  	s5 =	sshll.u32 s26, $0x1;
	_ =	strace $0x8000004F;
	[dreg:$0x1] =	wrdreg $0xFFFFFFFF  }
0xb6: {  	s28 =	simm.s32 $_size_execute0_lowered;
	s3 =	sadd.s32 s3, s5;
	[dreg:$0x0] =	wrdreg $0x0  }
0xb7: {  	s5 =	sshll.u32 s28, $0x1;
	[dreg:$0x2] =	wrdreg s3  }
0xb8: {  	[dreg:$0x3] =	wrdreg s5  }
0xb9: {  	[dreg:$0x4] =	wrdreg $0xC0  }
0xba: {  	_ =	task [dreg:s22], $0x5FFFF  }
0xbb: {  	[dreg:$0x1] =	wrdreg $0xFFFFFFFF  }
0xbc: {  	[dreg:$0x0] =	wrdreg $0x60  }
0xbd: {  	[dreg:$0x2] =	wrdreg s24  }
0xbe: {  	[dreg:$0x3] =	wrdreg $0x0  }
0xbf: {  	[dreg:$0x4] =	wrdreg $0xA  }
0xc0: {  	_ =	task.clear_ibuf [dreg:s22], $0x5FFFF;
	_ =	strace $0x9000004F  }
0xc1: {  	s29 =	simm.s32 $0xA;
	_ =	strace $0x80000051  }
0xc2: {  	_ =	swait.ge [sflag:s29], $0x1  }
0xc3: {  	[sflag:s29] =	ssyncadd.s32 $0xFFFFFFFF  }
0xc4: {  	_ =	strace $0x90000051  }
0xc5: {  	_ =	sfence  }
0xc6: {  	s30 =	sld [smem:$0x0];
	_ =	sdelay $0x2  }
0xc7: {  	s31 =	sshll.u32 s1, $0xD;
	s1 =	sshrl.u32 s1, $0x2  }
0xc8: {  	s4 =	sand.u32 $0x4000, s31;
	s1 =	sadd.s32 s1, s30  }
0xc9: {  	s0 =	sor.u32 s4, s0;
	s1 =	sshll.u32 s1, $0x11  }
0xca: {  	s0 =	sor.u32 s1, s0  }
0xcb: {  	s0 =	sadd.s32 $0x8F2B, s0  }
0xcc: {  	[sflag:s0] =	ssyncadd.remote.s32 $0x1  }
0xcd: {  	_ =	sfence.sel $0xFFFF  }
0xce: {  	[dreg:$0x0] =	wrdreg $0xFFFFFFFF;
	(pc) =	sbr.abs _section_cstart, $3  }
0xcf: {  	[dreg:$0x1] =	wrdreg $0xFFFFFFFF  }
0xd0: {  	_ =	task.clear_ibuf [dreg:s22], $0x2FFFF;
	_ =	strace $0x9FFFFFFF  }
0xd1: {  	(tm) =	ssettm $0x7FFFFFFF  }
tec
execute0_lowered:
.L_overlay_start_1:
0x0: {  	(tag) =	ssettag $0x1  }
0x1: {  	s0 =	rddreg [dreg:$0x0]  }
0x2: {  	s1 =	rddreg [dreg:$0x1];
	s2 =	simm.s32 $0x0;
	s3 =	srdreg.scid  }
0x3: {  	s16 =	simm.s32 $0x13880;
	s17 =	simm.s32 $0x3;
	s19 =	simm.s32 $0x1  }
0x4: {  	s20 =	simm.s32 $0x15880;
	s21 =	simm.s32 $0x40;
	s22 =	simm.s32 $0x18C80  }
0x5: {  	s23 =	simm.s32 $0x2;
	s24 =	simm.s32 $0x18D00;
	s10 =	sand.u32 $0x1, s3  }
0x6: {  	s25 =	simm.s32 $0x18D80;
	s3 =	stileid.u32;
	s6 =	smul.u32 $0x27100, s10  }
0x7: {  	[smem:$0x7FF] =	sst s2;
	s8 =	sadd.s32 $0x83A00, s0;
	s7 =	smul.u32 $0x1388, s3  }
0x8: {  	s9 =	sadd.s32 $0x4800, s0;
	s4 =	sadd.s32 $0x1BC200, s0;
	s12 =	smul.u32 $0x13880, s3  }
0x9: {  	s28 =	simm.s32 $0x0;
	_ =	strace $0x80000050;
	s14 =	smul.u32 $0x138800, s10  }
0xa: {  	s5 =	ssub.s32 $0x2, s10;
	p0 =	slt.u32 s3, $0xA;
	s30 =	smul.u32 $0x5000, s3  }
0xb: {  	s10 =	simm.s32 $0x4;
	s15 =	smul.u32 $0x19000, s3;
	s26 =	sshrl.u32 s5, $0x1  }
0xc: {  	s31 =	smul.u32 $0x6400, s3;
	s0 =	ssub.s32 s5, s26;
	s11 =	sadd.s32 $0x13880, s6  }
0xd: {  	s5 =	simm.s32 $0x10;
	s13 =	sadd.s32 $0x1380, s7;
	s15 =	sshrl.u32 s15, $0x2  }
0xe: {  	s14 =	sadd.s32 s31, s14;
	s6 =	sadd.s32 s7, s11;
	s5 =	simm.s32 @!p0 $0xF  }
0xf: {  	s7 =	sadd.s32 s8, s12;
	s11 =	sadd.s32 s13, s11;
	s29 =	sshll.u32 s13, $0x4  }
0x10: {  	p0 =	slt.u32 s3, $0x2;
	s13 =	sshrl.u32 s30, $0x2;
	s6 =	sshrl.u32 s6, $0x3  }
0x11: {  	s11 =	sshrl.u32 s11, $0x3;
	s8 =	sadd.s32 s8, s29;
	s10 =	simm.s32 @!p0 $0x3  }
0x12: {  	s12 =	sadd.s32 $0x13400, s7;
	s13 =	sadd.s32 s13, s1;
	s6 =	sadd.s32 s9, s6  }
0x13: {  	v0 =	vimm.f32 $0.0e+00;
	s9 =	sadd.s32 s9, s11;
	s11 =	smax.u32 s0, $0x1;
	s0 =	sadd.s32 s15, s1  }
.LBB2_1:
0x14: {  	s29 =	simm.s32 $0x0;
	s30 =	simm.s32 $0x200  }
.LBB2_2:
0x15: {  	p0 =	sne.s32 s30, $0x4E00;
	[tilespmem:s29+$0x138F0] =	vst v0  }
0x16: {  	[tilespmem:s29+$0x13880] =	vst v0  }
0x17: {  	[tilespmem:s29+$0x13890] =	vst v0  }
.Ltmp0:
0x18: {  	[tilespmem:s29+$0x138A0] =	vst v0;
	(pc) =	sbr.rel @p0 .LBB2_2-.Ltmp0, $4  }
0x19: {  	[tilespmem:s29+$0x138B0] =	vst v0  }
0x1a: {  	[tilespmem:s29+$0x138C0] =	vst v0  }
0x1b: {  	[tilespmem:s29+$0x138D0] =	vst v0  }
0x1c: {  	[tilespmem:s29+$0x138E0] =	vst v0;
	s29 =	sshra.s32 s30, $0x2;
	s30 =	sadd.s32 $0x200, s30  }
0x1d: {  	[tilespmem:s29+$0x138F0] =	vst v0  }
0x1e: {  	[tilespmem:s29+$0x13880] =	vst v0  }
0x1f: {  	[tilespmem:s29+$0x13890] =	vst v0  }
0x20: {  	[tilespmem:s29+$0x138A0] =	vst v0  }
0x21: {  	[tilespmem:s29+$0x138B0] =	vst v0  }
0x22: {  	[tilespmem:s29+$0x138C0] =	vst v0;
	p0 =	sne.s32 s5, $0x1  }
.Ltmp1:
0x23: {  	[tilespmem:s29+$0x138D0] =	vst v0;
	(pc) =	sbr.rel @!p0 .LBB2_5-.Ltmp1, $4  }
0x24: {  	[tilespmem:s29+$0x138E0] =	vst v0  }
0x25: {  	[spmem:s13] =	stream.linear.scatter [tilespmem:s16], [sflag:$0x3], $0x1400, $0x38;
	[tilespmem:$0x18E00] =	vst v63  }
0x26: {  	_ =	swait.ge [sflag:s17], $0x1400  }
0x27: {  	s15 =	sadd.s32 $0xFFFFFFFF, s5;
	s29 =	smov.u32 s13;
	[sflag:s17] =	ssyncset.done $0x0  }
.LBB2_4:
0x28: {  	p0 =	sne.s32 s15, $0x1;
	[sflag:s17] =	ssyncadd.s32 $0xFFFFEC00;
	s29 =	sadd.s32 $0x14000, s29  }
.Ltmp2:
0x29: {  	s15 =	sadd.s32 $0xFFFFFFFF, s15;
	(pc) =	sbr.rel @p0 .LBB2_4-.Ltmp2, $4  }
0x2a: {  	_ = 	snop  }
0x2b: {  	[spmem:s29] =	stream.linear.scatter [tilespmem:s16], [sflag:$0x3], $0x1400, $0x38;
	[tilespmem:$0x18E00] =	vst v63  }
0x2c: {  	_ =	swait.ge [sflag:s17], $0x1400  }
0x2d: {  	[sflag:s17] =	ssyncset.done $0x0  }
.LBB2_5:
0x2e: {  	[sflag:s17] =	ssyncadd.s32 $0xFFFFEC00  }
0x2f: {  	s15 =	simm.s32 $0x17880;
	[bflag:$0x0] =	sbarrier.arrive $0xFFFF  }
0x30: {  	[tilespmem:s15], [sflag:$0x3] =	stream.linear.gather [hbm4b:s6+s2], $0x1388, $0x38;
	[tilespmem:$0x18E00] =	vst v63  }
0x31: {  	_ =	swait.ge [sflag:s17], $0x1388  }
0x32: {  	[sflag:s17] =	ssyncset.done $0x0  }
0x33: {  	[sflag:s17] =	ssyncadd.s32 $0xFFFFEC78  }
0x34: {  	[tilespmem:s16], [sflag:$0x1] =	stream.linear.gather [hbm4b:s7+s2], $0x2000, $0x38;
	[tilespmem:$0x18E00] =	vst v63  }
0x35: {  	_ =	swait.ge [sflag:s19], $0x2000  }
0x36: {  	s31 =	sadd.s32 $0xFFFED000, s7;
	[sflag:s19] =	ssyncset.done $0x0  }
0x37: {  	s29 =	simm.s32 $0x178C0;
	s30 =	sadd.s32 $0x13400, s31;
	[sflag:s19] =	ssyncadd.s32 $0xFFFFE000  }
0x38: {  	[tilespmem:s20], [sflag:$0x2] =	stream.linear.gather [hbm4b:s30+s2], $0x2000, $0x38;
	[tilespmem:$0x18E00] =	vst v63  }
0x39: {  	v1 =	vld [tilespmem:s29+$0xFFFFFFC0];
	_ =	sdelay $0x4  }
0x3a: {  	[tilespmem:$0x18C80] =	vst v1  }
0x3b: {  	v1 =	vld [tilespmem:s29+$0xFFFFFFD0];
	_ =	sdelay $0x4  }
0x3c: {  	[tilespmem:$0x18C90] =	vst v1  }
0x3d: {  	v1 =	vld [tilespmem:s29+$0xFFFFFFE0];
	_ =	sdelay $0x4  }
0x3e: {  	[tilespmem:$0x18CA0] =	vst v1  }
0x3f: {  	v1 =	vld [tilespmem:s29+$0xFFFFFFF0];
	_ =	sdelay $0x4  }
0x40: {  	[tilespmem:$0x18CB0] =	vst v1  }
0x41: {  	[spmem:s1] =	stream.indirect.scatter.add.f32 [tilespmem:s16], [sflag:$0x3], $0x80, s22, s21, $0xb8;
	[tilespmem:$0x18E00] =	vst v63  }
0x42: {  	_ =	swait.ge [sflag:s17], $0x2000  }
0x43: {  	[sflag:s17] =	ssyncset.done $0x0  }
0x44: {  	[sflag:s17] =	ssyncadd.s32 $0xFFFFE000  }
0x45: {  	_ =	swait.ge [sflag:s23], $0x2000  }
0x46: {  	[sflag:s23] =	ssyncset.done $0x0  }
0x47: {  	s15 =	sadd.s32 $0x13800, s31;
	[sflag:s23] =	ssyncadd.s32 $0xFFFFE000  }
0x48: {  	[tilespmem:s16], [sflag:$0x1] =	stream.linear.gather [hbm4b:s15+s2], $0x2000, $0x38;
	[tilespmem:$0x18E00] =	vst v63  }
0x49: {  	v1 =	vld [tilespmem:s29+$0x0];
	_ =	sdelay $0x4  }
0x4a: {  	[tilespmem:$0x18D00] =	vst v1  }
0x4b: {  	v1 =	vld [tilespmem:s29+$0x10];
	_ =	sdelay $0x4  }
0x4c: {  	[tilespmem:$0x18D10] =	vst v1  }
0x4d: {  	v1 =	vld [tilespmem:s29+$0x20];
	_ =	sdelay $0x4  }
0x4e: {  	[tilespmem:$0x18D20] =	vst v1  }
0x4f: {  	v1 =	vld [tilespmem:s29+$0x30];
	_ =	sdelay $0x4  }
0x50: {  	[tilespmem:$0x18D30] =	vst v1  }
0x51: {  	[spmem:s1] =	stream.indirect.scatter.add.f32 [tilespmem:s20], [sflag:$0x3], $0x80, s24, s21, $0xb8;
	[tilespmem:$0x18E00] =	vst v63  }
0x52: {  	_ =	swait.ge [sflag:s17], $0x2000  }
0x53: {  	s30 =	simm.s32 $0xFFFED800;
	[sflag:s17] =	ssyncset.done $0x0  }
.LBB2_6:
0x54: {  	p0 =	sne.s32 s30, $0xFFFFF800;
	[sflag:s17] =	ssyncadd.s32 $0xFFFFE000;
	s29 =	sadd.s32 $0x80, s29  }
0x55: {  	s15 =	smov.u32 s30;
	s30 =	sadd.s32 $0x800, s30;
	_ =	swait.ge [sflag:s19], $0x2000  }
0x56: {  	s15 =	sadd.s32 s15, s7;
	[sflag:s19] =	ssyncset.done $0x0  }
0x57: {  	s31 =	sadd.s32 $0x13400, s15;
	[sflag:s19] =	ssyncadd.s32 $0xFFFFE000  }
0x58: {  	[tilespmem:s20], [sflag:$0x2] =	stream.linear.gather [hbm4b:s31+s2], $0x2000, $0x38;
	[tilespmem:$0x18E00] =	vst v63  }
0x59: {  	v1 =	vld [tilespmem:s29+$0xFFFFFFC0];
	_ =	sdelay $0x4  }
0x5a: {  	[tilespmem:$0x18C80] =	vst v1  }
0x5b: {  	v1 =	vld [tilespmem:s29+$0xFFFFFFD0];
	_ =	sdelay $0x4  }
0x5c: {  	[tilespmem:$0x18C90] =	vst v1  }
0x5d: {  	v1 =	vld [tilespmem:s29+$0xFFFFFFE0];
	_ =	sdelay $0x4  }
0x5e: {  	[tilespmem:$0x18CA0] =	vst v1  }
0x5f: {  	v1 =	vld [tilespmem:s29+$0xFFFFFFF0];
	_ =	sdelay $0x4  }
0x60: {  	[tilespmem:$0x18CB0] =	vst v1  }
0x61: {  	[spmem:s1] =	stream.indirect.scatter.add.f32 [tilespmem:s16], [sflag:$0x3], $0x80, s22, s21, $0xb8;
	[tilespmem:$0x18E00] =	vst v63  }
0x62: {  	_ =	swait.ge [sflag:s17], $0x2000  }
0x63: {  	[sflag:s17] =	ssyncset.done $0x0  }
0x64: {  	[sflag:s17] =	ssyncadd.s32 $0xFFFFE000  }
0x65: {  	_ =	swait.ge [sflag:s23], $0x2000  }
0x66: {  	[sflag:s23] =	ssyncset.done $0x0  }
0x67: {  	s15 =	sadd.s32 $0x13800, s15;
	[sflag:s23] =	ssyncadd.s32 $0xFFFFE000  }
0x68: {  	[tilespmem:s16], [sflag:$0x1] =	stream.linear.gather [hbm4b:s15+s2], $0x2000, $0x38;
	[tilespmem:$0x18E00] =	vst v63  }
0x69: {  	v1 =	vld [tilespmem:s29+$0x0];
	_ =	sdelay $0x4  }
0x6a: {  	[tilespmem:$0x18D00] =	vst v1  }
0x6b: {  	v1 =	vld [tilespmem:s29+$0x10];
	_ =	sdelay $0x4  }
0x6c: {  	[tilespmem:$0x18D10] =	vst v1  }
0x6d: {  	v1 =	vld [tilespmem:s29+$0x20];
	_ =	sdelay $0x4  }
0x6e: {  	[tilespmem:$0x18D20] =	vst v1  }
0x6f: {  	v1 =	vld [tilespmem:s29+$0x30];
	_ =	sdelay $0x3  }
.Ltmp3:
0x70: {  	(pc) =	sbr.rel @p0 .LBB2_6-.Ltmp3, $4  }
0x71: {  	[tilespmem:$0x18D30] =	vst v1  }
0x72: {  	[spmem:s1] =	stream.indirect.scatter.add.f32 [tilespmem:s20], [sflag:$0x3], $0x80, s24, s21, $0xb8;
	[tilespmem:$0x18E00] =	vst v63  }
0x73: {  	_ =	swait.ge [sflag:s17], $0x2000  }
0x74: {  	[sflag:s17] =	ssyncset.done $0x0  }
0x75: {  	[sflag:s17] =	ssyncadd.s32 $0xFFFFE000  }
0x76: {  	_ =	swait.ge [sflag:s19], $0x2000  }
0x77: {  	[sflag:s19] =	ssyncset.done $0x0  }
0x78: {  	[sflag:s19] =	ssyncadd.s32 $0xFFFFE000  }
0x79: {  	[tilespmem:s20], [sflag:$0x2] =	stream.linear.gather [hbm4b:s12+s2], $0x2000, $0x38;
	[tilespmem:$0x18E00] =	vst v63  }
0x7a: {  	v1 =	vld [tilespmem:$0x18B80]  }
0x7b: {  	v2 =	vld [tilespmem:$0x18B90]  }
0x7c: {  	v3 =	vld [tilespmem:$0x18BA0]  }
0x7d: {  	v4 =	vld [tilespmem:$0x18BB0];
	_ =	sdelay $0x1  }
0x7e: {  	[tilespmem:$0x18C80] =	vst v1  }
0x7f: {  	[tilespmem:$0x18C90] =	vst v2  }
0x80: {  	[tilespmem:$0x18CA0] =	vst v3  }
0x81: {  	[tilespmem:$0x18CB0] =	vst v4  }
0x82: {  	[spmem:s1] =	stream.indirect.scatter.add.f32 [tilespmem:s16], [sflag:$0x3], $0x80, s22, s21, $0xb8;
	[tilespmem:$0x18E00] =	vst v63  }
0x83: {  	_ =	swait.ge [sflag:s17], $0x2000  }
0x84: {  	[sflag:s17] =	ssyncset.done $0x0  }
0x85: {  	[sflag:s17] =	ssyncadd.s32 $0xFFFFE000  }
0x86: {  	_ =	swait.ge [sflag:s23], $0x2000  }
0x87: {  	[sflag:s23] =	ssyncset.done $0x0  }
0x88: {  	[sflag:s23] =	ssyncadd.s32 $0xFFFFE000  }
0x89: {  	v1 =	vld [tilespmem:$0x18BC0]  }
0x8a: {  	v2 =	vld [tilespmem:$0x18BD0]  }
0x8b: {  	v3 =	vld [tilespmem:$0x18BE0]  }
0x8c: {  	v63 =	vld [tilespmem:$0x18BF0];
	_ =	sdelay $0x1  }
0x8d: {  	[tilespmem:$0x18D00] =	vst v1  }
0x8e: {  	[tilespmem:$0x18D10] =	vst v2  }
0x8f: {  	[tilespmem:$0x18D20] =	vst v3  }
0x90: {  	[tilespmem:$0x18D30] =	vst v63  }
0x91: {  	[spmem:s1] =	stream.indirect.scatter.add.f32 [tilespmem:s20], [sflag:$0x3], $0x80, s24, s21, $0xb8;
	[tilespmem:$0x18E00] =	vst v63  }
0x92: {  	_ =	swait.ge [sflag:s17], $0x2000  }
0x93: {  	[sflag:s17] =	ssyncset.done $0x0  }
0x94: {  	[sflag:s17] =	ssyncadd.s32 $0xFFFFE000  }
0x95: {  	[tilespmem:s20], [sflag:$0x3] =	stream.linear.gather [hbm4b:s8+s2], $0x400, $0x38;
	[tilespmem:$0x18E00] =	vst v63  }
0x96: {  	_ =	swait.ge [sflag:s17], $0x400  }
0x97: {  	[sflag:s17] =	ssyncset.done $0x0  }
0x98: {  	[sflag:s17] =	ssyncadd.s32 $0xFFFFFC00  }
0x99: {  	[tilespmem:s25], [sflag:$0x3] =	stream.linear.gather [hbm4b:s9+s2], $0x8, $0x38;
	[tilespmem:$0x18E00] =	vst v63  }
0x9a: {  	_ =	swait.ge [sflag:s17], $0x8  }
0x9b: {  	[sflag:s17] =	ssyncset.done $0x0  }
0x9c: {  	s15 =	simm.s32 $0x8;
	[sflag:s17] =	ssyncadd.s32 $0xFFFFFFF8  }
0x9d: {  	[spmem:s1] =	stream.indirect.scatter.add.f32 [tilespmem:s20], [sflag:$0x3], $0x80, s25, s15, $0xb8;
	[tilespmem:$0x18E00] =	vst v63  }
0x9e: {  	p0 =	sne.s32 s10, $0x1;
	_ =	swait.ge [sflag:s17], $0x400  }
.Ltmp4:
0x9f: {  	s26 =	sshll.u32 s3, $0x6;
	[sflag:s17] =	ssyncset.done $0x0;
	(pc) =	sbr.rel @!p0 .LBB2_9-.Ltmp4, $4  }
0xa0: {  	s29 =	sshrl.u32 s14, $0x3;
	s30 =	sshrl.u32 s0, $0x3;
	[sflag:s17] =	ssyncadd.s32 $0xFFFFFC00  }
0xa1: {  	s31 =	sadd.s32 s4, s29;
	s29 =	sor.u32 $0x1C03, s26;
	[bflag:$0x0] =	sbarrier.arrive $0xFFFF  }
0xa2: {  	[hbm:s31], [sflag:s29] =	dma.local [spmem:s30], $0xC80  }
0xa3: {  	s15 =	smov.u32 s0;
	s30 =	sadd.s32 $0xFFFFFFFF, s10;
	s31 =	sadd.s32 $0x64000, s14  }
.LBB2_8:
0xa4: {  	_ =	swait.ge [sflag:s17], $0xC80  }
0xa5: {  	s15 =	sadd.s32 $0x64000, s15;
	s18 =	sshrl.u32 s31, $0x3;
	p0 =	sne.s32 s30, $0x1  }
.Ltmp5:
0xa6: {  	s26 =	sshrl.u32 s15, $0x3;
	[sflag:s17] =	ssyncset.done $0x0;
	(pc) =	sbr.rel @p0 .LBB2_8-.Ltmp5, $4  }
0xa7: {  	s18 =	sadd.s32 s4, s18;
	[sflag:s17] =	ssyncadd.s32 $0xFFFFF380  }
0xa8: {  	[hbm:s18], [sflag:s29] =	dma.local [spmem:s26], $0xC80  }
0xa9: {  	s30 =	sadd.s32 $0xFFFFFFFF, s30  }
0xaa: {  	s31 =	sadd.s32 $0x64000, s31  }
.LBB2_9:
0xab: {  	s28 =	sadd.s32 $0x1, s28  }
0xac: {  	p0 =	sne.s32 s28, s11  }
.Ltmp6:
0xad: {  	_ = 	snop;
	(pc) =	sbr.rel @p0 .LBB2_1-.Ltmp6, $4  }
0xae: {  	_ = 	snop  }
0xaf: {  	_ =	swait.ge [sflag:s17], $0xC80  }
0xb0: {  	[sflag:s17] =	ssyncset.done $0x0  }
0xb1: {  	[sflag:s17] =	ssyncadd.s32 $0xFFFFF380  }
0xb2: {  	_ =	sfence.sel $0x180000  }
0xb3: {  	[bflag:$0x0] =	sbarrier.arrive $0xFFFF  }
0xb4: {  	_ =	strace $0x90000050  }
0xb5: {  	[bflag:$0x2] =	sbarrier.arrive $0xFFFF  }
0xb6: {  	p0 =	sne.s32 s3, $0x0;
	s0 =	rddreg [dreg:$0x2]  }
0xb7: {  	s0 =	sadd.s32 @!p0 $0x100000, s0  }
0xb8: {  	[sflag:s0] =	ssyncadd.tile.s32 @!p0 $0x1;
	_ =	shalt  }
.Lfunc_end2:
_tile_overlayer_lowered:
.L_overlay_start_2:
0xb9: {  	(tag) =	ssettag $0x2  }
0xba: {  	s0 =	rddreg [dreg:$0x0];
	s2 =	stileid.u32  }
0xbb: {  	s1 =	rddreg [dreg:$0x1];
	p0 =	sne.s32 s2, $0x0  }
0xbc: {  	s3 =	rddreg [dreg:$0x2];
	[bflag:$0x3] =	sbarrier.arrive $0xFFFF;
	s2 =	simm.s32 @!p0 $0x1C03  }
0xbd: {  	[timem:s3], [sflag:s2] =	dma.local @!p0 [hbm:s0], s1  }
0xbe: {  	s0 =	simm.s32 @!p0 $0x3  }
0xbf: {  	_ =	swait.ge @!p0 [sflag:s0], s1  }
0xc0: {  	s1 =	ssub.s32 @!p0 $0x0, s1;
	[sflag:s0] =	ssyncset.done @!p0 $0x0  }
0xc1: {  	[sflag:s0] =	ssyncadd.s32 @!p0 s1  }
0xc2: {  	[bflag:$0x3] =	sbarrier.arrive $0xFFFF  }
0xc3: {  	_ =	shalt  }

</sc_bundles>
